<compile_context>
chip_gen: v7x
topology: tpu7x:2x2x1
jax: 0.10.2.dev20260603
libtpu: 0.0.44.dev20260713+nightly
codegen_flags: <defaults>
</compile_context>

<pallas_src>
import functools

import jax
import jax.numpy as jnp
from jax import lax
from jax.experimental import pallas as pl
from jax.experimental.pallas import tpu as pltpu
from jax.experimental.pallas import tpu_sc as plsc

_NSC = 2
_NSUB = 16
_L = 16
_BIG = 3e38


def _d2_size(shape):
    n = 1
    for v in shape:
        n *= v
    return n


def _make_sc_chamfer(NB, N, M):
    NW = _NSC * _NSUB
    WPB = NW // NB
    QW = N // WPB
    NB_SC = max(1, NB // _NSC)
    RPB = _NSUB // NB_SC
    CS = M // _NSUB
    d2_final = NB >= _NSC
    d2_shape = (NB, M) if d2_final else (_NSC, NB, M)

    mesh = plsc.VectorSubcoreMesh(core_axis_name="c", subcore_axis_name="s")

    @functools.partial(
        pl.kernel, mesh=mesh,
        compiler_params=pltpu.CompilerParams(needs_layout_passes=False),
        out_type=[
            jax.ShapeDtypeStruct((NB * N,), jnp.float32),
            jax.ShapeDtypeStruct((int(jnp.prod(jnp.array(d2_shape))),)
                                 if False else (_d2_size(d2_shape),),
                                 jnp.float32),
        ],
        scratch_types=[
            pltpu.VMEM((QW,), jnp.float32),
            pltpu.VMEM((QW,), jnp.float32),
            pltpu.VMEM((QW,), jnp.float32),
            pltpu.VMEM((M,), jnp.float32),
            pltpu.VMEM((M,), jnp.float32),
            pltpu.VMEM((M,), jnp.float32),
            pltpu.VMEM((QW,), jnp.float32),
            pltpu.VMEM((M,), jnp.float32),
            pltpu.VMEM((16 * 16,), jnp.float32),
            pltpu.VMEM((RPB * CS,), jnp.float32),
            pltpu.VMEM((CS,), jnp.float32),
            pltpu.VMEM_SHARED((_NSUB * M,), jnp.float32),
        ],
    )
    def sc_kernel(x1_hbm, x2_hbm, d1_hbm, d2_hbm,
                  qx, qy, qz, kx, ky, kz, d1v, d2v, accf, cmb, cres, shared):
        c = lax.axis_index("c")
        s = lax.axis_index("s")
        myw = c * _NSUB + s
        batch = myw // WPB
        q0 = (myw % WPB) * QW

        xb1 = batch * (3 * N)
        xb2 = batch * (3 * M)
        pltpu.sync_copy(x1_hbm.at[pl.ds(xb1 + q0, QW)], qx)
        pltpu.sync_copy(x1_hbm.at[pl.ds(xb1 + N + q0, QW)], qy)
        pltpu.sync_copy(x1_hbm.at[pl.ds(xb1 + 2 * N + q0, QW)], qz)
        pltpu.sync_copy(x2_hbm.at[pl.ds(xb2, M)], kx)
        pltpu.sync_copy(x2_hbm.at[pl.ds(xb2 + M, M)], ky)
        pltpu.sync_copy(x2_hbm.at[pl.ds(xb2 + 2 * M, M)], kz)

        def init_body(i, _):
            d2v[pl.ds(i * _L, _L)] = jnp.full((_L,), _BIG, jnp.float32)
            return 0
        lax.fori_loop(0, M // _L, init_body, 0)

        col_iota = lax.iota(jnp.int32, _L)

        def group_body(g, _):
            qbase = g * _L
            qbx = [plsc.load_gather(qx, [jnp.full((_L,), qbase + j, jnp.int32)])
                   for j in range(_L)]
            qby = [plsc.load_gather(qy, [jnp.full((_L,), qbase + j, jnp.int32)])
                   for j in range(_L)]
            qbz = [plsc.load_gather(qz, [jnp.full((_L,), qbase + j, jnp.int32)])
                   for j in range(_L)]

            acc0 = tuple(jnp.full((_L,), _BIG, jnp.float32)
                         for _ in range(_L))

            @plsc.parallel_loop(0, M // _L, carry=acc0, unroll=2)
            def accs(kv, accs):
                accs = list(accs)
                off = kv * _L
                kxv = kx[pl.ds(off, _L)]
                kyv = ky[pl.ds(off, _L)]
                kzv = kz[pl.ds(off, _L)]
                ds = []
                for j in range(_L):
                    dx = qbx[j] - kxv
                    dy = qby[j] - kyv
                    dz = qbz[j] - kzv
                    d = dx * dx + dy * dy + dz * dz
                    accs[j] = jnp.minimum(accs[j], d)
                    ds.append(d)
                while len(ds) > 1:
                    ds = [jnp.minimum(ds[2 * i], ds[2 * i + 1])
                          for i in range(len(ds) // 2)]
                d2v[pl.ds(off, _L)] = jnp.minimum(d2v[pl.ds(off, _L)], ds[0])
                return tuple(accs)

            for j in range(_L):
                accf[pl.ds(j * _L, _L)] = accs[j]
            r = plsc.load_gather(accf, [col_iota * _L])
            for k in range(1, _L):
                r = jnp.minimum(
                    r, plsc.load_gather(accf, [col_iota * _L + k]))
            d1v[pl.ds(qbase, _L)] = r
            return 0

        lax.fori_loop(0, QW // _L, group_body, 0)

        pltpu.sync_copy(d1v, d1_hbm.at[pl.ds(batch * N + q0, QW)])

        pltpu.sync_copy(d2v, shared.at[pl.ds(s * M, M)])
        plsc.subcore_barrier()

        for lb in range(NB_SC):
            for r in range(RPB):
                pltpu.sync_copy(
                    shared.at[pl.ds((lb * RPB + r) * M + s * CS, CS)],
                    cmb.at[pl.ds(r * CS, CS)])

            def cmb_body(i, _):
                acc = cmb[pl.ds(i * _L, _L)]
                for r in range(1, RPB):
                    acc = jnp.minimum(acc, cmb[pl.ds(r * CS + i * _L, _L)])
                cres[pl.ds(i * _L, _L)] = acc
                return 0
            lax.fori_loop(0, CS // _L, cmb_body, 0)

            if d2_final:
                ob = c * NB_SC + lb
                pltpu.sync_copy(cres, d2_hbm.at[pl.ds(ob * M + s * CS, CS)])
            else:
                pltpu.sync_copy(
                    cres, d2_hbm.at[pl.ds((c * NB + lb) * M + s * CS, CS)])

    return sc_kernel


def sc_chamfer(x1t, x2t):
    NB, _, N = x1t.shape
    M = x2t.shape[2]
    k = _make_sc_chamfer(NB, N, M)
    d1, d2 = k(x1t.reshape(-1), x2t.reshape(-1))
    d1 = d1.reshape(NB, N)
    if NB < _NSC:
        d2 = jnp.min(d2.reshape(_NSC, NB, M), axis=0)
    else:
        d2 = d2.reshape(NB, M)
    return d1, d2


_TN = 2048


def _chamfer_tc_kernel(x1_ref, x2t_ref, d1_ref, d2_ref):
    ni = pl.program_id(1)
    x1 = x1_ref[0]
    x2t = x2t_ref[0]
    dx = x1[:, 0:1] - x2t[0:1, :]
    dy = x1[:, 1:2] - x2t[1:2, :]
    dz = x1[:, 2:3] - x2t[2:3, :]
    d = dx * dx + dy * dy + dz * dz
    d1_ref[0] = jnp.min(d, axis=1, keepdims=True)
    m2 = jnp.min(d, axis=0, keepdims=True)

    @pl.when(ni == 0)
    def _init():
        d2_ref[0] = m2

    @pl.when(ni != 0)
    def _acc():
        d2_ref[0] = jnp.minimum(d2_ref[0], m2)


def tc_chamfer(xyz1, xyz2):
    B, N, _ = xyz1.shape
    M = xyz2.shape[1]
    x1p = jnp.pad(xyz1, ((0, 0), (0, 0), (0, 5)))
    x2t = jnp.transpose(xyz2, (0, 2, 1))
    nt = N // _TN
    d1, d2 = pl.pallas_call(
        _chamfer_tc_kernel,
        grid=(B, nt),
        in_specs=[
            pl.BlockSpec((1, _TN, 8), lambda b, i: (b, i, 0)),
            pl.BlockSpec((1, 3, M), lambda b, i: (b, 0, 0)),
        ],
        out_specs=[
            pl.BlockSpec((1, _TN, 1), lambda b, i: (b, i, 0)),
            pl.BlockSpec((1, 1, M), lambda b, i: (b, 0, 0)),
        ],
        out_shape=[
            jax.ShapeDtypeStruct((B, N, 1), jnp.float32),
            jax.ShapeDtypeStruct((B, 1, M), jnp.float32),
        ],
    )(x1p, x2t)
    return (d1.reshape(B, N), d2.reshape(B, M))


_SCB = 1


@jax.jit
def kernel(input1, input2):
    xyz1 = input1 if input1.shape[2] == 3 else jnp.transpose(input1, (0, 2, 1))
    xyz2 = input2 if input2.shape[2] == 3 else jnp.transpose(input2, (0, 2, 1))
    B = xyz1.shape[0]
    ntc = B - _SCB
    x1t = jnp.transpose(xyz1[ntc:], (0, 2, 1))
    x2t = jnp.transpose(xyz2[ntc:], (0, 2, 1))
    d1_sc, d2_sc = sc_chamfer(x1t, x2t)
    d1_tc, d2_tc = tc_chamfer(xyz1[:ntc], xyz2[:ntc])
    d1 = jnp.concatenate([d1_tc, d1_sc], axis=0)
    d2 = jnp.concatenate([d2_tc, d2_sc], axis=0)
    return (d1, d2)

# --- scband reference (transcript-rebuilt; emitter-appended) ---
"""Pipeline reference for scband-nndmodule-42417097016834 (READ-ONLY COPY).

The authoritative reference and input builder live on the scoring server;
editing this copy changes nothing except your own understanding.
"""

import jax, jax.numpy as jnp
import numpy as np


def setup_inputs(seed: int = 0) -> dict:
    key = jax.random.key(seed)
    k1, k2 = jax.random.split(key)
    input1 = jax.random.normal(k1, (4, 4096, 3), dtype=jnp.float32)
    input2 = jax.random.normal(k2, (4, 4096, 3), dtype=jnp.float32)
    return {"input1": input1, "input2": input2}


def reference(input1, input2):
    # NNDModule.forward -> nndistance(xyz1, xyz2)
    # Inputs are [B, N, 3] / [B, M, 3]; if last dim != 3 the original transposes.
    xyz1 = input1 if input1.shape[2] == 3 else jnp.transpose(input1, (0, 2, 1))
    xyz2 = input2 if input2.shape[2] == 3 else jnp.transpose(input2, (0, 2, 1))
    # Pairwise squared euclidean distances: [B, N, M]
    d = jnp.sum((xyz1[:, :, None, :] - xyz2[:, None, :, :]) ** 2, axis=-1)
    # dist1[b, n] = min over m of ||xyz1[b,n] - xyz2[b,m]||^2 (squared NN distance)
    dist1 = jnp.min(d, axis=2)
    # dist2[b, m] = min over n
    dist2 = jnp.min(d, axis=1)
    return (dist1, dist2)

if __name__ == "__main__":
    import jax
    _d = setup_inputs()
    print(jax.jit(kernel)(*tuple(_d.values())))

</pallas_src>

<mosaic_0001>
#map = affine_map<(d0, d1) -> (0)>
module attributes {stable_mosaic.version = 14 : i64} {
  func.func @sc_kernel(%arg0: i32, %arg1: i32, %arg2: memref<12288xf32, #tpu.memory_space<hbm>>, %arg3: memref<12288xf32, #tpu.memory_space<hbm>>, %arg4: memref<4096xf32, #tpu.memory_space<hbm>>, %arg5: memref<8192xf32, #tpu.memory_space<hbm>>, %arg6: memref<128xf32, #tpu.memory_space<vmem>>, %arg7: memref<128xf32, #tpu.memory_space<vmem>>, %arg8: memref<128xf32, #tpu.memory_space<vmem>>, %arg9: memref<4096xf32, #tpu.memory_space<vmem>>, %arg10: memref<4096xf32, #tpu.memory_space<vmem>>, %arg11: memref<4096xf32, #tpu.memory_space<vmem>>, %arg12: memref<128xf32, #tpu.memory_space<vmem>>, %arg13: memref<4096xf32, #tpu.memory_space<vmem>>, %arg14: memref<256xf32, #tpu.memory_space<vmem>>, %arg15: memref<4096xf32, #tpu.memory_space<vmem>>, %arg16: memref<256xf32, #tpu.memory_space<vmem>>, %arg17: memref<65536xf32, #tpu.memory_space<vmem_shared>>) attributes {dimension_semantics = [#tpu.dimension_semantics<core_parallel>, #tpu.dimension_semantics<subcore_parallel>], iteration_bounds = array<i64: 2, 16>, scalar_prefetch = 0 : i64, scratch_operands = 12 : i64, tpu.core_type = #tpu.core_type<sc_vector_subcore>, window_params = [{transform_indices = #map}, {transform_indices = #map}, {transform_indices = #map}, {transform_indices = #map}]} {
    %mul3A = arith.constant 16 : i32
    %mul3A_0 = arith.muli %arg0, %mul3A : i32
    %add3A = arith.addi %mul3A_0, %arg1 : i32
    %jit3A = arith.constant 32 : i32
    %div3A = arith.divsi %add3A, %jit3A : i32
    %sign3A = arith.constant 0 : i32
    %sign3A_1 = arith.cmpi sgt, %add3A, %sign3A : i32
    %sign3A_2 = arith.extui %sign3A_1 : i1 to i32
    %sign3A_3 = arith.constant 0 : i32
    %sign3A_4 = arith.cmpi slt, %add3A, %sign3A_3 : i32
    %sign3A_5 = arith.extui %sign3A_4 : i1 to i32
    %sign3A_6 = arith.subi %sign3A_2, %sign3A_5 : i32
    %sign3A_7 = arith.constant 0 : i32
    %sign3A_8 = arith.cmpi sgt, %jit3A, %sign3A_7 : i32
    %sign3A_9 = arith.extui %sign3A_8 : i1 to i32
    %sign3A_10 = arith.constant 0 : i32
    %sign3A_11 = arith.cmpi slt, %jit3A, %sign3A_10 : i32
    %sign3A_12 = arith.extui %sign3A_11 : i1 to i32
    %sign3A_13 = arith.subi %sign3A_9, %sign3A_12 : i32
    %ne3A = arith.cmpi ne, %sign3A_6, %sign3A_13 : i32
    %rem3A = arith.remsi %add3A, %jit3A : i32
    %ne3A_14 = arith.constant 0 : i32
    %ne3A_15 = arith.cmpi ne, %rem3A, %ne3A_14 : i32
    %and3A = arith.andi %ne3A, %ne3A_15 : i1
    %sub3A = arith.constant 1 : i32
    %sub3A_16 = arith.subi %div3A, %sub3A : i32
    %select_n3A = arith.select %and3A, %sub3A_16, %div3A : i32
    %jit3A_17 = arith.constant 32 : i32
    %eq3A = arith.constant 0 : i32
    %eq3A_18 = arith.cmpi eq, %jit3A_17, %eq3A : i32
    %jit3A_19 = arith.constant 1 : i32
    %select_n3A_20 = arith.select %eq3A_18, %jit3A_19, %jit3A_17 : i32
    %rem3A_21 = arith.remsi %add3A, %select_n3A_20 : i32
    %ne3A_22 = arith.constant 0 : i32
    %ne3A_23 = arith.cmpi ne, %rem3A_21, %ne3A_22 : i32
    %lt3A = arith.constant 0 : i32
    %lt3A_24 = arith.cmpi slt, %rem3A_21, %lt3A : i32
    %lt3A_25 = arith.constant 0 : i32
    %lt3A_26 = arith.cmpi slt, %select_n3A_20, %lt3A_25 : i32
    %ne3A_27 = arith.xori %lt3A_24, %lt3A_26 : i1
    %and3A_28 = arith.andi %ne3A_27, %ne3A_23 : i1
    %add3A_29 = arith.addi %rem3A_21, %select_n3A_20 : i32
    %select_n3A_30 = arith.select %and3A_28, %add3A_29, %rem3A_21 : i32
    %mul3A_31 = arith.constant 128 : i32
    %mul3A_32 = arith.muli %select_n3A_30, %mul3A_31 : i32
    %mul3A_33 = arith.constant 12288 : i32
    %mul3A_34 = arith.muli %select_n3A, %mul3A_33 : i32
    %mul3A_35 = arith.constant 12288 : i32
    %mul3A_36 = arith.muli %select_n3A, %mul3A_35 : i32
    %add3A_37 = arith.addi %mul3A_34, %mul3A_32 : i32
    "tpu.region"() ({
      %run_scoped3A = tpu.sem_alloc : memref<!tpu.dma_semaphore, #tpu.memory_space<semaphore_mem>>
      %dma_start3A = tpu.memref_slice %arg2[%add3A_37] : memref<12288xf32, #tpu.memory_space<hbm>> -> memref<128xf32, #tpu.memory_space<hbm>>
      %dma_start3A_146 = tpu.memref_slice %arg2[%add3A_37] : memref<12288xf32, #tpu.memory_space<hbm>> -> memref<128xf32, #tpu.memory_space<hbm>>
      tpu.enqueue_dma source(%dma_start3A_146 : memref<128xf32, #tpu.memory_space<hbm>>) target(%arg6 : memref<128xf32, #tpu.memory_space<vmem>>) target_semaphore(%run_scoped3A : memref<!tpu.dma_semaphore, #tpu.memory_space<semaphore_mem>>)
      %dma_wait3A = tpu.memref_slice %arg2[%add3A_37] : memref<12288xf32, #tpu.memory_space<hbm>> -> memref<128xf32, #tpu.memory_space<hbm>>
      %dma_wait3A_147 = tpu.memref_slice %arg2[%add3A_37] : memref<12288xf32, #tpu.memory_space<hbm>> -> memref<128xf32, #tpu.memory_space<hbm>>
      tpu.wait_dma2 semaphore(%run_scoped3A : memref<!tpu.dma_semaphore, #tpu.memory_space<semaphore_mem>>) src(%dma_wait3A_147 : memref<128xf32, #tpu.memory_space<hbm>>) dst(%arg6 : memref<128xf32, #tpu.memory_space<vmem>>)
      tpu.yield
    }) : () -> ()
    %add3A_38 = arith.constant 4096 : i32
    %add3A_39 = arith.addi %mul3A_34, %add3A_38 : i32
    %add3A_40 = arith.addi %add3A_39, %mul3A_32 : i32
    "tpu.region"() ({
      %run_scoped3A = tpu.sem_alloc : memref<!tpu.dma_semaphore, #tpu.memory_space<semaphore_mem>>
      %dma_start3A = tpu.memref_slice %arg2[%add3A_40] : memref<12288xf32, #tpu.memory_space<hbm>> -> memref<128xf32, #tpu.memory_space<hbm>>
      %dma_start3A_146 = tpu.memref_slice %arg2[%add3A_40] : memref<12288xf32, #tpu.memory_space<hbm>> -> memref<128xf32, #tpu.memory_space<hbm>>
      tpu.enqueue_dma source(%dma_start3A_146 : memref<128xf32, #tpu.memory_space<hbm>>) target(%arg7 : memref<128xf32, #tpu.memory_space<vmem>>) target_semaphore(%run_scoped3A : memref<!tpu.dma_semaphore, #tpu.memory_space<semaphore_mem>>)
      %dma_wait3A = tpu.memref_slice %arg2[%add3A_40] : memref<12288xf32, #tpu.memory_space<hbm>> -> memref<128xf32, #tpu.memory_space<hbm>>
      %dma_wait3A_147 = tpu.memref_slice %arg2[%add3A_40] : memref<12288xf32, #tpu.memory_space<hbm>> -> memref<128xf32, #tpu.memory_space<hbm>>
      tpu.wait_dma2 semaphore(%run_scoped3A : memref<!tpu.dma_semaphore, #tpu.memory_space<semaphore_mem>>) src(%dma_wait3A_147 : memref<128xf32, #tpu.memory_space<hbm>>) dst(%arg7 : memref<128xf32, #tpu.memory_space<vmem>>)
      tpu.yield
    }) : () -> ()
    %add3A_41 = arith.constant 8192 : i32
    %add3A_42 = arith.addi %mul3A_34, %add3A_41 : i32
    %add3A_43 = arith.addi %add3A_42, %mul3A_32 : i32
    "tpu.region"() ({
      %run_scoped3A = tpu.sem_alloc : memref<!tpu.dma_semaphore, #tpu.memory_space<semaphore_mem>>
      %dma_start3A = tpu.memref_slice %arg2[%add3A_43] : memref<12288xf32, #tpu.memory_space<hbm>> -> memref<128xf32, #tpu.memory_space<hbm>>
      %dma_start3A_146 = tpu.memref_slice %arg2[%add3A_43] : memref<12288xf32, #tpu.memory_space<hbm>> -> memref<128xf32, #tpu.memory_space<hbm>>
      tpu.enqueue_dma source(%dma_start3A_146 : memref<128xf32, #tpu.memory_space<hbm>>) target(%arg8 : memref<128xf32, #tpu.memory_space<vmem>>) target_semaphore(%run_scoped3A : memref<!tpu.dma_semaphore, #tpu.memory_space<semaphore_mem>>)
      %dma_wait3A = tpu.memref_slice %arg2[%add3A_43] : memref<12288xf32, #tpu.memory_space<hbm>> -> memref<128xf32, #tpu.memory_space<hbm>>
      %dma_wait3A_147 = tpu.memref_slice %arg2[%add3A_43] : memref<12288xf32, #tpu.memory_space<hbm>> -> memref<128xf32, #tpu.memory_space<hbm>>
      tpu.wait_dma2 semaphore(%run_scoped3A : memref<!tpu.dma_semaphore, #tpu.memory_space<semaphore_mem>>) src(%dma_wait3A_147 : memref<128xf32, #tpu.memory_space<hbm>>) dst(%arg8 : memref<128xf32, #tpu.memory_space<vmem>>)
      tpu.yield
    }) : () -> ()
    "tpu.region"() ({
      %run_scoped3A = tpu.sem_alloc : memref<!tpu.dma_semaphore, #tpu.memory_space<semaphore_mem>>
      %dma_start3A = tpu.memref_slice %arg3[%mul3A_36] : memref<12288xf32, #tpu.memory_space<hbm>> -> memref<4096xf32, #tpu.memory_space<hbm>>
      %dma_start3A_146 = tpu.memref_slice %arg3[%mul3A_36] : memref<12288xf32, #tpu.memory_space<hbm>> -> memref<4096xf32, #tpu.memory_space<hbm>>
      tpu.enqueue_dma source(%dma_start3A_146 : memref<4096xf32, #tpu.memory_space<hbm>>) target(%arg9 : memref<4096xf32, #tpu.memory_space<vmem>>) target_semaphore(%run_scoped3A : memref<!tpu.dma_semaphore, #tpu.memory_space<semaphore_mem>>)
      %dma_wait3A = tpu.memref_slice %arg3[%mul3A_36] : memref<12288xf32, #tpu.memory_space<hbm>> -> memref<4096xf32, #tpu.memory_space<hbm>>
      %dma_wait3A_147 = tpu.memref_slice %arg3[%mul3A_36] : memref<12288xf32, #tpu.memory_space<hbm>> -> memref<4096xf32, #tpu.memory_space<hbm>>
      tpu.wait_dma2 semaphore(%run_scoped3A : memref<!tpu.dma_semaphore, #tpu.memory_space<semaphore_mem>>) src(%dma_wait3A_147 : memref<4096xf32, #tpu.memory_space<hbm>>) dst(%arg9 : memref<4096xf32, #tpu.memory_space<vmem>>)
      tpu.yield
    }) : () -> ()
    %add3A_44 = arith.constant 4096 : i32
    %add3A_45 = arith.addi %mul3A_36, %add3A_44 : i32
    "tpu.region"() ({
      %run_scoped3A = tpu.sem_alloc : memref<!tpu.dma_semaphore, #tpu.memory_space<semaphore_mem>>
      %dma_start3A = tpu.memref_slice %arg3[%add3A_45] : memref<12288xf32, #tpu.memory_space<hbm>> -> memref<4096xf32, #tpu.memory_space<hbm>>
      %dma_start3A_146 = tpu.memref_slice %arg3[%add3A_45] : memref<12288xf32, #tpu.memory_space<hbm>> -> memref<4096xf32, #tpu.memory_space<hbm>>
      tpu.enqueue_dma source(%dma_start3A_146 : memref<4096xf32, #tpu.memory_space<hbm>>) target(%arg10 : memref<4096xf32, #tpu.memory_space<vmem>>) target_semaphore(%run_scoped3A : memref<!tpu.dma_semaphore, #tpu.memory_space<semaphore_mem>>)
      %dma_wait3A = tpu.memref_slice %arg3[%add3A_45] : memref<12288xf32, #tpu.memory_space<hbm>> -> memref<4096xf32, #tpu.memory_space<hbm>>
      %dma_wait3A_147 = tpu.memref_slice %arg3[%add3A_45] : memref<12288xf32, #tpu.memory_space<hbm>> -> memref<4096xf32, #tpu.memory_space<hbm>>
      tpu.wait_dma2 semaphore(%run_scoped3A : memref<!tpu.dma_semaphore, #tpu.memory_space<semaphore_mem>>) src(%dma_wait3A_147 : memref<4096xf32, #tpu.memory_space<hbm>>) dst(%arg10 : memref<4096xf32, #tpu.memory_space<vmem>>)
      tpu.yield
    }) : () -> ()
    %add3A_46 = arith.constant 8192 : i32
    %add3A_47 = arith.addi %mul3A_36, %add3A_46 : i32
    "tpu.region"() ({
      %run_scoped3A = tpu.sem_alloc : memref<!tpu.dma_semaphore, #tpu.memory_space<semaphore_mem>>
      %dma_start3A = tpu.memref_slice %arg3[%add3A_47] : memref<12288xf32, #tpu.memory_space<hbm>> -> memref<4096xf32, #tpu.memory_space<hbm>>
      %dma_start3A_146 = tpu.memref_slice %arg3[%add3A_47] : memref<12288xf32, #tpu.memory_space<hbm>> -> memref<4096xf32, #tpu.memory_space<hbm>>
      tpu.enqueue_dma source(%dma_start3A_146 : memref<4096xf32, #tpu.memory_space<hbm>>) target(%arg11 : memref<4096xf32, #tpu.memory_space<vmem>>) target_semaphore(%run_scoped3A : memref<!tpu.dma_semaphore, #tpu.memory_space<semaphore_mem>>)
      %dma_wait3A = tpu.memref_slice %arg3[%add3A_47] : memref<12288xf32, #tpu.memory_space<hbm>> -> memref<4096xf32, #tpu.memory_space<hbm>>
      %dma_wait3A_147 = tpu.memref_slice %arg3[%add3A_47] : memref<12288xf32, #tpu.memory_space<hbm>> -> memref<4096xf32, #tpu.memory_space<hbm>>
      tpu.wait_dma2 semaphore(%run_scoped3A : memref<!tpu.dma_semaphore, #tpu.memory_space<semaphore_mem>>) src(%dma_wait3A_147 : memref<4096xf32, #tpu.memory_space<hbm>>) dst(%arg11 : memref<4096xf32, #tpu.memory_space<vmem>>)
      tpu.yield
    }) : () -> ()
    %scan3A = arith.constant 0 : i32
    %scan3A_48 = arith.constant 0 : i32
    %scan3A_49 = arith.constant 256 : i32
    %scan3A_50 = arith.addi %scan3A_48, %scan3A_49 : i32
    %scan3A_51 = arith.constant 1 : i32
    %scan3A_52 = scf.for %scan3A_146 = %scan3A_48 to %scan3A_50 step %scan3A_51 iter_args(%scan3A_147 = %scan3A) -> (i32)  : i32 {
      %broadcast_in_dim3A = arith.constant 3.000000e+38 : f32
      %broadcast_in_dim3A_148 = vector.broadcast %broadcast_in_dim3A : f32 to vector<16xf32>
      %mul3A_149 = arith.constant 16 : i32
      %mul3A_150 = arith.muli %scan3A_146, %mul3A_149 : i32
      %swap3A = arith.index_cast %mul3A_150 : i32 to index
      %swap3A_151 = tpu.vector_load %arg13[%swap3A] {strides = array<i32>} : memref<4096xf32, #tpu.memory_space<vmem>>, vector<16xf32>,
      tpu.vector_store %arg13[%swap3A], %broadcast_in_dim3A_148 {strides = array<i32>} : memref<4096xf32, #tpu.memory_space<vmem>>, vector<16xf32>,
      %scan3A_152 = arith.constant 0 : i32
      scf.yield %scan3A_152 : i32
    }
    %scan3A_53 = arith.constant 256 : i32
    %iota3A = tpu.iota {dimensions = array<i32: 0>} : vector<16xi32>
    %scan3A_54 = arith.constant 0 : i32
    %scan3A_55 = arith.constant 0 : i32
    %scan3A_56 = arith.constant 8 : i32
    %scan3A_57 = arith.addi %scan3A_55, %scan3A_56 : i32
    %scan3A_58 = arith.constant 1 : i32
    %scan3A_59 = scf.for %scan3A_146 = %scan3A_55 to %scan3A_57 step %scan3A_58 iter_args(%scan3A_147 = %scan3A_54) -> (i32)  : i32 {
      %mul3A_148 = arith.constant 16 : i32
      %mul3A_149 = arith.muli %scan3A_146, %mul3A_148 : i32
      %add3A_150 = arith.constant 0 : i32
      %add3A_151 = arith.addi %mul3A_149, %add3A_150 : i32
      %broadcast_in_dim3A = vector.broadcast %add3A_151 : i32 to vector<16xi32>
      %gather3A = tpu.vector_load_idx %arg6[%broadcast_in_dim3A] : memref<128xf32, #tpu.memory_space<vmem>>[vector<16xi32>], vector<16xf32>,
      %add3A_152 = arith.constant 1 : i32
      %add3A_153 = arith.addi %mul3A_149, %add3A_152 : i32
      %broadcast_in_dim3A_154 = vector.broadcast %add3A_153 : i32 to vector<16xi32>
      %gather3A_155 = tpu.vector_load_idx %arg6[%broadcast_in_dim3A_154] : memref<128xf32, #tpu.memory_space<vmem>>[vector<16xi32>], vector<16xf32>,
      %add3A_156 = arith.constant 2 : i32
      %add3A_157 = arith.addi %mul3A_149, %add3A_156 : i32
      %broadcast_in_dim3A_158 = vector.broadcast %add3A_157 : i32 to vector<16xi32>
      %gather3A_159 = tpu.vector_load_idx %arg6[%broadcast_in_dim3A_158] : memref<128xf32, #tpu.memory_space<vmem>>[vector<16xi32>], vector<16xf32>,
      %add3A_160 = arith.constant 3 : i32
      %add3A_161 = arith.addi %mul3A_149, %add3A_160 : i32
      %broadcast_in_dim3A_162 = vector.broadcast %add3A_161 : i32 to vector<16xi32>
      %gather3A_163 = tpu.vector_load_idx %arg6[%broadcast_in_dim3A_162] : memref<128xf32, #tpu.memory_space<vmem>>[vector<16xi32>], vector<16xf32>,
      %add3A_164 = arith.constant 4 : i32
      %add3A_165 = arith.addi %mul3A_149, %add3A_164 : i32
      %broadcast_in_dim3A_166 = vector.broadcast %add3A_165 : i32 to vector<16xi32>
      %gather3A_167 = tpu.vector_load_idx %arg6[%broadcast_in_dim3A_166] : memref<128xf32, #tpu.memory_space<vmem>>[vector<16xi32>], vector<16xf32>,
      %add3A_168 = arith.constant 5 : i32
      %add3A_169 = arith.addi %mul3A_149, %add3A_168 : i32
      %broadcast_in_dim3A_170 = vector.broadcast %add3A_169 : i32 to vector<16xi32>
      %gather3A_171 = tpu.vector_load_idx %arg6[%broadcast_in_dim3A_170] : memref<128xf32, #tpu.memory_space<vmem>>[vector<16xi32>], vector<16xf32>,
      %add3A_172 = arith.constant 6 : i32
      %add3A_173 = arith.addi %mul3A_149, %add3A_172 : i32
      %broadcast_in_dim3A_174 = vector.broadcast %add3A_173 : i32 to vector<16xi32>
      %gather3A_175 = tpu.vector_load_idx %arg6[%broadcast_in_dim3A_174] : memref<128xf32, #tpu.memory_space<vmem>>[vector<16xi32>], vector<16xf32>,
      %add3A_176 = arith.constant 7 : i32
      %add3A_177 = arith.addi %mul3A_149, %add3A_176 : i32
      %broadcast_in_dim3A_178 = vector.broadcast %add3A_177 : i32 to vector<16xi32>
      %gather3A_179 = tpu.vector_load_idx %arg6[%broadcast_in_dim3A_178] : memref<128xf32, #tpu.memory_space<vmem>>[vector<16xi32>], vector<16xf32>,
      %add3A_180 = arith.constant 8 : i32
      %add3A_181 = arith.addi %mul3A_149, %add3A_180 : i32
      %broadcast_in_dim3A_182 = vector.broadcast %add3A_181 : i32 to vector<16xi32>
      %gather3A_183 = tpu.vector_load_idx %arg6[%broadcast_in_dim3A_182] : memref<128xf32, #tpu.memory_space<vmem>>[vector<16xi32>], vector<16xf32>,
      %add3A_184 = arith.constant 9 : i32
      %add3A_185 = arith.addi %mul3A_149, %add3A_184 : i32
      %broadcast_in_dim3A_186 = vector.broadcast %add3A_185 : i32 to vector<16xi32>
      %gather3A_187 = tpu.vector_load_idx %arg6[%broadcast_in_dim3A_186] : memref<128xf32, #tpu.memory_space<vmem>>[vector<16xi32>], vector<16xf32>,
      %add3A_188 = arith.constant 10 : i32
      %add3A_189 = arith.addi %mul3A_149, %add3A_188 : i32
      %broadcast_in_dim3A_190 = vector.broadcast %add3A_189 : i32 to vector<16xi32>
      %gather3A_191 = tpu.vector_load_idx %arg6[%broadcast_in_dim3A_190] : memref<128xf32, #tpu.memory_space<vmem>>[vector<16xi32>], vector<16xf32>,
      %add3A_192 = arith.constant 11 : i32
      %add3A_193 = arith.addi %mul3A_149, %add3A_192 : i32
      %broadcast_in_dim3A_194 = vector.broadcast %add3A_193 : i32 to vector<16xi32>
      %gather3A_195 = tpu.vector_load_idx %arg6[%broadcast_in_dim3A_194] : memref<128xf32, #tpu.memory_space<vmem>>[vector<16xi32>], vector<16xf32>,
      %add3A_196 = arith.constant 12 : i32
      %add3A_197 = arith.addi %mul3A_149, %add3A_196 : i32
      %broadcast_in_dim3A_198 = vector.broadcast %add3A_197 : i32 to vector<16xi32>
      %gather3A_199 = tpu.vector_load_idx %arg6[%broadcast_in_dim3A_198] : memref<128xf32, #tpu.memory_space<vmem>>[vector<16xi32>], vector<16xf32>,
      %add3A_200 = arith.constant 13 : i32
      %add3A_201 = arith.addi %mul3A_149, %add3A_200 : i32
      %broadcast_in_dim3A_202 = vector.broadcast %add3A_201 : i32 to vector<16xi32>
      %gather3A_203 = tpu.vector_load_idx %arg6[%broadcast_in_dim3A_202] : memref<128xf32, #tpu.memory_space<vmem>>[vector<16xi32>], vector<16xf32>,
      %add3A_204 = arith.constant 14 : i32
      %add3A_205 = arith.addi %mul3A_149, %add3A_204 : i32
      %broadcast_in_dim3A_206 = vector.broadcast %add3A_205 : i32 to vector<16xi32>
      %gather3A_207 = tpu.vector_load_idx %arg6[%broadcast_in_dim3A_206] : memref<128xf32, #tpu.memory_space<vmem>>[vector<16xi32>], vector<16xf32>,
      %add3A_208 = arith.constant 15 : i32
      %add3A_209 = arith.addi %mul3A_149, %add3A_208 : i32
      %broadcast_in_dim3A_210 = vector.broadcast %add3A_209 : i32 to vector<16xi32>
      %gather3A_211 = tpu.vector_load_idx %arg6[%broadcast_in_dim3A_210] : memref<128xf32, #tpu.memory_space<vmem>>[vector<16xi32>], vector<16xf32>,
      %add3A_212 = arith.constant 0 : i32
      %add3A_213 = arith.addi %mul3A_149, %add3A_212 : i32
      %broadcast_in_dim3A_214 = vector.broadcast %add3A_213 : i32 to vector<16xi32>
      %gather3A_215 = tpu.vector_load_idx %arg7[%broadcast_in_dim3A_214] : memref<128xf32, #tpu.memory_space<vmem>>[vector<16xi32>], vector<16xf32>,
      %add3A_216 = arith.constant 1 : i32
      %add3A_217 = arith.addi %mul3A_149, %add3A_216 : i32
      %broadcast_in_dim3A_218 = vector.broadcast %add3A_217 : i32 to vector<16xi32>
      %gather3A_219 = tpu.vector_load_idx %arg7[%broadcast_in_dim3A_218] : memref<128xf32, #tpu.memory_space<vmem>>[vector<16xi32>], vector<16xf32>,
      %add3A_220 = arith.constant 2 : i32
      %add3A_221 = arith.addi %mul3A_149, %add3A_220 : i32
      %broadcast_in_dim3A_222 = vector.broadcast %add3A_221 : i32 to vector<16xi32>
      %gather3A_223 = tpu.vector_load_idx %arg7[%broadcast_in_dim3A_222] : memref<128xf32, #tpu.memory_space<vmem>>[vector<16xi32>], vector<16xf32>,
      %add3A_224 = arith.constant 3 : i32
      %add3A_225 = arith.addi %mul3A_149, %add3A_224 : i32
      %broadcast_in_dim3A_226 = vector.broadcast %add3A_225 : i32 to vector<16xi32>
      %gather3A_227 = tpu.vector_load_idx %arg7[%broadcast_in_dim3A_226] : memref<128xf32, #tpu.memory_space<vmem>>[vector<16xi32>], vector<16xf32>,
      %add3A_228 = arith.constant 4 : i32
      %add3A_229 = arith.addi %mul3A_149, %add3A_228 : i32
      %broadcast_in_dim3A_230 = vector.broadcast %add3A_229 : i32 to vector<16xi32>
      %gather3A_231 = tpu.vector_load_idx %arg7[%broadcast_in_dim3A_230] : memref<128xf32, #tpu.memory_space<vmem>>[vector<16xi32>], vector<16xf32>,
      %add3A_232 = arith.constant 5 : i32
      %add3A_233 = arith.addi %mul3A_149, %add3A_232 : i32
      %broadcast_in_dim3A_234 = vector.broadcast %add3A_233 : i32 to vector<16xi32>
      %gather3A_235 = tpu.vector_load_idx %arg7[%broadcast_in_dim3A_234] : memref<128xf32, #tpu.memory_space<vmem>>[vector<16xi32>], vector<16xf32>,
      %add3A_236 = arith.constant 6 : i32
      %add3A_237 = arith.addi %mul3A_149, %add3A_236 : i32
      %broadcast_in_dim3A_238 = vector.broadcast %add3A_237 : i32 to vector<16xi32>
      %gather3A_239 = tpu.vector_load_idx %arg7[%broadcast_in_dim3A_238] : memref<128xf32, #tpu.memory_space<vmem>>[vector<16xi32>], vector<16xf32>,
      %add3A_240 = arith.constant 7 : i32
      %add3A_241 = arith.addi %mul3A_149, %add3A_240 : i32
      %broadcast_in_dim3A_242 = vector.broadcast %add3A_241 : i32 to vector<16xi32>
      %gather3A_243 = tpu.vector_load_idx %arg7[%broadcast_in_dim3A_242] : memref<128xf32, #tpu.memory_space<vmem>>[vector<16xi32>], vector<16xf32>,
      %add3A_244 = arith.constant 8 : i32
      %add3A_245 = arith.addi %mul3A_149, %add3A_244 : i32
      %broadcast_in_dim3A_246 = vector.broadcast %add3A_245 : i32 to vector<16xi32>
      %gather3A_247 = tpu.vector_load_idx %arg7[%broadcast_in_dim3A_246] : memref<128xf32, #tpu.memory_space<vmem>>[vector<16xi32>], vector<16xf32>,
      %add3A_248 = arith.constant 9 : i32
      %add3A_249 = arith.addi %mul3A_149, %add3A_248 : i32
      %broadcast_in_dim3A_250 = vector.broadcast %add3A_249 : i32 to vector<16xi32>
      %gather3A_251 = tpu.vector_load_idx %arg7[%broadcast_in_dim3A_250] : memref<128xf32, #tpu.memory_space<vmem>>[vector<16xi32>], vector<16xf32>,
      %add3A_252 = arith.constant 10 : i32
      %add3A_253 = arith.addi %mul3A_149, %add3A_252 : i32
      %broadcast_in_dim3A_254 = vector.broadcast %add3A_253 : i32 to vector<16xi32>
      %gather3A_255 = tpu.vector_load_idx %arg7[%broadcast_in_dim3A_254] : memref<128xf32, #tpu.memory_space<vmem>>[vector<16xi32>], vector<16xf32>,
      %add3A_256 = arith.constant 11 : i32
      %add3A_257 = arith.addi %mul3A_149, %add3A_256 : i32
      %broadcast_in_dim3A_258 = vector.broadcast %add3A_257 : i32 to vector<16xi32>
      %gather3A_259 = tpu.vector_load_idx %arg7[%broadcast_in_dim3A_258] : memref<128xf32, #tpu.memory_space<vmem>>[vector<16xi32>], vector<16xf32>,
      %add3A_260 = arith.constant 12 : i32
      %add3A_261 = arith.addi %mul3A_149, %add3A_260 : i32
      %broadcast_in_dim3A_262 = vector.broadcast %add3A_261 : i32 to vector<16xi32>
      %gather3A_263 = tpu.vector_load_idx %arg7[%broadcast_in_dim3A_262] : memref<128xf32, #tpu.memory_space<vmem>>[vector<16xi32>], vector<16xf32>,
      %add3A_264 = arith.constant 13 : i32
      %add3A_265 = arith.addi %mul3A_149, %add3A_264 : i32
      %broadcast_in_dim3A_266 = vector.broadcast %add3A_265 : i32 to vector<16xi32>
      %gather3A_267 = tpu.vector_load_idx %arg7[%broadcast_in_dim3A_266] : memref<128xf32, #tpu.memory_space<vmem>>[vector<16xi32>], vector<16xf32>,
      %add3A_268 = arith.constant 14 : i32
      %add3A_269 = arith.addi %mul3A_149, %add3A_268 : i32
      %broadcast_in_dim3A_270 = vector.broadcast %add3A_269 : i32 to vector<16xi32>
      %gather3A_271 = tpu.vector_load_idx %arg7[%broadcast_in_dim3A_270] : memref<128xf32, #tpu.memory_space<vmem>>[vector<16xi32>], vector<16xf32>,
      %add3A_272 = arith.constant 15 : i32
      %add3A_273 = arith.addi %mul3A_149, %add3A_272 : i32
      %broadcast_in_dim3A_274 = vector.broadcast %add3A_273 : i32 to vector<16xi32>
      %gather3A_275 = tpu.vector_load_idx %arg7[%broadcast_in_dim3A_274] : memref<128xf32, #tpu.memory_space<vmem>>[vector<16xi32>], vector<16xf32>,
      %add3A_276 = arith.constant 0 : i32
      %add3A_277 = arith.addi %mul3A_149, %add3A_276 : i32
      %broadcast_in_dim3A_278 = vector.broadcast %add3A_277 : i32 to vector<16xi32>
      %gather3A_279 = tpu.vector_load_idx %arg8[%broadcast_in_dim3A_278] : memref<128xf32, #tpu.memory_space<vmem>>[vector<16xi32>], vector<16xf32>,
      %add3A_280 = arith.constant 1 : i32
      %add3A_281 = arith.addi %mul3A_149, %add3A_280 : i32
      %broadcast_in_dim3A_282 = vector.broadcast %add3A_281 : i32 to vector<16xi32>
      %gather3A_283 = tpu.vector_load_idx %arg8[%broadcast_in_dim3A_282] : memref<128xf32, #tpu.memory_space<vmem>>[vector<16xi32>], vector<16xf32>,
      %add3A_284 = arith.constant 2 : i32
      %add3A_285 = arith.addi %mul3A_149, %add3A_284 : i32
      %broadcast_in_dim3A_286 = vector.broadcast %add3A_285 : i32 to vector<16xi32>
      %gather3A_287 = tpu.vector_load_idx %arg8[%broadcast_in_dim3A_286] : memref<128xf32, #tpu.memory_space<vmem>>[vector<16xi32>], vector<16xf32>,
      %add3A_288 = arith.constant 3 : i32
      %add3A_289 = arith.addi %mul3A_149, %add3A_288 : i32
      %broadcast_in_dim3A_290 = vector.broadcast %add3A_289 : i32 to vector<16xi32>
      %gather3A_291 = tpu.vector_load_idx %arg8[%broadcast_in_dim3A_290] : memref<128xf32, #tpu.memory_space<vmem>>[vector<16xi32>], vector<16xf32>,
      %add3A_292 = arith.constant 4 : i32
      %add3A_293 = arith.addi %mul3A_149, %add3A_292 : i32
      %broadcast_in_dim3A_294 = vector.broadcast %add3A_293 : i32 to vector<16xi32>
      %gather3A_295 = tpu.vector_load_idx %arg8[%broadcast_in_dim3A_294] : memref<128xf32, #tpu.memory_space<vmem>>[vector<16xi32>], vector<16xf32>,
      %add3A_296 = arith.constant 5 : i32
      %add3A_297 = arith.addi %mul3A_149, %add3A_296 : i32
      %broadcast_in_dim3A_298 = vector.broadcast %add3A_297 : i32 to vector<16xi32>
      %gather3A_299 = tpu.vector_load_idx %arg8[%broadcast_in_dim3A_298] : memref<128xf32, #tpu.memory_space<vmem>>[vector<16xi32>], vector<16xf32>,
      %add3A_300 = arith.constant 6 : i32
      %add3A_301 = arith.addi %mul3A_149, %add3A_300 : i32
      %broadcast_in_dim3A_302 = vector.broadcast %add3A_301 : i32 to vector<16xi32>
      %gather3A_303 = tpu.vector_load_idx %arg8[%broadcast_in_dim3A_302] : memref<128xf32, #tpu.memory_space<vmem>>[vector<16xi32>], vector<16xf32>,
      %add3A_304 = arith.constant 7 : i32
      %add3A_305 = arith.addi %mul3A_149, %add3A_304 : i32
      %broadcast_in_dim3A_306 = vector.broadcast %add3A_305 : i32 to vector<16xi32>
      %gather3A_307 = tpu.vector_load_idx %arg8[%broadcast_in_dim3A_306] : memref<128xf32, #tpu.memory_space<vmem>>[vector<16xi32>], vector<16xf32>,
      %add3A_308 = arith.constant 8 : i32
      %add3A_309 = arith.addi %mul3A_149, %add3A_308 : i32
      %broadcast_in_dim3A_310 = vector.broadcast %add3A_309 : i32 to vector<16xi32>
      %gather3A_311 = tpu.vector_load_idx %arg8[%broadcast_in_dim3A_310] : memref<128xf32, #tpu.memory_space<vmem>>[vector<16xi32>], vector<16xf32>,
      %add3A_312 = arith.constant 9 : i32
      %add3A_313 = arith.addi %mul3A_149, %add3A_312 : i32
      %broadcast_in_dim3A_314 = vector.broadcast %add3A_313 : i32 to vector<16xi32>
      %gather3A_315 = tpu.vector_load_idx %arg8[%broadcast_in_dim3A_314] : memref<128xf32, #tpu.memory_space<vmem>>[vector<16xi32>], vector<16xf32>,
      %add3A_316 = arith.constant 10 : i32
      %add3A_317 = arith.addi %mul3A_149, %add3A_316 : i32
      %broadcast_in_dim3A_318 = vector.broadcast %add3A_317 : i32 to vector<16xi32>
      %gather3A_319 = tpu.vector_load_idx %arg8[%broadcast_in_dim3A_318] : memref<128xf32, #tpu.memory_space<vmem>>[vector<16xi32>], vector<16xf32>,
      %add3A_320 = arith.constant 11 : i32
      %add3A_321 = arith.addi %mul3A_149, %add3A_320 : i32
      %broadcast_in_dim3A_322 = vector.broadcast %add3A_321 : i32 to vector<16xi32>
      %gather3A_323 = tpu.vector_load_idx %arg8[%broadcast_in_dim3A_322] : memref<128xf32, #tpu.memory_space<vmem>>[vector<16xi32>], vector<16xf32>,
      %add3A_324 = arith.constant 12 : i32
      %add3A_325 = arith.addi %mul3A_149, %add3A_324 : i32
      %broadcast_in_dim3A_326 = vector.broadcast %add3A_325 : i32 to vector<16xi32>
      %gather3A_327 = tpu.vector_load_idx %arg8[%broadcast_in_dim3A_326] : memref<128xf32, #tpu.memory_space<vmem>>[vector<16xi32>], vector<16xf32>,
      %add3A_328 = arith.constant 13 : i32
      %add3A_329 = arith.addi %mul3A_149, %add3A_328 : i32
      %broadcast_in_dim3A_330 = vector.broadcast %add3A_329 : i32 to vector<16xi32>
      %gather3A_331 = tpu.vector_load_idx %arg8[%broadcast_in_dim3A_330] : memref<128xf32, #tpu.memory_space<vmem>>[vector<16xi32>], vector<16xf32>,
      %add3A_332 = arith.constant 14 : i32
      %add3A_333 = arith.addi %mul3A_149, %add3A_332 : i32
      %broadcast_in_dim3A_334 = vector.broadcast %add3A_333 : i32 to vector<16xi32>
      %gather3A_335 = tpu.vector_load_idx %arg8[%broadcast_in_dim3A_334] : memref<128xf32, #tpu.memory_space<vmem>>[vector<16xi32>], vector<16xf32>,
      %add3A_336 = arith.constant 15 : i32
      %add3A_337 = arith.addi %mul3A_149, %add3A_336 : i32
      %broadcast_in_dim3A_338 = vector.broadcast %add3A_337 : i32 to vector<16xi32>
      %gather3A_339 = tpu.vector_load_idx %arg8[%broadcast_in_dim3A_338] : memref<128xf32, #tpu.memory_space<vmem>>[vector<16xi32>], vector<16xf32>,
      %broadcast_in_dim3A_340 = arith.constant 3.000000e+38 : f32
      %broadcast_in_dim3A_341 = vector.broadcast %broadcast_in_dim3A_340 : f32 to vector<16xf32>
      %broadcast_in_dim3A_342 = arith.constant 3.000000e+38 : f32
      %broadcast_in_dim3A_343 = vector.broadcast %broadcast_in_dim3A_342 : f32 to vector<16xf32>
      %broadcast_in_dim3A_344 = arith.constant 3.000000e+38 : f32
      %broadcast_in_dim3A_345 = vector.broadcast %broadcast_in_dim3A_344 : f32 to vector<16xf32>
      %broadcast_in_dim3A_346 = arith.constant 3.000000e+38 : f32
      %broadcast_in_dim3A_347 = vector.broadcast %broadcast_in_dim3A_346 : f32 to vector<16xf32>
      %broadcast_in_dim3A_348 = arith.constant 3.000000e+38 : f32
      %broadcast_in_dim3A_349 = vector.broadcast %broadcast_in_dim3A_348 : f32 to vector<16xf32>
      %broadcast_in_dim3A_350 = arith.constant 3.000000e+38 : f32
      %broadcast_in_dim3A_351 = vector.broadcast %broadcast_in_dim3A_350 : f32 to vector<16xf32>
      %broadcast_in_dim3A_352 = arith.constant 3.000000e+38 : f32
      %broadcast_in_dim3A_353 = vector.broadcast %broadcast_in_dim3A_352 : f32 to vector<16xf32>
      %broadcast_in_dim3A_354 = arith.constant 3.000000e+38 : f32
      %broadcast_in_dim3A_355 = vector.broadcast %broadcast_in_dim3A_354 : f32 to vector<16xf32>
      %broadcast_in_dim3A_356 = arith.constant 3.000000e+38 : f32
      %broadcast_in_dim3A_357 = vector.broadcast %broadcast_in_dim3A_356 : f32 to vector<16xf32>
      %broadcast_in_dim3A_358 = arith.constant 3.000000e+38 : f32
      %broadcast_in_dim3A_359 = vector.broadcast %broadcast_in_dim3A_358 : f32 to vector<16xf32>
      %broadcast_in_dim3A_360 = arith.constant 3.000000e+38 : f32
      %broadcast_in_dim3A_361 = vector.broadcast %broadcast_in_dim3A_360 : f32 to vector<16xf32>
      %broadcast_in_dim3A_362 = arith.constant 3.000000e+38 : f32
      %broadcast_in_dim3A_363 = vector.broadcast %broadcast_in_dim3A_362 : f32 to vector<16xf32>
      %broadcast_in_dim3A_364 = arith.constant 3.000000e+38 : f32
      %broadcast_in_dim3A_365 = vector.broadcast %broadcast_in_dim3A_364 : f32 to vector<16xf32>
      %broadcast_in_dim3A_366 = arith.constant 3.000000e+38 : f32
      %broadcast_in_dim3A_367 = vector.broadcast %broadcast_in_dim3A_366 : f32 to vector<16xf32>
      %broadcast_in_dim3A_368 = arith.constant 3.000000e+38 : f32
      %broadcast_in_dim3A_369 = vector.broadcast %broadcast_in_dim3A_368 : f32 to vector<16xf32>
      %broadcast_in_dim3A_370 = arith.constant 3.000000e+38 : f32
      %broadcast_in_dim3A_371 = vector.broadcast %broadcast_in_dim3A_370 : f32 to vector<16xf32>
      %parallel_loop3A = arith.constant 0 : i32
      %parallel_loop3A_372 = arith.constant 256 : i32
      %parallel_loop3A_373 = arith.constant 1 : i32
      %parallel_loop3A_374:16 = scf.for %parallel_loop3A_532 = %parallel_loop3A to %parallel_loop3A_372 step %parallel_loop3A_373 iter_args(%parallel_loop3A_533 = %broadcast_in_dim3A_341, %parallel_loop3A_534 = %broadcast_in_dim3A_343, %parallel_loop3A_535 = %broadcast_in_dim3A_345, %parallel_loop3A_536 = %broadcast_in_dim3A_347, %parallel_loop3A_537 = %broadcast_in_dim3A_349, %parallel_loop3A_538 = %broadcast_in_dim3A_351, %parallel_loop3A_539 = %broadcast_in_dim3A_353, %parallel_loop3A_540 = %broadcast_in_dim3A_355, %parallel_loop3A_541 = %broadcast_in_dim3A_357, %parallel_loop3A_542 = %broadcast_in_dim3A_359, %parallel_loop3A_543 = %broadcast_in_dim3A_361, %parallel_loop3A_544 = %broadcast_in_dim3A_363, %parallel_loop3A_545 = %broadcast_in_dim3A_365, %parallel_loop3A_546 = %broadcast_in_dim3A_367, %parallel_loop3A_547 = %broadcast_in_dim3A_369, %parallel_loop3A_548 = %broadcast_in_dim3A_371) -> (vector<16xf32>, vector<16xf32>, vector<16xf32>, vector<16xf32>, vector<16xf32>, vector<16xf32>, vector<16xf32>, vector<16xf32>, vector<16xf32>, vector<16xf32>, vector<16xf32>, vector<16xf32>, vector<16xf32>, vector<16xf32>, vector<16xf32>, vector<16xf32>)  : i32 {
        %parallel_loop3A_549 = arith.constant 16 : i32
        %parallel_loop3A_550 = arith.muli %parallel_loop3A_532, %parallel_loop3A_549 : i32
        %parallel_loop3A_551 = arith.index_cast %parallel_loop3A_550 : i32 to index
        %parallel_loop3A_552 = tpu.vector_load %arg9[%parallel_loop3A_551] {strides = array<i32>} : memref<4096xf32, #tpu.memory_space<vmem>>, vector<16xf32>,
        %parallel_loop3A_553 = arith.index_cast %parallel_loop3A_550 : i32 to index
        %parallel_loop3A_554 = tpu.vector_load %arg10[%parallel_loop3A_553] {strides = array<i32>} : memref<4096xf32, #tpu.memory_space<vmem>>, vector<16xf32>,
        %parallel_loop3A_555 = arith.index_cast %parallel_loop3A_550 : i32 to index
        %parallel_loop3A_556 = tpu.vector_load %arg11[%parallel_loop3A_555] {strides = array<i32>} : memref<4096xf32, #tpu.memory_space<vmem>>, vector<16xf32>,
        %parallel_loop3A_557 = arith.subf %gather3A, %parallel_loop3A_552 : vector<16xf32>
        %parallel_loop3A_558 = arith.subf %gather3A_215, %parallel_loop3A_554 : vector<16xf32>
        %parallel_loop3A_559 = arith.subf %gather3A_279, %parallel_loop3A_556 : vector<16xf32>
        %parallel_loop3A_560 = arith.mulf %parallel_loop3A_557, %parallel_loop3A_557 : vector<16xf32>
        %parallel_loop3A_561 = arith.mulf %parallel_loop3A_558, %parallel_loop3A_558 : vector<16xf32>
        %parallel_loop3A_562 = arith.addf %parallel_loop3A_560, %parallel_loop3A_561 : vector<16xf32>
        %parallel_loop3A_563 = arith.mulf %parallel_loop3A_559, %parallel_loop3A_559 : vector<16xf32>
        %parallel_loop3A_564 = arith.addf %parallel_loop3A_562, %parallel_loop3A_563 : vector<16xf32>
        %parallel_loop3A_565 = arith.minimumf %parallel_loop3A_533, %parallel_loop3A_564 : vector<16xf32>
        %parallel_loop3A_566 = arith.subf %gather3A_155, %parallel_loop3A_552 : vector<16xf32>
        %parallel_loop3A_567 = arith.subf %gather3A_219, %parallel_loop3A_554 : vector<16xf32>
        %parallel_loop3A_568 = arith.subf %gather3A_283, %parallel_loop3A_556 : vector<16xf32>
        %parallel_loop3A_569 = arith.mulf %parallel_loop3A_566, %parallel_loop3A_566 : vector<16xf32>
        %parallel_loop3A_570 = arith.mulf %parallel_loop3A_567, %parallel_loop3A_567 : vector<16xf32>
        %parallel_loop3A_571 = arith.addf %parallel_loop3A_569, %parallel_loop3A_570 : vector<16xf32>
        %parallel_loop3A_572 = arith.mulf %parallel_loop3A_568, %parallel_loop3A_568 : vector<16xf32>
        %parallel_loop3A_573 = arith.addf %parallel_loop3A_571, %parallel_loop3A_572 : vector<16xf32>
        %parallel_loop3A_574 = arith.minimumf %parallel_loop3A_534, %parallel_loop3A_573 : vector<16xf32>
        %parallel_loop3A_575 = arith.subf %gather3A_159, %parallel_loop3A_552 : vector<16xf32>
        %parallel_loop3A_576 = arith.subf %gather3A_223, %parallel_loop3A_554 : vector<16xf32>
        %parallel_loop3A_577 = arith.subf %gather3A_287, %parallel_loop3A_556 : vector<16xf32>
        %parallel_loop3A_578 = arith.mulf %parallel_loop3A_575, %parallel_loop3A_575 : vector<16xf32>
        %parallel_loop3A_579 = arith.mulf %parallel_loop3A_576, %parallel_loop3A_576 : vector<16xf32>
        %parallel_loop3A_580 = arith.addf %parallel_loop3A_578, %parallel_loop3A_579 : vector<16xf32>
        %parallel_loop3A_581 = arith.mulf %parallel_loop3A_577, %parallel_loop3A_577 : vector<16xf32>
        %parallel_loop3A_582 = arith.addf %parallel_loop3A_580, %parallel_loop3A_581 : vector<16xf32>
        %parallel_loop3A_583 = arith.minimumf %parallel_loop3A_535, %parallel_loop3A_582 : vector<16xf32>
        %parallel_loop3A_584 = arith.subf %gather3A_163, %parallel_loop3A_552 : vector<16xf32>
        %parallel_loop3A_585 = arith.subf %gather3A_227, %parallel_loop3A_554 : vector<16xf32>
        %parallel_loop3A_586 = arith.subf %gather3A_291, %parallel_loop3A_556 : vector<16xf32>
        %parallel_loop3A_587 = arith.mulf %parallel_loop3A_584, %parallel_loop3A_584 : vector<16xf32>
        %parallel_loop3A_588 = arith.mulf %parallel_loop3A_585, %parallel_loop3A_585 : vector<16xf32>
        %parallel_loop3A_589 = arith.addf %parallel_loop3A_587, %parallel_loop3A_588 : vector<16xf32>
        %parallel_loop3A_590 = arith.mulf %parallel_loop3A_586, %parallel_loop3A_586 : vector<16xf32>
        %parallel_loop3A_591 = arith.addf %parallel_loop3A_589, %parallel_loop3A_590 : vector<16xf32>
        %parallel_loop3A_592 = arith.minimumf %parallel_loop3A_536, %parallel_loop3A_591 : vector<16xf32>
        %parallel_loop3A_593 = arith.subf %gather3A_167, %parallel_loop3A_552 : vector<16xf32>
        %parallel_loop3A_594 = arith.subf %gather3A_231, %parallel_loop3A_554 : vector<16xf32>
        %parallel_loop3A_595 = arith.subf %gather3A_295, %parallel_loop3A_556 : vector<16xf32>
        %parallel_loop3A_596 = arith.mulf %parallel_loop3A_593, %parallel_loop3A_593 : vector<16xf32>
        %parallel_loop3A_597 = arith.mulf %parallel_loop3A_594, %parallel_loop3A_594 : vector<16xf32>
        %parallel_loop3A_598 = arith.addf %parallel_loop3A_596, %parallel_loop3A_597 : vector<16xf32>
        %parallel_loop3A_599 = arith.mulf %parallel_loop3A_595, %parallel_loop3A_595 : vector<16xf32>
        %parallel_loop3A_600 = arith.addf %parallel_loop3A_598, %parallel_loop3A_599 : vector<16xf32>
        %parallel_loop3A_601 = arith.minimumf %parallel_loop3A_537, %parallel_loop3A_600 : vector<16xf32>
        %parallel_loop3A_602 = arith.subf %gather3A_171, %parallel_loop3A_552 : vector<16xf32>
        %parallel_loop3A_603 = arith.subf %gather3A_235, %parallel_loop3A_554 : vector<16xf32>
        %parallel_loop3A_604 = arith.subf %gather3A_299, %parallel_loop3A_556 : vector<16xf32>
        %parallel_loop3A_605 = arith.mulf %parallel_loop3A_602, %parallel_loop3A_602 : vector<16xf32>
        %parallel_loop3A_606 = arith.mulf %parallel_loop3A_603, %parallel_loop3A_603 : vector<16xf32>
        %parallel_loop3A_607 = arith.addf %parallel_loop3A_605, %parallel_loop3A_606 : vector<16xf32>
        %parallel_loop3A_608 = arith.mulf %parallel_loop3A_604, %parallel_loop3A_604 : vector<16xf32>
        %parallel_loop3A_609 = arith.addf %parallel_loop3A_607, %parallel_loop3A_608 : vector<16xf32>
        %parallel_loop3A_610 = arith.minimumf %parallel_loop3A_538, %parallel_loop3A_609 : vector<16xf32>
        %parallel_loop3A_611 = arith.subf %gather3A_175, %parallel_loop3A_552 : vector<16xf32>
        %parallel_loop3A_612 = arith.subf %gather3A_239, %parallel_loop3A_554 : vector<16xf32>
        %parallel_loop3A_613 = arith.subf %gather3A_303, %parallel_loop3A_556 : vector<16xf32>
        %parallel_loop3A_614 = arith.mulf %parallel_loop3A_611, %parallel_loop3A_611 : vector<16xf32>
        %parallel_loop3A_615 = arith.mulf %parallel_loop3A_612, %parallel_loop3A_612 : vector<16xf32>
        %parallel_loop3A_616 = arith.addf %parallel_loop3A_614, %parallel_loop3A_615 : vector<16xf32>
        %parallel_loop3A_617 = arith.mulf %parallel_loop3A_613, %parallel_loop3A_613 : vector<16xf32>
        %parallel_loop3A_618 = arith.addf %parallel_loop3A_616, %parallel_loop3A_617 : vector<16xf32>
        %parallel_loop3A_619 = arith.minimumf %parallel_loop3A_539, %parallel_loop3A_618 : vector<16xf32>
        %parallel_loop3A_620 = arith.subf %gather3A_179, %parallel_loop3A_552 : vector<16xf32>
        %parallel_loop3A_621 = arith.subf %gather3A_243, %parallel_loop3A_554 : vector<16xf32>
        %parallel_loop3A_622 = arith.subf %gather3A_307, %parallel_loop3A_556 : vector<16xf32>
        %parallel_loop3A_623 = arith.mulf %parallel_loop3A_620, %parallel_loop3A_620 : vector<16xf32>
        %parallel_loop3A_624 = arith.mulf %parallel_loop3A_621, %parallel_loop3A_621 : vector<16xf32>
        %parallel_loop3A_625 = arith.addf %parallel_loop3A_623, %parallel_loop3A_624 : vector<16xf32>
        %parallel_loop3A_626 = arith.mulf %parallel_loop3A_622, %parallel_loop3A_622 : vector<16xf32>
        %parallel_loop3A_627 = arith.addf %parallel_loop3A_625, %parallel_loop3A_626 : vector<16xf32>
        %parallel_loop3A_628 = arith.minimumf %parallel_loop3A_540, %parallel_loop3A_627 : vector<16xf32>
        %parallel_loop3A_629 = arith.subf %gather3A_183, %parallel_loop3A_552 : vector<16xf32>
        %parallel_loop3A_630 = arith.subf %gather3A_247, %parallel_loop3A_554 : vector<16xf32>
        %parallel_loop3A_631 = arith.subf %gather3A_311, %parallel_loop3A_556 : vector<16xf32>
        %parallel_loop3A_632 = arith.mulf %parallel_loop3A_629, %parallel_loop3A_629 : vector<16xf32>
        %parallel_loop3A_633 = arith.mulf %parallel_loop3A_630, %parallel_loop3A_630 : vector<16xf32>
        %parallel_loop3A_634 = arith.addf %parallel_loop3A_632, %parallel_loop3A_633 : vector<16xf32>
        %parallel_loop3A_635 = arith.mulf %parallel_loop3A_631, %parallel_loop3A_631 : vector<16xf32>
        %parallel_loop3A_636 = arith.addf %parallel_loop3A_634, %parallel_loop3A_635 : vector<16xf32>
        %parallel_loop3A_637 = arith.minimumf %parallel_loop3A_541, %parallel_loop3A_636 : vector<16xf32>
        %parallel_loop3A_638 = arith.subf %gather3A_187, %parallel_loop3A_552 : vector<16xf32>
        %parallel_loop3A_639 = arith.subf %gather3A_251, %parallel_loop3A_554 : vector<16xf32>
        %parallel_loop3A_640 = arith.subf %gather3A_315, %parallel_loop3A_556 : vector<16xf32>
        %parallel_loop3A_641 = arith.mulf %parallel_loop3A_638, %parallel_loop3A_638 : vector<16xf32>
        %parallel_loop3A_642 = arith.mulf %parallel_loop3A_639, %parallel_loop3A_639 : vector<16xf32>
        %parallel_loop3A_643 = arith.addf %parallel_loop3A_641, %parallel_loop3A_642 : vector<16xf32>
        %parallel_loop3A_644 = arith.mulf %parallel_loop3A_640, %parallel_loop3A_640 : vector<16xf32>
        %parallel_loop3A_645 = arith.addf %parallel_loop3A_643, %parallel_loop3A_644 : vector<16xf32>
        %parallel_loop3A_646 = arith.minimumf %parallel_loop3A_542, %parallel_loop3A_645 : vector<16xf32>
        %parallel_loop3A_647 = arith.subf %gather3A_191, %parallel_loop3A_552 : vector<16xf32>
        %parallel_loop3A_648 = arith.subf %gather3A_255, %parallel_loop3A_554 : vector<16xf32>
        %parallel_loop3A_649 = arith.subf %gather3A_319, %parallel_loop3A_556 : vector<16xf32>
        %parallel_loop3A_650 = arith.mulf %parallel_loop3A_647, %parallel_loop3A_647 : vector<16xf32>
        %parallel_loop3A_651 = arith.mulf %parallel_loop3A_648, %parallel_loop3A_648 : vector<16xf32>
        %parallel_loop3A_652 = arith.addf %parallel_loop3A_650, %parallel_loop3A_651 : vector<16xf32>
        %parallel_loop3A_653 = arith.mulf %parallel_loop3A_649, %parallel_loop3A_649 : vector<16xf32>
        %parallel_loop3A_654 = arith.addf %parallel_loop3A_652, %parallel_loop3A_653 : vector<16xf32>
        %parallel_loop3A_655 = arith.minimumf %parallel_loop3A_543, %parallel_loop3A_654 : vector<16xf32>
        %parallel_loop3A_656 = arith.subf %gather3A_195, %parallel_loop3A_552 : vector<16xf32>
        %parallel_loop3A_657 = arith.subf %gather3A_259, %parallel_loop3A_554 : vector<16xf32>
        %parallel_loop3A_658 = arith.subf %gather3A_323, %parallel_loop3A_556 : vector<16xf32>
        %parallel_loop3A_659 = arith.mulf %parallel_loop3A_656, %parallel_loop3A_656 : vector<16xf32>
        %parallel_loop3A_660 = arith.mulf %parallel_loop3A_657, %parallel_loop3A_657 : vector<16xf32>
        %parallel_loop3A_661 = arith.addf %parallel_loop3A_659, %parallel_loop3A_660 : vector<16xf32>
        %parallel_loop3A_662 = arith.mulf %parallel_loop3A_658, %parallel_loop3A_658 : vector<16xf32>
        %parallel_loop3A_663 = arith.addf %parallel_loop3A_661, %parallel_loop3A_662 : vector<16xf32>
        %parallel_loop3A_664 = arith.minimumf %parallel_loop3A_544, %parallel_loop3A_663 : vector<16xf32>
        %parallel_loop3A_665 = arith.subf %gather3A_199, %parallel_loop3A_552 : vector<16xf32>
        %parallel_loop3A_666 = arith.subf %gather3A_263, %parallel_loop3A_554 : vector<16xf32>
        %parallel_loop3A_667 = arith.subf %gather3A_327, %parallel_loop3A_556 : vector<16xf32>
        %parallel_loop3A_668 = arith.mulf %parallel_loop3A_665, %parallel_loop3A_665 : vector<16xf32>
        %parallel_loop3A_669 = arith.mulf %parallel_loop3A_666, %parallel_loop3A_666 : vector<16xf32>
        %parallel_loop3A_670 = arith.addf %parallel_loop3A_668, %parallel_loop3A_669 : vector<16xf32>
        %parallel_loop3A_671 = arith.mulf %parallel_loop3A_667, %parallel_loop3A_667 : vector<16xf32>
        %parallel_loop3A_672 = arith.addf %parallel_loop3A_670, %parallel_loop3A_671 : vector<16xf32>
        %parallel_loop3A_673 = arith.minimumf %parallel_loop3A_545, %parallel_loop3A_672 : vector<16xf32>
        %parallel_loop3A_674 = arith.subf %gather3A_203, %parallel_loop3A_552 : vector<16xf32>
        %parallel_loop3A_675 = arith.subf %gather3A_267, %parallel_loop3A_554 : vector<16xf32>
        %parallel_loop3A_676 = arith.subf %gather3A_331, %parallel_loop3A_556 : vector<16xf32>
        %parallel_loop3A_677 = arith.mulf %parallel_loop3A_674, %parallel_loop3A_674 : vector<16xf32>
        %parallel_loop3A_678 = arith.mulf %parallel_loop3A_675, %parallel_loop3A_675 : vector<16xf32>
        %parallel_loop3A_679 = arith.addf %parallel_loop3A_677, %parallel_loop3A_678 : vector<16xf32>
        %parallel_loop3A_680 = arith.mulf %parallel_loop3A_676, %parallel_loop3A_676 : vector<16xf32>
        %parallel_loop3A_681 = arith.addf %parallel_loop3A_679, %parallel_loop3A_680 : vector<16xf32>
        %parallel_loop3A_682 = arith.minimumf %parallel_loop3A_546, %parallel_loop3A_681 : vector<16xf32>
        %parallel_loop3A_683 = arith.subf %gather3A_207, %parallel_loop3A_552 : vector<16xf32>
        %parallel_loop3A_684 = arith.subf %gather3A_271, %parallel_loop3A_554 : vector<16xf32>
        %parallel_loop3A_685 = arith.subf %gather3A_335, %parallel_loop3A_556 : vector<16xf32>
        %parallel_loop3A_686 = arith.mulf %parallel_loop3A_683, %parallel_loop3A_683 : vector<16xf32>
        %parallel_loop3A_687 = arith.mulf %parallel_loop3A_684, %parallel_loop3A_684 : vector<16xf32>
        %parallel_loop3A_688 = arith.addf %parallel_loop3A_686, %parallel_loop3A_687 : vector<16xf32>
        %parallel_loop3A_689 = arith.mulf %parallel_loop3A_685, %parallel_loop3A_685 : vector<16xf32>
        %parallel_loop3A_690 = arith.addf %parallel_loop3A_688, %parallel_loop3A_689 : vector<16xf32>
        %parallel_loop3A_691 = arith.minimumf %parallel_loop3A_547, %parallel_loop3A_690 : vector<16xf32>
        %parallel_loop3A_692 = arith.subf %gather3A_211, %parallel_loop3A_552 : vector<16xf32>
        %parallel_loop3A_693 = arith.subf %gather3A_275, %parallel_loop3A_554 : vector<16xf32>
        %parallel_loop3A_694 = arith.subf %gather3A_339, %parallel_loop3A_556 : vector<16xf32>
        %parallel_loop3A_695 = arith.mulf %parallel_loop3A_692, %parallel_loop3A_692 : vector<16xf32>
        %parallel_loop3A_696 = arith.mulf %parallel_loop3A_693, %parallel_loop3A_693 : vector<16xf32>
        %parallel_loop3A_697 = arith.addf %parallel_loop3A_695, %parallel_loop3A_696 : vector<16xf32>
        %parallel_loop3A_698 = arith.mulf %parallel_loop3A_694, %parallel_loop3A_694 : vector<16xf32>
        %parallel_loop3A_699 = arith.addf %parallel_loop3A_697, %parallel_loop3A_698 : vector<16xf32>
        %parallel_loop3A_700 = arith.minimumf %parallel_loop3A_548, %parallel_loop3A_699 : vector<16xf32>
        %parallel_loop3A_701 = arith.minimumf %parallel_loop3A_564, %parallel_loop3A_573 : vector<16xf32>
        %parallel_loop3A_702 = arith.minimumf %parallel_loop3A_582, %parallel_loop3A_591 : vector<16xf32>
        %parallel_loop3A_703 = arith.minimumf %parallel_loop3A_600, %parallel_loop3A_609 : vector<16xf32>
        %parallel_loop3A_704 = arith.minimumf %parallel_loop3A_618, %parallel_loop3A_627 : vector<16xf32>
        %parallel_loop3A_705 = arith.minimumf %parallel_loop3A_636, %parallel_loop3A_645 : vector<16xf32>
        %parallel_loop3A_706 = arith.minimumf %parallel_loop3A_654, %parallel_loop3A_663 : vector<16xf32>
        %parallel_loop3A_707 = arith.minimumf %parallel_loop3A_672, %parallel_loop3A_681 : vector<16xf32>
        %parallel_loop3A_708 = arith.minimumf %parallel_loop3A_690, %parallel_loop3A_699 : vector<16xf32>
        %parallel_loop3A_709 = arith.minimumf %parallel_loop3A_701, %parallel_loop3A_702 : vector<16xf32>
        %parallel_loop3A_710 = arith.minimumf %parallel_loop3A_703, %parallel_loop3A_704 : vector<16xf32>
        %parallel_loop3A_711 = arith.minimumf %parallel_loop3A_705, %parallel_loop3A_706 : vector<16xf32>
        %parallel_loop3A_712 = arith.minimumf %parallel_loop3A_707, %parallel_loop3A_708 : vector<16xf32>
        %parallel_loop3A_713 = arith.minimumf %parallel_loop3A_709, %parallel_loop3A_710 : vector<16xf32>
        %parallel_loop3A_714 = arith.minimumf %parallel_loop3A_711, %parallel_loop3A_712 : vector<16xf32>
        %parallel_loop3A_715 = arith.minimumf %parallel_loop3A_713, %parallel_loop3A_714 : vector<16xf32>
        %parallel_loop3A_716 = arith.index_cast %parallel_loop3A_550 : i32 to index
        %parallel_loop3A_717 = tpu.vector_load %arg13[%parallel_loop3A_716] {strides = array<i32>} : memref<4096xf32, #tpu.memory_space<vmem>>, vector<16xf32>,
        %parallel_loop3A_718 = arith.minimumf %parallel_loop3A_717, %parallel_loop3A_715 : vector<16xf32>
        %parallel_loop3A_719 = arith.index_cast %parallel_loop3A_550 : i32 to index
        %parallel_loop3A_720 = tpu.vector_load %arg13[%parallel_loop3A_719] {strides = array<i32>} : memref<4096xf32, #tpu.memory_space<vmem>>, vector<16xf32>,
        tpu.vector_store %arg13[%parallel_loop3A_719], %parallel_loop3A_718 {strides = array<i32>} : memref<4096xf32, #tpu.memory_space<vmem>>, vector<16xf32>,
        scf.yield %parallel_loop3A_565, %parallel_loop3A_574, %parallel_loop3A_583, %parallel_loop3A_592, %parallel_loop3A_601, %parallel_loop3A_610, %parallel_loop3A_619, %parallel_loop3A_628, %parallel_loop3A_637, %parallel_loop3A_646, %parallel_loop3A_655, %parallel_loop3A_664, %parallel_loop3A_673, %parallel_loop3A_682, %parallel_loop3A_691, %parallel_loop3A_700 : vector<16xf32>, vector<16xf32>, vector<16xf32>, vector<16xf32>, vector<16xf32>, vector<16xf32>, vector<16xf32>, vector<16xf32>, vector<16xf32>, vector<16xf32>, vector<16xf32>, vector<16xf32>, vector<16xf32>, vector<16xf32>, vector<16xf32>, vector<16xf32>
      } {sc.loop_unroll_factor = 2 : i64, sc.parallel_access}
      %swap3A = arith.constant 0 : index
      %swap3A_375 = tpu.vector_load %arg14[%swap3A] {strides = array<i32>} : memref<256xf32, #tpu.memory_space<vmem>>, vector<16xf32>,
      tpu.vector_store %arg14[%swap3A], %parallel_loop3A_374#0 {strides = array<i32>} : memref<256xf32, #tpu.memory_space<vmem>>, vector<16xf32>,
      %swap3A_376 = arith.constant 16 : index
      %swap3A_377 = tpu.vector_load %arg14[%swap3A_376] {strides = array<i32>} : memref<256xf32, #tpu.memory_space<vmem>>, vector<16xf32>,
      tpu.vector_store %arg14[%swap3A_376], %parallel_loop3A_374#1 {strides = array<i32>} : memref<256xf32, #tpu.memory_space<vmem>>, vector<16xf32>,
      %swap3A_378 = arith.constant 32 : index
      %swap3A_379 = tpu.vector_load %arg14[%swap3A_378] {strides = array<i32>} : memref<256xf32, #tpu.memory_space<vmem>>, vector<16xf32>,
      tpu.vector_store %arg14[%swap3A_378], %parallel_loop3A_374#2 {strides = array<i32>} : memref<256xf32, #tpu.memory_space<vmem>>, vector<16xf32>,
      %swap3A_380 = arith.constant 48 : index
      %swap3A_381 = tpu.vector_load %arg14[%swap3A_380] {strides = array<i32>} : memref<256xf32, #tpu.memory_space<vmem>>, vector<16xf32>,
      tpu.vector_store %arg14[%swap3A_380], %parallel_loop3A_374#3 {strides = array<i32>} : memref<256xf32, #tpu.memory_space<vmem>>, vector<16xf32>,
      %swap3A_382 = arith.constant 64 : index
      %swap3A_383 = tpu.vector_load %arg14[%swap3A_382] {strides = array<i32>} : memref<256xf32, #tpu.memory_space<vmem>>, vector<16xf32>,
      tpu.vector_store %arg14[%swap3A_382], %parallel_loop3A_374#4 {strides = array<i32>} : memref<256xf32, #tpu.memory_space<vmem>>, vector<16xf32>,
      %swap3A_384 = arith.constant 80 : index
      %swap3A_385 = tpu.vector_load %arg14[%swap3A_384] {strides = array<i32>} : memref<256xf32, #tpu.memory_space<vmem>>, vector<16xf32>,
      tpu.vector_store %arg14[%swap3A_384], %parallel_loop3A_374#5 {strides = array<i32>} : memref<256xf32, #tpu.memory_space<vmem>>, vector<16xf32>,
      %swap3A_386 = arith.constant 96 : index
      %swap3A_387 = tpu.vector_load %arg14[%swap3A_386] {strides = array<i32>} : memref<256xf32, #tpu.memory_space<vmem>>, vector<16xf32>,
      tpu.vector_store %arg14[%swap3A_386], %parallel_loop3A_374#6 {strides = array<i32>} : memref<256xf32, #tpu.memory_space<vmem>>, vector<16xf32>,
      %swap3A_388 = arith.constant 112 : index
      %swap3A_389 = tpu.vector_load %arg14[%swap3A_388] {strides = array<i32>} : memref<256xf32, #tpu.memory_space<vmem>>, vector<16xf32>,
      tpu.vector_store %arg14[%swap3A_388], %parallel_loop3A_374#7 {strides = array<i32>} : memref<256xf32, #tpu.memory_space<vmem>>, vector<16xf32>,
      %swap3A_390 = arith.constant 128 : index
      %swap3A_391 = tpu.vector_load %arg14[%swap3A_390] {strides = array<i32>} : memref<256xf32, #tpu.memory_space<vmem>>, vector<16xf32>,
      tpu.vector_store %arg14[%swap3A_390], %parallel_loop3A_374#8 {strides = array<i32>} : memref<256xf32, #tpu.memory_space<vmem>>, vector<16xf32>,
      %swap3A_392 = arith.constant 144 : index
      %swap3A_393 = tpu.vector_load %arg14[%swap3A_392] {strides = array<i32>} : memref<256xf32, #tpu.memory_space<vmem>>, vector<16xf32>,
      tpu.vector_store %arg14[%swap3A_392], %parallel_loop3A_374#9 {strides = array<i32>} : memref<256xf32, #tpu.memory_space<vmem>>, vector<16xf32>,
      %swap3A_394 = arith.constant 160 : index
      %swap3A_395 = tpu.vector_load %arg14[%swap3A_394] {strides = array<i32>} : memref<256xf32, #tpu.memory_space<vmem>>, vector<16xf32>,
      tpu.vector_store %arg14[%swap3A_394], %parallel_loop3A_374#10 {strides = array<i32>} : memref<256xf32, #tpu.memory_space<vmem>>, vector<16xf32>,
      %swap3A_396 = arith.constant 176 : index
      %swap3A_397 = tpu.vector_load %arg14[%swap3A_396] {strides = array<i32>} : memref<256xf32, #tpu.memory_space<vmem>>, vector<16xf32>,
      tpu.vector_store %arg14[%swap3A_396], %parallel_loop3A_374#11 {strides = array<i32>} : memref<256xf32, #tpu.memory_space<vmem>>, vector<16xf32>,
      %swap3A_398 = arith.constant 192 : index
      %swap3A_399 = tpu.vector_load %arg14[%swap3A_398] {strides = array<i32>} : memref<256xf32, #tpu.memory_space<vmem>>, vector<16xf32>,
      tpu.vector_store %arg14[%swap3A_398], %parallel_loop3A_374#12 {strides = array<i32>} : memref<256xf32, #tpu.memory_space<vmem>>, vector<16xf32>,
      %swap3A_400 = arith.constant 208 : index
      %swap3A_401 = tpu.vector_load %arg14[%swap3A_400] {strides = array<i32>} : memref<256xf32, #tpu.memory_space<vmem>>, vector<16xf32>,
      tpu.vector_store %arg14[%swap3A_400], %parallel_loop3A_374#13 {strides = array<i32>} : memref<256xf32, #tpu.memory_space<vmem>>, vector<16xf32>,
      %swap3A_402 = arith.constant 224 : index
      %swap3A_403 = tpu.vector_load %arg14[%swap3A_402] {strides = array<i32>} : memref<256xf32, #tpu.memory_space<vmem>>, vector<16xf32>,
      tpu.vector_store %arg14[%swap3A_402], %parallel_loop3A_374#14 {strides = array<i32>} : memref<256xf32, #tpu.memory_space<vmem>>, vector<16xf32>,
      %swap3A_404 = arith.constant 240 : index
      %swap3A_405 = tpu.vector_load %arg14[%swap3A_404] {strides = array<i32>} : memref<256xf32, #tpu.memory_space<vmem>>, vector<16xf32>,
      tpu.vector_store %arg14[%swap3A_404], %parallel_loop3A_374#15 {strides = array<i32>} : memref<256xf32, #tpu.memory_space<vmem>>, vector<16xf32>,
      %mul3A_406 = arith.constant 16 : i32
      %mul3A_407 = vector.broadcast %mul3A_406 : i32 to vector<16xi32>
      %mul3A_408 = arith.muli %iota3A, %mul3A_407 : vector<16xi32>
      %gather3A_409 = tpu.vector_load_idx %arg14[%mul3A_408] : memref<256xf32, #tpu.memory_space<vmem>>[vector<16xi32>], vector<16xf32>,
      %mul3A_410 = arith.constant 16 : i32
      %mul3A_411 = vector.broadcast %mul3A_410 : i32 to vector<16xi32>
      %mul3A_412 = arith.muli %iota3A, %mul3A_411 : vector<16xi32>
      %add3A_413 = arith.constant 1 : i32
      %add3A_414 = vector.broadcast %add3A_413 : i32 to vector<16xi32>
      %add3A_415 = arith.addi %mul3A_412, %add3A_414 : vector<16xi32>
      %gather3A_416 = tpu.vector_load_idx %arg14[%add3A_415] : memref<256xf32, #tpu.memory_space<vmem>>[vector<16xi32>], vector<16xf32>,
      %min3A = arith.minimumf %gather3A_409, %gather3A_416 : vector<16xf32>
      %mul3A_417 = arith.constant 16 : i32
      %mul3A_418 = vector.broadcast %mul3A_417 : i32 to vector<16xi32>
      %mul3A_419 = arith.muli %iota3A, %mul3A_418 : vector<16xi32>
      %add3A_420 = arith.constant 2 : i32
      %add3A_421 = vector.broadcast %add3A_420 : i32 to vector<16xi32>
      %add3A_422 = arith.addi %mul3A_419, %add3A_421 : vector<16xi32>
      %gather3A_423 = tpu.vector_load_idx %arg14[%add3A_422] : memref<256xf32, #tpu.memory_space<vmem>>[vector<16xi32>], vector<16xf32>,
      %min3A_424 = arith.minimumf %min3A, %gather3A_423 : vector<16xf32>
      %mul3A_425 = arith.constant 16 : i32
      %mul3A_426 = vector.broadcast %mul3A_425 : i32 to vector<16xi32>
      %mul3A_427 = arith.muli %iota3A, %mul3A_426 : vector<16xi32>
      %add3A_428 = arith.constant 3 : i32
      %add3A_429 = vector.broadcast %add3A_428 : i32 to vector<16xi32>
      %add3A_430 = arith.addi %mul3A_427, %add3A_429 : vector<16xi32>
      %gather3A_431 = tpu.vector_load_idx %arg14[%add3A_430] : memref<256xf32, #tpu.memory_space<vmem>>[vector<16xi32>], vector<16xf32>,
      %min3A_432 = arith.minimumf %min3A_424, %gather3A_431 : vector<16xf32>
      %mul3A_433 = arith.constant 16 : i32
      %mul3A_434 = vector.broadcast %mul3A_433 : i32 to vector<16xi32>
      %mul3A_435 = arith.muli %iota3A, %mul3A_434 : vector<16xi32>
      %add3A_436 = arith.constant 4 : i32
      %add3A_437 = vector.broadcast %add3A_436 : i32 to vector<16xi32>
      %add3A_438 = arith.addi %mul3A_435, %add3A_437 : vector<16xi32>
      %gather3A_439 = tpu.vector_load_idx %arg14[%add3A_438] : memref<256xf32, #tpu.memory_space<vmem>>[vector<16xi32>], vector<16xf32>,
      %min3A_440 = arith.minimumf %min3A_432, %gather3A_439 : vector<16xf32>
      %mul3A_441 = arith.constant 16 : i32
      %mul3A_442 = vector.broadcast %mul3A_441 : i32 to vector<16xi32>
      %mul3A_443 = arith.muli %iota3A, %mul3A_442 : vector<16xi32>
      %add3A_444 = arith.constant 5 : i32
      %add3A_445 = vector.broadcast %add3A_444 : i32 to vector<16xi32>
      %add3A_446 = arith.addi %mul3A_443, %add3A_445 : vector<16xi32>
      %gather3A_447 = tpu.vector_load_idx %arg14[%add3A_446] : memref<256xf32, #tpu.memory_space<vmem>>[vector<16xi32>], vector<16xf32>,
      %min3A_448 = arith.minimumf %min3A_440, %gather3A_447 : vector<16xf32>
      %mul3A_449 = arith.constant 16 : i32
      %mul3A_450 = vector.broadcast %mul3A_449 : i32 to vector<16xi32>
      %mul3A_451 = arith.muli %iota3A, %mul3A_450 : vector<16xi32>
      %add3A_452 = arith.constant 6 : i32
      %add3A_453 = vector.broadcast %add3A_452 : i32 to vector<16xi32>
      %add3A_454 = arith.addi %mul3A_451, %add3A_453 : vector<16xi32>
      %gather3A_455 = tpu.vector_load_idx %arg14[%add3A_454] : memref<256xf32, #tpu.memory_space<vmem>>[vector<16xi32>], vector<16xf32>,
      %min3A_456 = arith.minimumf %min3A_448, %gather3A_455 : vector<16xf32>
      %mul3A_457 = arith.constant 16 : i32
      %mul3A_458 = vector.broadcast %mul3A_457 : i32 to vector<16xi32>
      %mul3A_459 = arith.muli %iota3A, %mul3A_458 : vector<16xi32>
      %add3A_460 = arith.constant 7 : i32
      %add3A_461 = vector.broadcast %add3A_460 : i32 to vector<16xi32>
      %add3A_462 = arith.addi %mul3A_459, %add3A_461 : vector<16xi32>
      %gather3A_463 = tpu.vector_load_idx %arg14[%add3A_462] : memref<256xf32, #tpu.memory_space<vmem>>[vector<16xi32>], vector<16xf32>,
      %min3A_464 = arith.minimumf %min3A_456, %gather3A_463 : vector<16xf32>
      %mul3A_465 = arith.constant 16 : i32
      %mul3A_466 = vector.broadcast %mul3A_465 : i32 to vector<16xi32>
      %mul3A_467 = arith.muli %iota3A, %mul3A_466 : vector<16xi32>
      %add3A_468 = arith.constant 8 : i32
      %add3A_469 = vector.broadcast %add3A_468 : i32 to vector<16xi32>
      %add3A_470 = arith.addi %mul3A_467, %add3A_469 : vector<16xi32>
      %gather3A_471 = tpu.vector_load_idx %arg14[%add3A_470] : memref<256xf32, #tpu.memory_space<vmem>>[vector<16xi32>], vector<16xf32>,
      %min3A_472 = arith.minimumf %min3A_464, %gather3A_471 : vector<16xf32>
      %mul3A_473 = arith.constant 16 : i32
      %mul3A_474 = vector.broadcast %mul3A_473 : i32 to vector<16xi32>
      %mul3A_475 = arith.muli %iota3A, %mul3A_474 : vector<16xi32>
      %add3A_476 = arith.constant 9 : i32
      %add3A_477 = vector.broadcast %add3A_476 : i32 to vector<16xi32>
      %add3A_478 = arith.addi %mul3A_475, %add3A_477 : vector<16xi32>
      %gather3A_479 = tpu.vector_load_idx %arg14[%add3A_478] : memref<256xf32, #tpu.memory_space<vmem>>[vector<16xi32>], vector<16xf32>,
      %min3A_480 = arith.minimumf %min3A_472, %gather3A_479 : vector<16xf32>
      %mul3A_481 = arith.constant 16 : i32
      %mul3A_482 = vector.broadcast %mul3A_481 : i32 to vector<16xi32>
      %mul3A_483 = arith.muli %iota3A, %mul3A_482 : vector<16xi32>
      %add3A_484 = arith.constant 10 : i32
      %add3A_485 = vector.broadcast %add3A_484 : i32 to vector<16xi32>
      %add3A_486 = arith.addi %mul3A_483, %add3A_485 : vector<16xi32>
      %gather3A_487 = tpu.vector_load_idx %arg14[%add3A_486] : memref<256xf32, #tpu.memory_space<vmem>>[vector<16xi32>], vector<16xf32>,
      %min3A_488 = arith.minimumf %min3A_480, %gather3A_487 : vector<16xf32>
      %mul3A_489 = arith.constant 16 : i32
      %mul3A_490 = vector.broadcast %mul3A_489 : i32 to vector<16xi32>
      %mul3A_491 = arith.muli %iota3A, %mul3A_490 : vector<16xi32>
      %add3A_492 = arith.constant 11 : i32
      %add3A_493 = vector.broadcast %add3A_492 : i32 to vector<16xi32>
      %add3A_494 = arith.addi %mul3A_491, %add3A_493 : vector<16xi32>
      %gather3A_495 = tpu.vector_load_idx %arg14[%add3A_494] : memref<256xf32, #tpu.memory_space<vmem>>[vector<16xi32>], vector<16xf32>,
      %min3A_496 = arith.minimumf %min3A_488, %gather3A_495 : vector<16xf32>
      %mul3A_497 = arith.constant 16 : i32
      %mul3A_498 = vector.broadcast %mul3A_497 : i32 to vector<16xi32>
      %mul3A_499 = arith.muli %iota3A, %mul3A_498 : vector<16xi32>
      %add3A_500 = arith.constant 12 : i32
      %add3A_501 = vector.broadcast %add3A_500 : i32 to vector<16xi32>
      %add3A_502 = arith.addi %mul3A_499, %add3A_501 : vector<16xi32>
      %gather3A_503 = tpu.vector_load_idx %arg14[%add3A_502] : memref<256xf32, #tpu.memory_space<vmem>>[vector<16xi32>], vector<16xf32>,
      %min3A_504 = arith.minimumf %min3A_496, %gather3A_503 : vector<16xf32>
      %mul3A_505 = arith.constant 16 : i32
      %mul3A_506 = vector.broadcast %mul3A_505 : i32 to vector<16xi32>
      %mul3A_507 = arith.muli %iota3A, %mul3A_506 : vector<16xi32>
      %add3A_508 = arith.constant 13 : i32
      %add3A_509 = vector.broadcast %add3A_508 : i32 to vector<16xi32>
      %add3A_510 = arith.addi %mul3A_507, %add3A_509 : vector<16xi32>
      %gather3A_511 = tpu.vector_load_idx %arg14[%add3A_510] : memref<256xf32, #tpu.memory_space<vmem>>[vector<16xi32>], vector<16xf32>,
      %min3A_512 = arith.minimumf %min3A_504, %gather3A_511 : vector<16xf32>
      %mul3A_513 = arith.constant 16 : i32
      %mul3A_514 = vector.broadcast %mul3A_513 : i32 to vector<16xi32>
      %mul3A_515 = arith.muli %iota3A, %mul3A_514 : vector<16xi32>
      %add3A_516 = arith.constant 14 : i32
      %add3A_517 = vector.broadcast %add3A_516 : i32 to vector<16xi32>
      %add3A_518 = arith.addi %mul3A_515, %add3A_517 : vector<16xi32>
      %gather3A_519 = tpu.vector_load_idx %arg14[%add3A_518] : memref<256xf32, #tpu.memory_space<vmem>>[vector<16xi32>], vector<16xf32>,
      %min3A_520 = arith.minimumf %min3A_512, %gather3A_519 : vector<16xf32>
      %mul3A_521 = arith.constant 16 : i32
      %mul3A_522 = vector.broadcast %mul3A_521 : i32 to vector<16xi32>
      %mul3A_523 = arith.muli %iota3A, %mul3A_522 : vector<16xi32>
      %add3A_524 = arith.constant 15 : i32
      %add3A_525 = vector.broadcast %add3A_524 : i32 to vector<16xi32>
      %add3A_526 = arith.addi %mul3A_523, %add3A_525 : vector<16xi32>
      %gather3A_527 = tpu.vector_load_idx %arg14[%add3A_526] : memref<256xf32, #tpu.memory_space<vmem>>[vector<16xi32>], vector<16xf32>,
      %min3A_528 = arith.minimumf %min3A_520, %gather3A_527 : vector<16xf32>
      %swap3A_529 = arith.index_cast %mul3A_149 : i32 to index
      %swap3A_530 = tpu.vector_load %arg12[%swap3A_529] {strides = array<i32>} : memref<128xf32, #tpu.memory_space<vmem>>, vector<16xf32>,
      tpu.vector_store %arg12[%swap3A_529], %min3A_528 {strides = array<i32>} : memref<128xf32, #tpu.memory_space<vmem>>, vector<16xf32>,
      %scan3A_531 = arith.constant 0 : i32
      scf.yield %scan3A_531 : i32
    }
    %scan3A_60 = arith.constant 8 : i32
    %mul3A_61 = arith.constant 4096 : i32
    %mul3A_62 = arith.muli %select_n3A, %mul3A_61 : i32
    %add3A_63 = arith.addi %mul3A_62, %mul3A_32 : i32
    "tpu.region"() ({
      %run_scoped3A = tpu.sem_alloc : memref<!tpu.dma_semaphore, #tpu.memory_space<semaphore_mem>>
      %dma_start3A = tpu.memref_slice %arg4[%add3A_63] : memref<4096xf32, #tpu.memory_space<hbm>> -> memref<128xf32, #tpu.memory_space<hbm>>
      %dma_start3A_146 = tpu.memref_slice %arg4[%add3A_63] : memref<4096xf32, #tpu.memory_space<hbm>> -> memref<128xf32, #tpu.memory_space<hbm>>
      tpu.enqueue_dma source(%arg12 : memref<128xf32, #tpu.memory_space<vmem>>) target(%dma_start3A_146 : memref<128xf32, #tpu.memory_space<hbm>>) target_semaphore(%run_scoped3A : memref<!tpu.dma_semaphore, #tpu.memory_space<semaphore_mem>>)
      %dma_wait3A = tpu.memref_slice %arg4[%add3A_63] : memref<4096xf32, #tpu.memory_space<hbm>> -> memref<128xf32, #tpu.memory_space<hbm>>
      %dma_wait3A_147 = tpu.memref_slice %arg4[%add3A_63] : memref<4096xf32, #tpu.memory_space<hbm>> -> memref<128xf32, #tpu.memory_space<hbm>>
      tpu.wait_dma2 semaphore(%run_scoped3A : memref<!tpu.dma_semaphore, #tpu.memory_space<semaphore_mem>>) src(%arg12 : memref<128xf32, #tpu.memory_space<vmem>>) dst(%dma_wait3A_147 : memref<128xf32, #tpu.memory_space<hbm>>)
      tpu.yield
    }) : () -> ()
    %mul3A_64 = arith.constant 4096 : i32
    %mul3A_65 = arith.muli %arg1, %mul3A_64 : i32
    "tpu.region"() ({
      %run_scoped3A = tpu.sem_alloc : memref<!tpu.dma_semaphore, #tpu.memory_space<semaphore_mem>>
      %dma_start3A = tpu.memref_slice %arg17[%mul3A_65] : memref<65536xf32, #tpu.memory_space<vmem_shared>> -> memref<4096xf32, #tpu.memory_space<vmem_shared>>
      %dma_start3A_146 = tpu.memref_slice %arg17[%mul3A_65] : memref<65536xf32, #tpu.memory_space<vmem_shared>> -> memref<4096xf32, #tpu.memory_space<vmem_shared>>
      tpu.enqueue_dma source(%arg13 : memref<4096xf32, #tpu.memory_space<vmem>>) target(%dma_start3A_146 : memref<4096xf32, #tpu.memory_space<vmem_shared>>) target_semaphore(%run_scoped3A : memref<!tpu.dma_semaphore, #tpu.memory_space<semaphore_mem>>)
      %dma_wait3A = tpu.memref_slice %arg17[%mul3A_65] : memref<65536xf32, #tpu.memory_space<vmem_shared>> -> memref<4096xf32, #tpu.memory_space<vmem_shared>>
      %dma_wait3A_147 = tpu.memref_slice %arg17[%mul3A_65] : memref<65536xf32, #tpu.memory_space<vmem_shared>> -> memref<4096xf32, #tpu.memory_space<vmem_shared>>
      tpu.wait_dma2 semaphore(%run_scoped3A : memref<!tpu.dma_semaphore, #tpu.memory_space<semaphore_mem>>) src(%arg13 : memref<4096xf32, #tpu.memory_space<vmem>>) dst(%dma_wait3A_147 : memref<4096xf32, #tpu.memory_space<vmem_shared>>)
      tpu.yield
    }) : () -> ()
    %barrier3A = arith.constant 0 : index
    tpu.barrier barrier_id(%barrier3A)
    %mul3A_66 = arith.constant 256 : i32
    %mul3A_67 = arith.muli %arg1, %mul3A_66 : i32
    %add3A_68 = arith.constant 0 : i32
    %add3A_69 = arith.addi %add3A_68, %mul3A_67 : i32
    "tpu.region"() ({
      %run_scoped3A = tpu.sem_alloc : memref<!tpu.dma_semaphore, #tpu.memory_space<semaphore_mem>>
      %dma_start3A = arith.constant 0 : i32
      %dma_start3A_146 = tpu.memref_slice %arg15[%dma_start3A] : memref<4096xf32, #tpu.memory_space<vmem>> -> memref<256xf32, #tpu.memory_space<vmem>>
      %dma_start3A_147 = tpu.memref_slice %arg17[%add3A_69] : memref<65536xf32, #tpu.memory_space<vmem_shared>> -> memref<256xf32, #tpu.memory_space<vmem_shared>>
      %dma_start3A_148 = arith.constant 0 : i32
      %dma_start3A_149 = tpu.memref_slice %arg15[%dma_start3A_148] : memref<4096xf32, #tpu.memory_space<vmem>> -> memref<256xf32, #tpu.memory_space<vmem>>
      %dma_start3A_150 = tpu.memref_slice %arg17[%add3A_69] : memref<65536xf32, #tpu.memory_space<vmem_shared>> -> memref<256xf32, #tpu.memory_space<vmem_shared>>
      tpu.enqueue_dma source(%dma_start3A_150 : memref<256xf32, #tpu.memory_space<vmem_shared>>) target(%dma_start3A_149 : memref<256xf32, #tpu.memory_space<vmem>>) target_semaphore(%run_scoped3A : memref<!tpu.dma_semaphore, #tpu.memory_space<semaphore_mem>>)
      %dma_wait3A = arith.constant 0 : i32
      %dma_wait3A_151 = tpu.memref_slice %arg15[%dma_wait3A] : memref<4096xf32, #tpu.memory_space<vmem>> -> memref<256xf32, #tpu.memory_space<vmem>>
      %dma_wait3A_152 = tpu.memref_slice %arg17[%add3A_69] : memref<65536xf32, #tpu.memory_space<vmem_shared>> -> memref<256xf32, #tpu.memory_space<vmem_shared>>
      %dma_wait3A_153 = arith.constant 0 : i32
      %dma_wait3A_154 = tpu.memref_slice %arg15[%dma_wait3A_153] : memref<4096xf32, #tpu.memory_space<vmem>> -> memref<256xf32, #tpu.memory_space<vmem>>
      %dma_wait3A_155 = tpu.memref_slice %arg17[%add3A_69] : memref<65536xf32, #tpu.memory_space<vmem_shared>> -> memref<256xf32, #tpu.memory_space<vmem_shared>>
      tpu.wait_dma2 semaphore(%run_scoped3A : memref<!tpu.dma_semaphore, #tpu.memory_space<semaphore_mem>>) src(%dma_wait3A_155 : memref<256xf32, #tpu.memory_space<vmem_shared>>) dst(%dma_wait3A_154 : memref<256xf32, #tpu.memory_space<vmem>>)
      tpu.yield
    }) : () -> ()
    %mul3A_70 = arith.constant 256 : i32
    %mul3A_71 = arith.muli %arg1, %mul3A_70 : i32
    %add3A_72 = arith.constant 4096 : i32
    %add3A_73 = arith.addi %add3A_72, %mul3A_71 : i32
    "tpu.region"() ({
      %run_scoped3A = tpu.sem_alloc : memref<!tpu.dma_semaphore, #tpu.memory_space<semaphore_mem>>
      %dma_start3A = arith.constant 256 : i32
      %dma_start3A_146 = tpu.memref_slice %arg15[%dma_start3A] : memref<4096xf32, #tpu.memory_space<vmem>> -> memref<256xf32, #tpu.memory_space<vmem>>
      %dma_start3A_147 = tpu.memref_slice %arg17[%add3A_73] : memref<65536xf32, #tpu.memory_space<vmem_shared>> -> memref<256xf32, #tpu.memory_space<vmem_shared>>
      %dma_start3A_148 = arith.constant 256 : i32
      %dma_start3A_149 = tpu.memref_slice %arg15[%dma_start3A_148] : memref<4096xf32, #tpu.memory_space<vmem>> -> memref<256xf32, #tpu.memory_space<vmem>>
      %dma_start3A_150 = tpu.memref_slice %arg17[%add3A_73] : memref<65536xf32, #tpu.memory_space<vmem_shared>> -> memref<256xf32, #tpu.memory_space<vmem_shared>>
      tpu.enqueue_dma source(%dma_start3A_150 : memref<256xf32, #tpu.memory_space<vmem_shared>>) target(%dma_start3A_149 : memref<256xf32, #tpu.memory_space<vmem>>) target_semaphore(%run_scoped3A : memref<!tpu.dma_semaphore, #tpu.memory_space<semaphore_mem>>)
      %dma_wait3A = arith.constant 256 : i32
      %dma_wait3A_151 = tpu.memref_slice %arg15[%dma_wait3A] : memref<4096xf32, #tpu.memory_space<vmem>> -> memref<256xf32, #tpu.memory_space<vmem>>
      %dma_wait3A_152 = tpu.memref_slice %arg17[%add3A_73] : memref<65536xf32, #tpu.memory_space<vmem_shared>> -> memref<256xf32, #tpu.memory_space<vmem_shared>>
      %dma_wait3A_153 = arith.constant 256 : i32
      %dma_wait3A_154 = tpu.memref_slice %arg15[%dma_wait3A_153] : memref<4096xf32, #tpu.memory_space<vmem>> -> memref<256xf32, #tpu.memory_space<vmem>>
      %dma_wait3A_155 = tpu.memref_slice %arg17[%add3A_73] : memref<65536xf32, #tpu.memory_space<vmem_shared>> -> memref<256xf32, #tpu.memory_space<vmem_shared>>
      tpu.wait_dma2 semaphore(%run_scoped3A : memref<!tpu.dma_semaphore, #tpu.memory_space<semaphore_mem>>) src(%dma_wait3A_155 : memref<256xf32, #tpu.memory_space<vmem_shared>>) dst(%dma_wait3A_154 : memref<256xf32, #tpu.memory_space<vmem>>)
      tpu.yield
    }) : () -> ()
    %mul3A_74 = arith.constant 256 : i32
    %mul3A_75 = arith.muli %arg1, %mul3A_74 : i32
    %add3A_76 = arith.constant 8192 : i32
    %add3A_77 = arith.addi %add3A_76, %mul3A_75 : i32
    "tpu.region"() ({
      %run_scoped3A = tpu.sem_alloc : memref<!tpu.dma_semaphore, #tpu.memory_space<semaphore_mem>>
      %dma_start3A = arith.constant 512 : i32
      %dma_start3A_146 = tpu.memref_slice %arg15[%dma_start3A] : memref<4096xf32, #tpu.memory_space<vmem>> -> memref<256xf32, #tpu.memory_space<vmem>>
      %dma_start3A_147 = tpu.memref_slice %arg17[%add3A_77] : memref<65536xf32, #tpu.memory_space<vmem_shared>> -> memref<256xf32, #tpu.memory_space<vmem_shared>>
      %dma_start3A_148 = arith.constant 512 : i32
      %dma_start3A_149 = tpu.memref_slice %arg15[%dma_start3A_148] : memref<4096xf32, #tpu.memory_space<vmem>> -> memref<256xf32, #tpu.memory_space<vmem>>
      %dma_start3A_150 = tpu.memref_slice %arg17[%add3A_77] : memref<65536xf32, #tpu.memory_space<vmem_shared>> -> memref<256xf32, #tpu.memory_space<vmem_shared>>
      tpu.enqueue_dma source(%dma_start3A_150 : memref<256xf32, #tpu.memory_space<vmem_shared>>) target(%dma_start3A_149 : memref<256xf32, #tpu.memory_space<vmem>>) target_semaphore(%run_scoped3A : memref<!tpu.dma_semaphore, #tpu.memory_space<semaphore_mem>>)
      %dma_wait3A = arith.constant 512 : i32
      %dma_wait3A_151 = tpu.memref_slice %arg15[%dma_wait3A] : memref<4096xf32, #tpu.memory_space<vmem>> -> memref<256xf32, #tpu.memory_space<vmem>>
      %dma_wait3A_152 = tpu.memref_slice %arg17[%add3A_77] : memref<65536xf32, #tpu.memory_space<vmem_shared>> -> memref<256xf32, #tpu.memory_space<vmem_shared>>
      %dma_wait3A_153 = arith.constant 512 : i32
      %dma_wait3A_154 = tpu.memref_slice %arg15[%dma_wait3A_153] : memref<4096xf32, #tpu.memory_space<vmem>> -> memref<256xf32, #tpu.memory_space<vmem>>
      %dma_wait3A_155 = tpu.memref_slice %arg17[%add3A_77] : memref<65536xf32, #tpu.memory_space<vmem_shared>> -> memref<256xf32, #tpu.memory_space<vmem_shared>>
      tpu.wait_dma2 semaphore(%run_scoped3A : memref<!tpu.dma_semaphore, #tpu.memory_space<semaphore_mem>>) src(%dma_wait3A_155 : memref<256xf32, #tpu.memory_space<vmem_shared>>) dst(%dma_wait3A_154 : memref<256xf32, #tpu.memory_space<vmem>>)
      tpu.yield
    }) : () -> ()
    %mul3A_78 = arith.constant 256 : i32
    %mul3A_79 = arith.muli %arg1, %mul3A_78 : i32
    %add3A_80 = arith.constant 12288 : i32
    %add3A_81 = arith.addi %add3A_80, %mul3A_79 : i32
    "tpu.region"() ({
      %run_scoped3A = tpu.sem_alloc : memref<!tpu.dma_semaphore, #tpu.memory_space<semaphore_mem>>
      %dma_start3A = arith.constant 768 : i32
      %dma_start3A_146 = tpu.memref_slice %arg15[%dma_start3A] : memref<4096xf32, #tpu.memory_space<vmem>> -> memref<256xf32, #tpu.memory_space<vmem>>
      %dma_start3A_147 = tpu.memref_slice %arg17[%add3A_81] : memref<65536xf32, #tpu.memory_space<vmem_shared>> -> memref<256xf32, #tpu.memory_space<vmem_shared>>
      %dma_start3A_148 = arith.constant 768 : i32
      %dma_start3A_149 = tpu.memref_slice %arg15[%dma_start3A_148] : memref<4096xf32, #tpu.memory_space<vmem>> -> memref<256xf32, #tpu.memory_space<vmem>>
      %dma_start3A_150 = tpu.memref_slice %arg17[%add3A_81] : memref<65536xf32, #tpu.memory_space<vmem_shared>> -> memref<256xf32, #tpu.memory_space<vmem_shared>>
      tpu.enqueue_dma source(%dma_start3A_150 : memref<256xf32, #tpu.memory_space<vmem_shared>>) target(%dma_start3A_149 : memref<256xf32, #tpu.memory_space<vmem>>) target_semaphore(%run_scoped3A : memref<!tpu.dma_semaphore, #tpu.memory_space<semaphore_mem>>)
      %dma_wait3A = arith.constant 768 : i32
      %dma_wait3A_151 = tpu.memref_slice %arg15[%dma_wait3A] : memref<4096xf32, #tpu.memory_space<vmem>> -> memref<256xf32, #tpu.memory_space<vmem>>
      %dma_wait3A_152 = tpu.memref_slice %arg17[%add3A_81] : memref<65536xf32, #tpu.memory_space<vmem_shared>> -> memref<256xf32, #tpu.memory_space<vmem_shared>>
      %dma_wait3A_153 = arith.constant 768 : i32
      %dma_wait3A_154 = tpu.memref_slice %arg15[%dma_wait3A_153] : memref<4096xf32, #tpu.memory_space<vmem>> -> memref<256xf32, #tpu.memory_space<vmem>>
      %dma_wait3A_155 = tpu.memref_slice %arg17[%add3A_81] : memref<65536xf32, #tpu.memory_space<vmem_shared>> -> memref<256xf32, #tpu.memory_space<vmem_shared>>
      tpu.wait_dma2 semaphore(%run_scoped3A : memref<!tpu.dma_semaphore, #tpu.memory_space<semaphore_mem>>) src(%dma_wait3A_155 : memref<256xf32, #tpu.memory_space<vmem_shared>>) dst(%dma_wait3A_154 : memref<256xf32, #tpu.memory_space<vmem>>)
      tpu.yield
    }) : () -> ()
    %mul3A_82 = arith.constant 256 : i32
    %mul3A_83 = arith.muli %arg1, %mul3A_82 : i32
    %add3A_84 = arith.constant 16384 : i32
    %add3A_85 = arith.addi %add3A_84, %mul3A_83 : i32
    "tpu.region"() ({
      %run_scoped3A = tpu.sem_alloc : memref<!tpu.dma_semaphore, #tpu.memory_space<semaphore_mem>>
      %dma_start3A = arith.constant 1024 : i32
      %dma_start3A_146 = tpu.memref_slice %arg15[%dma_start3A] : memref<4096xf32, #tpu.memory_space<vmem>> -> memref<256xf32, #tpu.memory_space<vmem>>
      %dma_start3A_147 = tpu.memref_slice %arg17[%add3A_85] : memref<65536xf32, #tpu.memory_space<vmem_shared>> -> memref<256xf32, #tpu.memory_space<vmem_shared>>
      %dma_start3A_148 = arith.constant 1024 : i32
      %dma_start3A_149 = tpu.memref_slice %arg15[%dma_start3A_148] : memref<4096xf32, #tpu.memory_space<vmem>> -> memref<256xf32, #tpu.memory_space<vmem>>
      %dma_start3A_150 = tpu.memref_slice %arg17[%add3A_85] : memref<65536xf32, #tpu.memory_space<vmem_shared>> -> memref<256xf32, #tpu.memory_space<vmem_shared>>
      tpu.enqueue_dma source(%dma_start3A_150 : memref<256xf32, #tpu.memory_space<vmem_shared>>) target(%dma_start3A_149 : memref<256xf32, #tpu.memory_space<vmem>>) target_semaphore(%run_scoped3A : memref<!tpu.dma_semaphore, #tpu.memory_space<semaphore_mem>>)
      %dma_wait3A = arith.constant 1024 : i32
      %dma_wait3A_151 = tpu.memref_slice %arg15[%dma_wait3A] : memref<4096xf32, #tpu.memory_space<vmem>> -> memref<256xf32, #tpu.memory_space<vmem>>
      %dma_wait3A_152 = tpu.memref_slice %arg17[%add3A_85] : memref<65536xf32, #tpu.memory_space<vmem_shared>> -> memref<256xf32, #tpu.memory_space<vmem_shared>>
      %dma_wait3A_153 = arith.constant 1024 : i32
      %dma_wait3A_154 = tpu.memref_slice %arg15[%dma_wait3A_153] : memref<4096xf32, #tpu.memory_space<vmem>> -> memref<256xf32, #tpu.memory_space<vmem>>
      %dma_wait3A_155 = tpu.memref_slice %arg17[%add3A_85] : memref<65536xf32, #tpu.memory_space<vmem_shared>> -> memref<256xf32, #tpu.memory_space<vmem_shared>>
      tpu.wait_dma2 semaphore(%run_scoped3A : memref<!tpu.dma_semaphore, #tpu.memory_space<semaphore_mem>>) src(%dma_wait3A_155 : memref<256xf32, #tpu.memory_space<vmem_shared>>) dst(%dma_wait3A_154 : memref<256xf32, #tpu.memory_space<vmem>>)
      tpu.yield
    }) : () -> ()
    %mul3A_86 = arith.constant 256 : i32
    %mul3A_87 = arith.muli %arg1, %mul3A_86 : i32
    %add3A_88 = arith.constant 20480 : i32
    %add3A_89 = arith.addi %add3A_88, %mul3A_87 : i32
    "tpu.region"() ({
      %run_scoped3A = tpu.sem_alloc : memref<!tpu.dma_semaphore, #tpu.memory_space<semaphore_mem>>
      %dma_start3A = arith.constant 1280 : i32
      %dma_start3A_146 = tpu.memref_slice %arg15[%dma_start3A] : memref<4096xf32, #tpu.memory_space<vmem>> -> memref<256xf32, #tpu.memory_space<vmem>>
      %dma_start3A_147 = tpu.memref_slice %arg17[%add3A_89] : memref<65536xf32, #tpu.memory_space<vmem_shared>> -> memref<256xf32, #tpu.memory_space<vmem_shared>>
      %dma_start3A_148 = arith.constant 1280 : i32
      %dma_start3A_149 = tpu.memref_slice %arg15[%dma_start3A_148] : memref<4096xf32, #tpu.memory_space<vmem>> -> memref<256xf32, #tpu.memory_space<vmem>>
      %dma_start3A_150 = tpu.memref_slice %arg17[%add3A_89] : memref<65536xf32, #tpu.memory_space<vmem_shared>> -> memref<256xf32, #tpu.memory_space<vmem_shared>>
      tpu.enqueue_dma source(%dma_start3A_150 : memref<256xf32, #tpu.memory_space<vmem_shared>>) target(%dma_start3A_149 : memref<256xf32, #tpu.memory_space<vmem>>) target_semaphore(%run_scoped3A : memref<!tpu.dma_semaphore, #tpu.memory_space<semaphore_mem>>)
      %dma_wait3A = arith.constant 1280 : i32
      %dma_wait3A_151 = tpu.memref_slice %arg15[%dma_wait3A] : memref<4096xf32, #tpu.memory_space<vmem>> -> memref<256xf32, #tpu.memory_space<vmem>>
      %dma_wait3A_152 = tpu.memref_slice %arg17[%add3A_89] : memref<65536xf32, #tpu.memory_space<vmem_shared>> -> memref<256xf32, #tpu.memory_space<vmem_shared>>
      %dma_wait3A_153 = arith.constant 1280 : i32
      %dma_wait3A_154 = tpu.memref_slice %arg15[%dma_wait3A_153] : memref<4096xf32, #tpu.memory_space<vmem>> -> memref<256xf32, #tpu.memory_space<vmem>>
      %dma_wait3A_155 = tpu.memref_slice %arg17[%add3A_89] : memref<65536xf32, #tpu.memory_space<vmem_shared>> -> memref<256xf32, #tpu.memory_space<vmem_shared>>
      tpu.wait_dma2 semaphore(%run_scoped3A : memref<!tpu.dma_semaphore, #tpu.memory_space<semaphore_mem>>) src(%dma_wait3A_155 : memref<256xf32, #tpu.memory_space<vmem_shared>>) dst(%dma_wait3A_154 : memref<256xf32, #tpu.memory_space<vmem>>)
      tpu.yield
    }) : () -> ()
    %mul3A_90 = arith.constant 256 : i32
    %mul3A_91 = arith.muli %arg1, %mul3A_90 : i32
    %add3A_92 = arith.constant 24576 : i32
    %add3A_93 = arith.addi %add3A_92, %mul3A_91 : i32
    "tpu.region"() ({
      %run_scoped3A = tpu.sem_alloc : memref<!tpu.dma_semaphore, #tpu.memory_space<semaphore_mem>>
      %dma_start3A = arith.constant 1536 : i32
      %dma_start3A_146 = tpu.memref_slice %arg15[%dma_start3A] : memref<4096xf32, #tpu.memory_space<vmem>> -> memref<256xf32, #tpu.memory_space<vmem>>
      %dma_start3A_147 = tpu.memref_slice %arg17[%add3A_93] : memref<65536xf32, #tpu.memory_space<vmem_shared>> -> memref<256xf32, #tpu.memory_space<vmem_shared>>
      %dma_start3A_148 = arith.constant 1536 : i32
      %dma_start3A_149 = tpu.memref_slice %arg15[%dma_start3A_148] : memref<4096xf32, #tpu.memory_space<vmem>> -> memref<256xf32, #tpu.memory_space<vmem>>
      %dma_start3A_150 = tpu.memref_slice %arg17[%add3A_93] : memref<65536xf32, #tpu.memory_space<vmem_shared>> -> memref<256xf32, #tpu.memory_space<vmem_shared>>
      tpu.enqueue_dma source(%dma_start3A_150 : memref<256xf32, #tpu.memory_space<vmem_shared>>) target(%dma_start3A_149 : memref<256xf32, #tpu.memory_space<vmem>>) target_semaphore(%run_scoped3A : memref<!tpu.dma_semaphore, #tpu.memory_space<semaphore_mem>>)
      %dma_wait3A = arith.constant 1536 : i32
      %dma_wait3A_151 = tpu.memref_slice %arg15[%dma_wait3A] : memref<4096xf32, #tpu.memory_space<vmem>> -> memref<256xf32, #tpu.memory_space<vmem>>
      %dma_wait3A_152 = tpu.memref_slice %arg17[%add3A_93] : memref<65536xf32, #tpu.memory_space<vmem_shared>> -> memref<256xf32, #tpu.memory_space<vmem_shared>>
      %dma_wait3A_153 = arith.constant 1536 : i32
      %dma_wait3A_154 = tpu.memref_slice %arg15[%dma_wait3A_153] : memref<4096xf32, #tpu.memory_space<vmem>> -> memref<256xf32, #tpu.memory_space<vmem>>
      %dma_wait3A_155 = tpu.memref_slice %arg17[%add3A_93] : memref<65536xf32, #tpu.memory_space<vmem_shared>> -> memref<256xf32, #tpu.memory_space<vmem_shared>>
      tpu.wait_dma2 semaphore(%run_scoped3A : memref<!tpu.dma_semaphore, #tpu.memory_space<semaphore_mem>>) src(%dma_wait3A_155 : memref<256xf32, #tpu.memory_space<vmem_shared>>) dst(%dma_wait3A_154 : memref<256xf32, #tpu.memory_space<vmem>>)
      tpu.yield
    }) : () -> ()
    %mul3A_94 = arith.constant 256 : i32
    %mul3A_95 = arith.muli %arg1, %mul3A_94 : i32
    %add3A_96 = arith.constant 28672 : i32
    %add3A_97 = arith.addi %add3A_96, %mul3A_95 : i32
    "tpu.region"() ({
      %run_scoped3A = tpu.sem_alloc : memref<!tpu.dma_semaphore, #tpu.memory_space<semaphore_mem>>
      %dma_start3A = arith.constant 1792 : i32
      %dma_start3A_146 = tpu.memref_slice %arg15[%dma_start3A] : memref<4096xf32, #tpu.memory_space<vmem>> -> memref<256xf32, #tpu.memory_space<vmem>>
      %dma_start3A_147 = tpu.memref_slice %arg17[%add3A_97] : memref<65536xf32, #tpu.memory_space<vmem_shared>> -> memref<256xf32, #tpu.memory_space<vmem_shared>>
      %dma_start3A_148 = arith.constant 1792 : i32
      %dma_start3A_149 = tpu.memref_slice %arg15[%dma_start3A_148] : memref<4096xf32, #tpu.memory_space<vmem>> -> memref<256xf32, #tpu.memory_space<vmem>>
      %dma_start3A_150 = tpu.memref_slice %arg17[%add3A_97] : memref<65536xf32, #tpu.memory_space<vmem_shared>> -> memref<256xf32, #tpu.memory_space<vmem_shared>>
      tpu.enqueue_dma source(%dma_start3A_150 : memref<256xf32, #tpu.memory_space<vmem_shared>>) target(%dma_start3A_149 : memref<256xf32, #tpu.memory_space<vmem>>) target_semaphore(%run_scoped3A : memref<!tpu.dma_semaphore, #tpu.memory_space<semaphore_mem>>)
      %dma_wait3A = arith.constant 1792 : i32
      %dma_wait3A_151 = tpu.memref_slice %arg15[%dma_wait3A] : memref<4096xf32, #tpu.memory_space<vmem>> -> memref<256xf32, #tpu.memory_space<vmem>>
      %dma_wait3A_152 = tpu.memref_slice %arg17[%add3A_97] : memref<65536xf32, #tpu.memory_space<vmem_shared>> -> memref<256xf32, #tpu.memory_space<vmem_shared>>
      %dma_wait3A_153 = arith.constant 1792 : i32
      %dma_wait3A_154 = tpu.memref_slice %arg15[%dma_wait3A_153] : memref<4096xf32, #tpu.memory_space<vmem>> -> memref<256xf32, #tpu.memory_space<vmem>>
      %dma_wait3A_155 = tpu.memref_slice %arg17[%add3A_97] : memref<65536xf32, #tpu.memory_space<vmem_shared>> -> memref<256xf32, #tpu.memory_space<vmem_shared>>
      tpu.wait_dma2 semaphore(%run_scoped3A : memref<!tpu.dma_semaphore, #tpu.memory_space<semaphore_mem>>) src(%dma_wait3A_155 : memref<256xf32, #tpu.memory_space<vmem_shared>>) dst(%dma_wait3A_154 : memref<256xf32, #tpu.memory_space<vmem>>)
      tpu.yield
    }) : () -> ()
    %mul3A_98 = arith.constant 256 : i32
    %mul3A_99 = arith.muli %arg1, %mul3A_98 : i32
    %add3A_100 = arith.constant 32768 : i32
    %add3A_101 = arith.addi %add3A_100, %mul3A_99 : i32
    "tpu.region"() ({
      %run_scoped3A = tpu.sem_alloc : memref<!tpu.dma_semaphore, #tpu.memory_space<semaphore_mem>>
      %dma_start3A = arith.constant 2048 : i32
      %dma_start3A_146 = tpu.memref_slice %arg15[%dma_start3A] : memref<4096xf32, #tpu.memory_space<vmem>> -> memref<256xf32, #tpu.memory_space<vmem>>
      %dma_start3A_147 = tpu.memref_slice %arg17[%add3A_101] : memref<65536xf32, #tpu.memory_space<vmem_shared>> -> memref<256xf32, #tpu.memory_space<vmem_shared>>
      %dma_start3A_148 = arith.constant 2048 : i32
      %dma_start3A_149 = tpu.memref_slice %arg15[%dma_start3A_148] : memref<4096xf32, #tpu.memory_space<vmem>> -> memref<256xf32, #tpu.memory_space<vmem>>
      %dma_start3A_150 = tpu.memref_slice %arg17[%add3A_101] : memref<65536xf32, #tpu.memory_space<vmem_shared>> -> memref<256xf32, #tpu.memory_space<vmem_shared>>
      tpu.enqueue_dma source(%dma_start3A_150 : memref<256xf32, #tpu.memory_space<vmem_shared>>) target(%dma_start3A_149 : memref<256xf32, #tpu.memory_space<vmem>>) target_semaphore(%run_scoped3A : memref<!tpu.dma_semaphore, #tpu.memory_space<semaphore_mem>>)
      %dma_wait3A = arith.constant 2048 : i32
      %dma_wait3A_151 = tpu.memref_slice %arg15[%dma_wait3A] : memref<4096xf32, #tpu.memory_space<vmem>> -> memref<256xf32, #tpu.memory_space<vmem>>
      %dma_wait3A_152 = tpu.memref_slice %arg17[%add3A_101] : memref<65536xf32, #tpu.memory_space<vmem_shared>> -> memref<256xf32, #tpu.memory_space<vmem_shared>>
      %dma_wait3A_153 = arith.constant 2048 : i32
      %dma_wait3A_154 = tpu.memref_slice %arg15[%dma_wait3A_153] : memref<4096xf32, #tpu.memory_space<vmem>> -> memref<256xf32, #tpu.memory_space<vmem>>
      %dma_wait3A_155 = tpu.memref_slice %arg17[%add3A_101] : memref<65536xf32, #tpu.memory_space<vmem_shared>> -> memref<256xf32, #tpu.memory_space<vmem_shared>>
      tpu.wait_dma2 semaphore(%run_scoped3A : memref<!tpu.dma_semaphore, #tpu.memory_space<semaphore_mem>>) src(%dma_wait3A_155 : memref<256xf32, #tpu.memory_space<vmem_shared>>) dst(%dma_wait3A_154 : memref<256xf32, #tpu.memory_space<vmem>>)
      tpu.yield
    }) : () -> ()
    %mul3A_102 = arith.constant 256 : i32
    %mul3A_103 = arith.muli %arg1, %mul3A_102 : i32
    %add3A_104 = arith.constant 36864 : i32
    %add3A_105 = arith.addi %add3A_104, %mul3A_103 : i32
    "tpu.region"() ({
      %run_scoped3A = tpu.sem_alloc : memref<!tpu.dma_semaphore, #tpu.memory_space<semaphore_mem>>
      %dma_start3A = arith.constant 2304 : i32
      %dma_start3A_146 = tpu.memref_slice %arg15[%dma_start3A] : memref<4096xf32, #tpu.memory_space<vmem>> -> memref<256xf32, #tpu.memory_space<vmem>>
      %dma_start3A_147 = tpu.memref_slice %arg17[%add3A_105] : memref<65536xf32, #tpu.memory_space<vmem_shared>> -> memref<256xf32, #tpu.memory_space<vmem_shared>>
      %dma_start3A_148 = arith.constant 2304 : i32
      %dma_start3A_149 = tpu.memref_slice %arg15[%dma_start3A_148] : memref<4096xf32, #tpu.memory_space<vmem>> -> memref<256xf32, #tpu.memory_space<vmem>>
      %dma_start3A_150 = tpu.memref_slice %arg17[%add3A_105] : memref<65536xf32, #tpu.memory_space<vmem_shared>> -> memref<256xf32, #tpu.memory_space<vmem_shared>>
      tpu.enqueue_dma source(%dma_start3A_150 : memref<256xf32, #tpu.memory_space<vmem_shared>>) target(%dma_start3A_149 : memref<256xf32, #tpu.memory_space<vmem>>) target_semaphore(%run_scoped3A : memref<!tpu.dma_semaphore, #tpu.memory_space<semaphore_mem>>)
      %dma_wait3A = arith.constant 2304 : i32
      %dma_wait3A_151 = tpu.memref_slice %arg15[%dma_wait3A] : memref<4096xf32, #tpu.memory_space<vmem>> -> memref<256xf32, #tpu.memory_space<vmem>>
      %dma_wait3A_152 = tpu.memref_slice %arg17[%add3A_105] : memref<65536xf32, #tpu.memory_space<vmem_shared>> -> memref<256xf32, #tpu.memory_space<vmem_shared>>
      %dma_wait3A_153 = arith.constant 2304 : i32
      %dma_wait3A_154 = tpu.memref_slice %arg15[%dma_wait3A_153] : memref<4096xf32, #tpu.memory_space<vmem>> -> memref<256xf32, #tpu.memory_space<vmem>>
      %dma_wait3A_155 = tpu.memref_slice %arg17[%add3A_105] : memref<65536xf32, #tpu.memory_space<vmem_shared>> -> memref<256xf32, #tpu.memory_space<vmem_shared>>
      tpu.wait_dma2 semaphore(%run_scoped3A : memref<!tpu.dma_semaphore, #tpu.memory_space<semaphore_mem>>) src(%dma_wait3A_155 : memref<256xf32, #tpu.memory_space<vmem_shared>>) dst(%dma_wait3A_154 : memref<256xf32, #tpu.memory_space<vmem>>)
      tpu.yield
    }) : () -> ()
    %mul3A_106 = arith.constant 256 : i32
    %mul3A_107 = arith.muli %arg1, %mul3A_106 : i32
    %add3A_108 = arith.constant 40960 : i32
    %add3A_109 = arith.addi %add3A_108, %mul3A_107 : i32
    "tpu.region"() ({
      %run_scoped3A = tpu.sem_alloc : memref<!tpu.dma_semaphore, #tpu.memory_space<semaphore_mem>>
      %dma_start3A = arith.constant 2560 : i32
      %dma_start3A_146 = tpu.memref_slice %arg15[%dma_start3A] : memref<4096xf32, #tpu.memory_space<vmem>> -> memref<256xf32, #tpu.memory_space<vmem>>
      %dma_start3A_147 = tpu.memref_slice %arg17[%add3A_109] : memref<65536xf32, #tpu.memory_space<vmem_shared>> -> memref<256xf32, #tpu.memory_space<vmem_shared>>
      %dma_start3A_148 = arith.constant 2560 : i32
      %dma_start3A_149 = tpu.memref_slice %arg15[%dma_start3A_148] : memref<4096xf32, #tpu.memory_space<vmem>> -> memref<256xf32, #tpu.memory_space<vmem>>
      %dma_start3A_150 = tpu.memref_slice %arg17[%add3A_109] : memref<65536xf32, #tpu.memory_space<vmem_shared>> -> memref<256xf32, #tpu.memory_space<vmem_shared>>
      tpu.enqueue_dma source(%dma_start3A_150 : memref<256xf32, #tpu.memory_space<vmem_shared>>) target(%dma_start3A_149 : memref<256xf32, #tpu.memory_space<vmem>>) target_semaphore(%run_scoped3A : memref<!tpu.dma_semaphore, #tpu.memory_space<semaphore_mem>>)
      %dma_wait3A = arith.constant 2560 : i32
      %dma_wait3A_151 = tpu.memref_slice %arg15[%dma_wait3A] : memref<4096xf32, #tpu.memory_space<vmem>> -> memref<256xf32, #tpu.memory_space<vmem>>
      %dma_wait3A_152 = tpu.memref_slice %arg17[%add3A_109] : memref<65536xf32, #tpu.memory_space<vmem_shared>> -> memref<256xf32, #tpu.memory_space<vmem_shared>>
      %dma_wait3A_153 = arith.constant 2560 : i32
      %dma_wait3A_154 = tpu.memref_slice %arg15[%dma_wait3A_153] : memref<4096xf32, #tpu.memory_space<vmem>> -> memref<256xf32, #tpu.memory_space<vmem>>
      %dma_wait3A_155 = tpu.memref_slice %arg17[%add3A_109] : memref<65536xf32, #tpu.memory_space<vmem_shared>> -> memref<256xf32, #tpu.memory_space<vmem_shared>>
      tpu.wait_dma2 semaphore(%run_scoped3A : memref<!tpu.dma_semaphore, #tpu.memory_space<semaphore_mem>>) src(%dma_wait3A_155 : memref<256xf32, #tpu.memory_space<vmem_shared>>) dst(%dma_wait3A_154 : memref<256xf32, #tpu.memory_space<vmem>>)
      tpu.yield
    }) : () -> ()
    %mul3A_110 = arith.constant 256 : i32
    %mul3A_111 = arith.muli %arg1, %mul3A_110 : i32
    %add3A_112 = arith.constant 45056 : i32
    %add3A_113 = arith.addi %add3A_112, %mul3A_111 : i32
    "tpu.region"() ({
      %run_scoped3A = tpu.sem_alloc : memref<!tpu.dma_semaphore, #tpu.memory_space<semaphore_mem>>
      %dma_start3A = arith.constant 2816 : i32
      %dma_start3A_146 = tpu.memref_slice %arg15[%dma_start3A] : memref<4096xf32, #tpu.memory_space<vmem>> -> memref<256xf32, #tpu.memory_space<vmem>>
      %dma_start3A_147 = tpu.memref_slice %arg17[%add3A_113] : memref<65536xf32, #tpu.memory_space<vmem_shared>> -> memref<256xf32, #tpu.memory_space<vmem_shared>>
      %dma_start3A_148 = arith.constant 2816 : i32
      %dma_start3A_149 = tpu.memref_slice %arg15[%dma_start3A_148] : memref<4096xf32, #tpu.memory_space<vmem>> -> memref<256xf32, #tpu.memory_space<vmem>>
      %dma_start3A_150 = tpu.memref_slice %arg17[%add3A_113] : memref<65536xf32, #tpu.memory_space<vmem_shared>> -> memref<256xf32, #tpu.memory_space<vmem_shared>>
      tpu.enqueue_dma source(%dma_start3A_150 : memref<256xf32, #tpu.memory_space<vmem_shared>>) target(%dma_start3A_149 : memref<256xf32, #tpu.memory_space<vmem>>) target_semaphore(%run_scoped3A : memref<!tpu.dma_semaphore, #tpu.memory_space<semaphore_mem>>)
      %dma_wait3A = arith.constant 2816 : i32
      %dma_wait3A_151 = tpu.memref_slice %arg15[%dma_wait3A] : memref<4096xf32, #tpu.memory_space<vmem>> -> memref<256xf32, #tpu.memory_space<vmem>>
      %dma_wait3A_152 = tpu.memref_slice %arg17[%add3A_113] : memref<65536xf32, #tpu.memory_space<vmem_shared>> -> memref<256xf32, #tpu.memory_space<vmem_shared>>
      %dma_wait3A_153 = arith.constant 2816 : i32
      %dma_wait3A_154 = tpu.memref_slice %arg15[%dma_wait3A_153] : memref<4096xf32, #tpu.memory_space<vmem>> -> memref<256xf32, #tpu.memory_space<vmem>>
      %dma_wait3A_155 = tpu.memref_slice %arg17[%add3A_113] : memref<65536xf32, #tpu.memory_space<vmem_shared>> -> memref<256xf32, #tpu.memory_space<vmem_shared>>
      tpu.wait_dma2 semaphore(%run_scoped3A : memref<!tpu.dma_semaphore, #tpu.memory_space<semaphore_mem>>) src(%dma_wait3A_155 : memref<256xf32, #tpu.memory_space<vmem_shared>>) dst(%dma_wait3A_154 : memref<256xf32, #tpu.memory_space<vmem>>)
      tpu.yield
    }) : () -> ()
    %mul3A_114 = arith.constant 256 : i32
    %mul3A_115 = arith.muli %arg1, %mul3A_114 : i32
    %add3A_116 = arith.constant 49152 : i32
    %add3A_117 = arith.addi %add3A_116, %mul3A_115 : i32
    "tpu.region"() ({
      %run_scoped3A = tpu.sem_alloc : memref<!tpu.dma_semaphore, #tpu.memory_space<semaphore_mem>>
      %dma_start3A = arith.constant 3072 : i32
      %dma_start3A_146 = tpu.memref_slice %arg15[%dma_start3A] : memref<4096xf32, #tpu.memory_space<vmem>> -> memref<256xf32, #tpu.memory_space<vmem>>
      %dma_start3A_147 = tpu.memref_slice %arg17[%add3A_117] : memref<65536xf32, #tpu.memory_space<vmem_shared>> -> memref<256xf32, #tpu.memory_space<vmem_shared>>
      %dma_start3A_148 = arith.constant 3072 : i32
      %dma_start3A_149 = tpu.memref_slice %arg15[%dma_start3A_148] : memref<4096xf32, #tpu.memory_space<vmem>> -> memref<256xf32, #tpu.memory_space<vmem>>
      %dma_start3A_150 = tpu.memref_slice %arg17[%add3A_117] : memref<65536xf32, #tpu.memory_space<vmem_shared>> -> memref<256xf32, #tpu.memory_space<vmem_shared>>
      tpu.enqueue_dma source(%dma_start3A_150 : memref<256xf32, #tpu.memory_space<vmem_shared>>) target(%dma_start3A_149 : memref<256xf32, #tpu.memory_space<vmem>>) target_semaphore(%run_scoped3A : memref<!tpu.dma_semaphore, #tpu.memory_space<semaphore_mem>>)
      %dma_wait3A = arith.constant 3072 : i32
      %dma_wait3A_151 = tpu.memref_slice %arg15[%dma_wait3A] : memref<4096xf32, #tpu.memory_space<vmem>> -> memref<256xf32, #tpu.memory_space<vmem>>
      %dma_wait3A_152 = tpu.memref_slice %arg17[%add3A_117] : memref<65536xf32, #tpu.memory_space<vmem_shared>> -> memref<256xf32, #tpu.memory_space<vmem_shared>>
      %dma_wait3A_153 = arith.constant 3072 : i32
      %dma_wait3A_154 = tpu.memref_slice %arg15[%dma_wait3A_153] : memref<4096xf32, #tpu.memory_space<vmem>> -> memref<256xf32, #tpu.memory_space<vmem>>
      %dma_wait3A_155 = tpu.memref_slice %arg17[%add3A_117] : memref<65536xf32, #tpu.memory_space<vmem_shared>> -> memref<256xf32, #tpu.memory_space<vmem_shared>>
      tpu.wait_dma2 semaphore(%run_scoped3A : memref<!tpu.dma_semaphore, #tpu.memory_space<semaphore_mem>>) src(%dma_wait3A_155 : memref<256xf32, #tpu.memory_space<vmem_shared>>) dst(%dma_wait3A_154 : memref<256xf32, #tpu.memory_space<vmem>>)
      tpu.yield
    }) : () -> ()
    %mul3A_118 = arith.constant 256 : i32
    %mul3A_119 = arith.muli %arg1, %mul3A_118 : i32
    %add3A_120 = arith.constant 53248 : i32
    %add3A_121 = arith.addi %add3A_120, %mul3A_119 : i32
    "tpu.region"() ({
      %run_scoped3A = tpu.sem_alloc : memref<!tpu.dma_semaphore, #tpu.memory_space<semaphore_mem>>
      %dma_start3A = arith.constant 3328 : i32
      %dma_start3A_146 = tpu.memref_slice %arg15[%dma_start3A] : memref<4096xf32, #tpu.memory_space<vmem>> -> memref<256xf32, #tpu.memory_space<vmem>>
      %dma_start3A_147 = tpu.memref_slice %arg17[%add3A_121] : memref<65536xf32, #tpu.memory_space<vmem_shared>> -> memref<256xf32, #tpu.memory_space<vmem_shared>>
      %dma_start3A_148 = arith.constant 3328 : i32
      %dma_start3A_149 = tpu.memref_slice %arg15[%dma_start3A_148] : memref<4096xf32, #tpu.memory_space<vmem>> -> memref<256xf32, #tpu.memory_space<vmem>>
      %dma_start3A_150 = tpu.memref_slice %arg17[%add3A_121] : memref<65536xf32, #tpu.memory_space<vmem_shared>> -> memref<256xf32, #tpu.memory_space<vmem_shared>>
      tpu.enqueue_dma source(%dma_start3A_150 : memref<256xf32, #tpu.memory_space<vmem_shared>>) target(%dma_start3A_149 : memref<256xf32, #tpu.memory_space<vmem>>) target_semaphore(%run_scoped3A : memref<!tpu.dma_semaphore, #tpu.memory_space<semaphore_mem>>)
      %dma_wait3A = arith.constant 3328 : i32
      %dma_wait3A_151 = tpu.memref_slice %arg15[%dma_wait3A] : memref<4096xf32, #tpu.memory_space<vmem>> -> memref<256xf32, #tpu.memory_space<vmem>>
      %dma_wait3A_152 = tpu.memref_slice %arg17[%add3A_121] : memref<65536xf32, #tpu.memory_space<vmem_shared>> -> memref<256xf32, #tpu.memory_space<vmem_shared>>
      %dma_wait3A_153 = arith.constant 3328 : i32
      %dma_wait3A_154 = tpu.memref_slice %arg15[%dma_wait3A_153] : memref<4096xf32, #tpu.memory_space<vmem>> -> memref<256xf32, #tpu.memory_space<vmem>>
      %dma_wait3A_155 = tpu.memref_slice %arg17[%add3A_121] : memref<65536xf32, #tpu.memory_space<vmem_shared>> -> memref<256xf32, #tpu.memory_space<vmem_shared>>
      tpu.wait_dma2 semaphore(%run_scoped3A : memref<!tpu.dma_semaphore, #tpu.memory_space<semaphore_mem>>) src(%dma_wait3A_155 : memref<256xf32, #tpu.memory_space<vmem_shared>>) dst(%dma_wait3A_154 : memref<256xf32, #tpu.memory_space<vmem>>)
      tpu.yield
    }) : () -> ()
    %mul3A_122 = arith.constant 256 : i32
    %mul3A_123 = arith.muli %arg1, %mul3A_122 : i32
    %add3A_124 = arith.constant 57344 : i32
    %add3A_125 = arith.addi %add3A_124, %mul3A_123 : i32
    "tpu.region"() ({
      %run_scoped3A = tpu.sem_alloc : memref<!tpu.dma_semaphore, #tpu.memory_space<semaphore_mem>>
      %dma_start3A = arith.constant 3584 : i32
      %dma_start3A_146 = tpu.memref_slice %arg15[%dma_start3A] : memref<4096xf32, #tpu.memory_space<vmem>> -> memref<256xf32, #tpu.memory_space<vmem>>
      %dma_start3A_147 = tpu.memref_slice %arg17[%add3A_125] : memref<65536xf32, #tpu.memory_space<vmem_shared>> -> memref<256xf32, #tpu.memory_space<vmem_shared>>
      %dma_start3A_148 = arith.constant 3584 : i32
      %dma_start3A_149 = tpu.memref_slice %arg15[%dma_start3A_148] : memref<4096xf32, #tpu.memory_space<vmem>> -> memref<256xf32, #tpu.memory_space<vmem>>
      %dma_start3A_150 = tpu.memref_slice %arg17[%add3A_125] : memref<65536xf32, #tpu.memory_space<vmem_shared>> -> memref<256xf32, #tpu.memory_space<vmem_shared>>
      tpu.enqueue_dma source(%dma_start3A_150 : memref<256xf32, #tpu.memory_space<vmem_shared>>) target(%dma_start3A_149 : memref<256xf32, #tpu.memory_space<vmem>>) target_semaphore(%run_scoped3A : memref<!tpu.dma_semaphore, #tpu.memory_space<semaphore_mem>>)
      %dma_wait3A = arith.constant 3584 : i32
      %dma_wait3A_151 = tpu.memref_slice %arg15[%dma_wait3A] : memref<4096xf32, #tpu.memory_space<vmem>> -> memref<256xf32, #tpu.memory_space<vmem>>
      %dma_wait3A_152 = tpu.memref_slice %arg17[%add3A_125] : memref<65536xf32, #tpu.memory_space<vmem_shared>> -> memref<256xf32, #tpu.memory_space<vmem_shared>>
      %dma_wait3A_153 = arith.constant 3584 : i32
      %dma_wait3A_154 = tpu.memref_slice %arg15[%dma_wait3A_153] : memref<4096xf32, #tpu.memory_space<vmem>> -> memref<256xf32, #tpu.memory_space<vmem>>
      %dma_wait3A_155 = tpu.memref_slice %arg17[%add3A_125] : memref<65536xf32, #tpu.memory_space<vmem_shared>> -> memref<256xf32, #tpu.memory_space<vmem_shared>>
      tpu.wait_dma2 semaphore(%run_scoped3A : memref<!tpu.dma_semaphore, #tpu.memory_space<semaphore_mem>>) src(%dma_wait3A_155 : memref<256xf32, #tpu.memory_space<vmem_shared>>) dst(%dma_wait3A_154 : memref<256xf32, #tpu.memory_space<vmem>>)
      tpu.yield
    }) : () -> ()
    %mul3A_126 = arith.constant 256 : i32
    %mul3A_127 = arith.muli %arg1, %mul3A_126 : i32
    %add3A_128 = arith.constant 61440 : i32
    %add3A_129 = arith.addi %add3A_128, %mul3A_127 : i32
    "tpu.region"() ({
      %run_scoped3A = tpu.sem_alloc : memref<!tpu.dma_semaphore, #tpu.memory_space<semaphore_mem>>
      %dma_start3A = arith.constant 3840 : i32
      %dma_start3A_146 = tpu.memref_slice %arg15[%dma_start3A] : memref<4096xf32, #tpu.memory_space<vmem>> -> memref<256xf32, #tpu.memory_space<vmem>>
      %dma_start3A_147 = tpu.memref_slice %arg17[%add3A_129] : memref<65536xf32, #tpu.memory_space<vmem_shared>> -> memref<256xf32, #tpu.memory_space<vmem_shared>>
      %dma_start3A_148 = arith.constant 3840 : i32
      %dma_start3A_149 = tpu.memref_slice %arg15[%dma_start3A_148] : memref<4096xf32, #tpu.memory_space<vmem>> -> memref<256xf32, #tpu.memory_space<vmem>>
      %dma_start3A_150 = tpu.memref_slice %arg17[%add3A_129] : memref<65536xf32, #tpu.memory_space<vmem_shared>> -> memref<256xf32, #tpu.memory_space<vmem_shared>>
      tpu.enqueue_dma source(%dma_start3A_150 : memref<256xf32, #tpu.memory_space<vmem_shared>>) target(%dma_start3A_149 : memref<256xf32, #tpu.memory_space<vmem>>) target_semaphore(%run_scoped3A : memref<!tpu.dma_semaphore, #tpu.memory_space<semaphore_mem>>)
      %dma_wait3A = arith.constant 3840 : i32
      %dma_wait3A_151 = tpu.memref_slice %arg15[%dma_wait3A] : memref<4096xf32, #tpu.memory_space<vmem>> -> memref<256xf32, #tpu.memory_space<vmem>>
      %dma_wait3A_152 = tpu.memref_slice %arg17[%add3A_129] : memref<65536xf32, #tpu.memory_space<vmem_shared>> -> memref<256xf32, #tpu.memory_space<vmem_shared>>
      %dma_wait3A_153 = arith.constant 3840 : i32
      %dma_wait3A_154 = tpu.memref_slice %arg15[%dma_wait3A_153] : memref<4096xf32, #tpu.memory_space<vmem>> -> memref<256xf32, #tpu.memory_space<vmem>>
      %dma_wait3A_155 = tpu.memref_slice %arg17[%add3A_129] : memref<65536xf32, #tpu.memory_space<vmem_shared>> -> memref<256xf32, #tpu.memory_space<vmem_shared>>
      tpu.wait_dma2 semaphore(%run_scoped3A : memref<!tpu.dma_semaphore, #tpu.memory_space<semaphore_mem>>) src(%dma_wait3A_155 : memref<256xf32, #tpu.memory_space<vmem_shared>>) dst(%dma_wait3A_154 : memref<256xf32, #tpu.memory_space<vmem>>)
      tpu.yield
    }) : () -> ()
    %scan3A_130 = arith.constant 0 : i32
    %scan3A_131 = arith.constant 0 : i32
    %scan3A_132 = arith.constant 16 : i32
    %scan3A_133 = arith.addi %scan3A_131, %scan3A_132 : i32
    %scan3A_134 = arith.constant 1 : i32
    %scan3A_135 = scf.for %scan3A_146 = %scan3A_131 to %scan3A_133 step %scan3A_134 iter_args(%scan3A_147 = %scan3A_130) -> (i32)  : i32 {
      %mul3A_148 = arith.constant 16 : i32
      %mul3A_149 = arith.muli %scan3A_146, %mul3A_148 : i32
      %get3A = arith.index_cast %mul3A_149 : i32 to index
      %get3A_150 = tpu.vector_load %arg15[%get3A] {strides = array<i32>} : memref<4096xf32, #tpu.memory_space<vmem>>, vector<16xf32>,
      %mul3A_151 = arith.constant 16 : i32
      %mul3A_152 = arith.muli %scan3A_146, %mul3A_151 : i32
      %add3A_153 = arith.constant 256 : i32
      %add3A_154 = arith.addi %add3A_153, %mul3A_152 : i32
      %get3A_155 = arith.index_cast %add3A_154 : i32 to index
      %get3A_156 = tpu.vector_load %arg15[%get3A_155] {strides = array<i32>} : memref<4096xf32, #tpu.memory_space<vmem>>, vector<16xf32>,
      %min3A = arith.minimumf %get3A_150, %get3A_156 : vector<16xf32>
      %mul3A_157 = arith.constant 16 : i32
      %mul3A_158 = arith.muli %scan3A_146, %mul3A_157 : i32
      %add3A_159 = arith.constant 512 : i32
      %add3A_160 = arith.addi %add3A_159, %mul3A_158 : i32
      %get3A_161 = arith.index_cast %add3A_160 : i32 to index
      %get3A_162 = tpu.vector_load %arg15[%get3A_161] {strides = array<i32>} : memref<4096xf32, #tpu.memory_space<vmem>>, vector<16xf32>,
      %min3A_163 = arith.minimumf %min3A, %get3A_162 : vector<16xf32>
      %mul3A_164 = arith.constant 16 : i32
      %mul3A_165 = arith.muli %scan3A_146, %mul3A_164 : i32
      %add3A_166 = arith.constant 768 : i32
      %add3A_167 = arith.addi %add3A_166, %mul3A_165 : i32
      %get3A_168 = arith.index_cast %add3A_167 : i32 to index
      %get3A_169 = tpu.vector_load %arg15[%get3A_168] {strides = array<i32>} : memref<4096xf32, #tpu.memory_space<vmem>>, vector<16xf32>,
      %min3A_170 = arith.minimumf %min3A_163, %get3A_169 : vector<16xf32>
      %mul3A_171 = arith.constant 16 : i32
      %mul3A_172 = arith.muli %scan3A_146, %mul3A_171 : i32
      %add3A_173 = arith.constant 1024 : i32
      %add3A_174 = arith.addi %add3A_173, %mul3A_172 : i32
      %get3A_175 = arith.index_cast %add3A_174 : i32 to index
      %get3A_176 = tpu.vector_load %arg15[%get3A_175] {strides = array<i32>} : memref<4096xf32, #tpu.memory_space<vmem>>, vector<16xf32>,
      %min3A_177 = arith.minimumf %min3A_170, %get3A_176 : vector<16xf32>
      %mul3A_178 = arith.constant 16 : i32
      %mul3A_179 = arith.muli %scan3A_146, %mul3A_178 : i32
      %add3A_180 = arith.constant 1280 : i32
      %add3A_181 = arith.addi %add3A_180, %mul3A_179 : i32
      %get3A_182 = arith.index_cast %add3A_181 : i32 to index
      %get3A_183 = tpu.vector_load %arg15[%get3A_182] {strides = array<i32>} : memref<4096xf32, #tpu.memory_space<vmem>>, vector<16xf32>,
      %min3A_184 = arith.minimumf %min3A_177, %get3A_183 : vector<16xf32>
      %mul3A_185 = arith.constant 16 : i32
      %mul3A_186 = arith.muli %scan3A_146, %mul3A_185 : i32
      %add3A_187 = arith.constant 1536 : i32
      %add3A_188 = arith.addi %add3A_187, %mul3A_186 : i32
      %get3A_189 = arith.index_cast %add3A_188 : i32 to index
      %get3A_190 = tpu.vector_load %arg15[%get3A_189] {strides = array<i32>} : memref<4096xf32, #tpu.memory_space<vmem>>, vector<16xf32>,
      %min3A_191 = arith.minimumf %min3A_184, %get3A_190 : vector<16xf32>
      %mul3A_192 = arith.constant 16 : i32
      %mul3A_193 = arith.muli %scan3A_146, %mul3A_192 : i32
      %add3A_194 = arith.constant 1792 : i32
      %add3A_195 = arith.addi %add3A_194, %mul3A_193 : i32
      %get3A_196 = arith.index_cast %add3A_195 : i32 to index
      %get3A_197 = tpu.vector_load %arg15[%get3A_196] {strides = array<i32>} : memref<4096xf32, #tpu.memory_space<vmem>>, vector<16xf32>,
      %min3A_198 = arith.minimumf %min3A_191, %get3A_197 : vector<16xf32>
      %mul3A_199 = arith.constant 16 : i32
      %mul3A_200 = arith.muli %scan3A_146, %mul3A_199 : i32
      %add3A_201 = arith.constant 2048 : i32
      %add3A_202 = arith.addi %add3A_201, %mul3A_200 : i32
      %get3A_203 = arith.index_cast %add3A_202 : i32 to index
      %get3A_204 = tpu.vector_load %arg15[%get3A_203] {strides = array<i32>} : memref<4096xf32, #tpu.memory_space<vmem>>, vector<16xf32>,
      %min3A_205 = arith.minimumf %min3A_198, %get3A_204 : vector<16xf32>
      %mul3A_206 = arith.constant 16 : i32
      %mul3A_207 = arith.muli %scan3A_146, %mul3A_206 : i32
      %add3A_208 = arith.constant 2304 : i32
      %add3A_209 = arith.addi %add3A_208, %mul3A_207 : i32
      %get3A_210 = arith.index_cast %add3A_209 : i32 to index
      %get3A_211 = tpu.vector_load %arg15[%get3A_210] {strides = array<i32>} : memref<4096xf32, #tpu.memory_space<vmem>>, vector<16xf32>,
      %min3A_212 = arith.minimumf %min3A_205, %get3A_211 : vector<16xf32>
      %mul3A_213 = arith.constant 16 : i32
      %mul3A_214 = arith.muli %scan3A_146, %mul3A_213 : i32
      %add3A_215 = arith.constant 2560 : i32
      %add3A_216 = arith.addi %add3A_215, %mul3A_214 : i32
      %get3A_217 = arith.index_cast %add3A_216 : i32 to index
      %get3A_218 = tpu.vector_load %arg15[%get3A_217] {strides = array<i32>} : memref<4096xf32, #tpu.memory_space<vmem>>, vector<16xf32>,
      %min3A_219 = arith.minimumf %min3A_212, %get3A_218 : vector<16xf32>
      %mul3A_220 = arith.constant 16 : i32
      %mul3A_221 = arith.muli %scan3A_146, %mul3A_220 : i32
      %add3A_222 = arith.constant 2816 : i32
      %add3A_223 = arith.addi %add3A_222, %mul3A_221 : i32
      %get3A_224 = arith.index_cast %add3A_223 : i32 to index
      %get3A_225 = tpu.vector_load %arg15[%get3A_224] {strides = array<i32>} : memref<4096xf32, #tpu.memory_space<vmem>>, vector<16xf32>,
      %min3A_226 = arith.minimumf %min3A_219, %get3A_225 : vector<16xf32>
      %mul3A_227 = arith.constant 16 : i32
      %mul3A_228 = arith.muli %scan3A_146, %mul3A_227 : i32
      %add3A_229 = arith.constant 3072 : i32
      %add3A_230 = arith.addi %add3A_229, %mul3A_228 : i32
      %get3A_231 = arith.index_cast %add3A_230 : i32 to index
      %get3A_232 = tpu.vector_load %arg15[%get3A_231] {strides = array<i32>} : memref<4096xf32, #tpu.memory_space<vmem>>, vector<16xf32>,
      %min3A_233 = arith.minimumf %min3A_226, %get3A_232 : vector<16xf32>
      %mul3A_234 = arith.constant 16 : i32
      %mul3A_235 = arith.muli %scan3A_146, %mul3A_234 : i32
      %add3A_236 = arith.constant 3328 : i32
      %add3A_237 = arith.addi %add3A_236, %mul3A_235 : i32
      %get3A_238 = arith.index_cast %add3A_237 : i32 to index
      %get3A_239 = tpu.vector_load %arg15[%get3A_238] {strides = array<i32>} : memref<4096xf32, #tpu.memory_space<vmem>>, vector<16xf32>,
      %min3A_240 = arith.minimumf %min3A_233, %get3A_239 : vector<16xf32>
      %mul3A_241 = arith.constant 16 : i32
      %mul3A_242 = arith.muli %scan3A_146, %mul3A_241 : i32
      %add3A_243 = arith.constant 3584 : i32
      %add3A_244 = arith.addi %add3A_243, %mul3A_242 : i32
      %get3A_245 = arith.index_cast %add3A_244 : i32 to index
      %get3A_246 = tpu.vector_load %arg15[%get3A_245] {strides = array<i32>} : memref<4096xf32, #tpu.memory_space<vmem>>, vector<16xf32>,
      %min3A_247 = arith.minimumf %min3A_240, %get3A_246 : vector<16xf32>
      %mul3A_248 = arith.constant 16 : i32
      %mul3A_249 = arith.muli %scan3A_146, %mul3A_248 : i32
      %add3A_250 = arith.constant 3840 : i32
      %add3A_251 = arith.addi %add3A_250, %mul3A_249 : i32
      %get3A_252 = arith.index_cast %add3A_251 : i32 to index
      %get3A_253 = tpu.vector_load %arg15[%get3A_252] {strides = array<i32>} : memref<4096xf32, #tpu.memory_space<vmem>>, vector<16xf32>,
      %min3A_254 = arith.minimumf %min3A_247, %get3A_253 : vector<16xf32>
      %mul3A_255 = arith.constant 16 : i32
      %mul3A_256 = arith.muli %scan3A_146, %mul3A_255 : i32
      %swap3A = arith.index_cast %mul3A_256 : i32 to index
      %swap3A_257 = tpu.vector_load %arg16[%swap3A] {strides = array<i32>} : memref<256xf32, #tpu.memory_space<vmem>>, vector<16xf32>,
      tpu.vector_store %arg16[%swap3A], %min3A_254 {strides = array<i32>} : memref<256xf32, #tpu.memory_space<vmem>>, vector<16xf32>,
      %scan3A_258 = arith.constant 0 : i32
      scf.yield %scan3A_258 : i32
    }
    %scan3A_136 = arith.constant 16 : i32
    %mul3A_137 = arith.constant 1 : i32
    %mul3A_138 = arith.muli %arg0, %mul3A_137 : i32
    %add3A_139 = arith.constant 0 : i32
    %add3A_140 = arith.addi %mul3A_138, %add3A_139 : i32
    %mul3A_141 = arith.constant 4096 : i32
    %mul3A_142 = arith.muli %add3A_140, %mul3A_141 : i32
    %mul3A_143 = arith.constant 256 : i32
    %mul3A_144 = arith.muli %arg1, %mul3A_143 : i32
    %add3A_145 = arith.addi %mul3A_142, %mul3A_144 : i32
    "tpu.region"() ({
      %run_scoped3A = tpu.sem_alloc : memref<!tpu.dma_semaphore, #tpu.memory_space<semaphore_mem>>
      %dma_start3A = tpu.memref_slice %arg5[%add3A_145] : memref<8192xf32, #tpu.memory_space<hbm>> -> memref<256xf32, #tpu.memory_space<hbm>>
      %dma_start3A_146 = tpu.memref_slice %arg5[%add3A_145] : memref<8192xf32, #tpu.memory_space<hbm>> -> memref<256xf32, #tpu.memory_space<hbm>>
      tpu.enqueue_dma source(%arg16 : memref<256xf32, #tpu.memory_space<vmem>>) target(%dma_start3A_146 : memref<256xf32, #tpu.memory_space<hbm>>) target_semaphore(%run_scoped3A : memref<!tpu.dma_semaphore, #tpu.memory_space<semaphore_mem>>)
      %dma_wait3A = tpu.memref_slice %arg5[%add3A_145] : memref<8192xf32, #tpu.memory_space<hbm>> -> memref<256xf32, #tpu.memory_space<hbm>>
      %dma_wait3A_147 = tpu.memref_slice %arg5[%add3A_145] : memref<8192xf32, #tpu.memory_space<hbm>> -> memref<256xf32, #tpu.memory_space<hbm>>
      tpu.wait_dma2 semaphore(%run_scoped3A : memref<!tpu.dma_semaphore, #tpu.memory_space<semaphore_mem>>) src(%arg16 : memref<256xf32, #tpu.memory_space<vmem>>) dst(%dma_wait3A_147 : memref<256xf32, #tpu.memory_space<hbm>>)
      tpu.yield
    }) : () -> ()
    return
  }
}

module attributes {stable_mosaic.version = 14 : i64} {
  func.func @_chamfer_tc_kernel(%arg0: i32, %arg1: i32, %arg2: memref<1x2048x8xf32, #tpu.memory_space<vmem>>, %arg3: memref<1x3x4096xf32, #tpu.memory_space<vmem>>, %arg4: memref<1x2048x1xf32, #tpu.memory_space<vmem>>, %arg5: memref<1x1x4096xf32, #tpu.memory_space<vmem>>) attributes {dimension_semantics = [#tpu.dimension_semantics<arbitrary>, #tpu.dimension_semantics<arbitrary>], iteration_bounds = array<i64: 3, 2>, scalar_prefetch = 0 : i64, scratch_operands = 0 : i64, tpu.core_type = #tpu.core_type<tc>, window_params = [{transform_indices = @transform_0, window_bounds = array<i64: 1, 2048, 8>}, {transform_indices = @transform_1, window_bounds = array<i64: 1, 3, 4096>}, {transform_indices = @transform_2, window_bounds = array<i64: 1, 2048, 1>}, {transform_indices = @transform_3, window_bounds = array<i64: 1, 1, 4096>}]} {
    %get3A = arith.constant 0 : index
    %get3A_0 = arith.constant 0 : index
    %get3A_1 = arith.constant 0 : index
    %get3A_2 = vector.load %arg2[%get3A, %get3A_0, %get3A_1] : memref<1x2048x8xf32, #tpu.memory_space<vmem>>, vector<1x2048x8xf32>
    %get3A_3 = vector.shape_cast %get3A_2 : vector<1x2048x8xf32> to vector<2048x8xf32>
    %get3A_4 = arith.constant 0 : index
    %get3A_5 = arith.constant 0 : index
    %get3A_6 = arith.constant 0 : index
    %get3A_7 = vector.load %arg3[%get3A_4, %get3A_5, %get3A_6] : memref<1x3x4096xf32, #tpu.memory_space<vmem>>, vector<1x3x4096xf32>
    %get3A_8 = vector.shape_cast %get3A_7 : vector<1x3x4096xf32> to vector<3x4096xf32>
    %slice3A = vector.extract_strided_slice %get3A_3 {offsets = [0, 0], sizes = [2048, 1], strides = [1, 1]} : vector<2048x8xf32> to vector<2048x1xf32>
    %slice3A_9 = vector.extract_strided_slice %get3A_8 {offsets = [0, 0], sizes = [1, 4096], strides = [1, 1]} : vector<3x4096xf32> to vector<1x4096xf32>
    %sub3A = vector.broadcast %slice3A : vector<2048x1xf32> to vector<2048x4096xf32>
    %sub3A_10 = vector.broadcast %slice3A_9 : vector<1x4096xf32> to vector<2048x4096xf32>
    %sub3A_11 = arith.subf %sub3A, %sub3A_10 : vector<2048x4096xf32>
    %slice3A_12 = vector.extract_strided_slice %get3A_3 {offsets = [0, 1], sizes = [2048, 1], strides = [1, 1]} : vector<2048x8xf32> to vector<2048x1xf32>
    %slice3A_13 = vector.extract_strided_slice %get3A_8 {offsets = [1, 0], sizes = [1, 4096], strides = [1, 1]} : vector<3x4096xf32> to vector<1x4096xf32>
    %sub3A_14 = vector.broadcast %slice3A_12 : vector<2048x1xf32> to vector<2048x4096xf32>
    %sub3A_15 = vector.broadcast %slice3A_13 : vector<1x4096xf32> to vector<2048x4096xf32>
    %sub3A_16 = arith.subf %sub3A_14, %sub3A_15 : vector<2048x4096xf32>
    %slice3A_17 = vector.extract_strided_slice %get3A_3 {offsets = [0, 2], sizes = [2048, 1], strides = [1, 1]} : vector<2048x8xf32> to vector<2048x1xf32>
    %slice3A_18 = vector.extract_strided_slice %get3A_8 {offsets = [2, 0], sizes = [1, 4096], strides = [1, 1]} : vector<3x4096xf32> to vector<1x4096xf32>
    %sub3A_19 = vector.broadcast %slice3A_17 : vector<2048x1xf32> to vector<2048x4096xf32>
    %sub3A_20 = vector.broadcast %slice3A_18 : vector<1x4096xf32> to vector<2048x4096xf32>
    %sub3A_21 = arith.subf %sub3A_19, %sub3A_20 : vector<2048x4096xf32>
    %mul3A = arith.mulf %sub3A_11, %sub3A_11 : vector<2048x4096xf32>
    %mul3A_22 = arith.mulf %sub3A_16, %sub3A_16 : vector<2048x4096xf32>
    %add3A = arith.addf %mul3A, %mul3A_22 : vector<2048x4096xf32>
    %mul3A_23 = arith.mulf %sub3A_21, %sub3A_21 : vector<2048x4096xf32>
    %add3A_24 = arith.addf %add3A, %mul3A_23 : vector<2048x4096xf32>
    %reduce_min3A = arith.constant dense<0x7F800000> : vector<2048xf32>
    %reduce_min3A_25 = vector.multi_reduction <minimumf>, %add3A_24, %reduce_min3A [1] : vector<2048x4096xf32> to vector<2048xf32>
    %broadcast_in_dim3A = vector.shape_cast %reduce_min3A_25 : vector<2048xf32> to vector<2048x1xf32>
    %swap3A = arith.constant 0 : index
    %swap3A_26 = arith.constant 0 : index
    %swap3A_27 = arith.constant 0 : index
    %swap3A_28 = vector.load %arg4[%swap3A, %swap3A_26, %swap3A_27] : memref<1x2048x1xf32, #tpu.memory_space<vmem>>, vector<1x2048x1xf32>
    %swap3A_29 = vector.shape_cast %swap3A_28 : vector<1x2048x1xf32> to vector<2048x1xf32>
    %swap3A_30 = vector.shape_cast %broadcast_in_dim3A : vector<2048x1xf32> to vector<1x2048x1xf32>
    tpu.vector_store %arg4[%swap3A, %swap3A_26, %swap3A_27], %swap3A_30 {strides = array<i32>} : memref<1x2048x1xf32, #tpu.memory_space<vmem>>, vector<1x2048x1xf32>,
    %reduce_min3A_31 = arith.constant dense<0x7F800000> : vector<4096xf32>
    %reduce_min3A_32 = vector.multi_reduction <minimumf>, %add3A_24, %reduce_min3A_31 [0] : vector<2048x4096xf32> to vector<4096xf32>
    %broadcast_in_dim3A_33 = vector.shape_cast %reduce_min3A_32 : vector<4096xf32> to vector<1x4096xf32>
    %eq3A = arith.constant 0 : i32
    %eq3A_34 = arith.cmpi eq, %arg1, %eq3A : i32
    %convert_element_type3A = arith.extui %eq3A_34 : i1 to i32
    %cond3A = arith.constant 0 : i32
    %cond3A_35 = arith.cmpi ne, %convert_element_type3A, %cond3A : i32
    scf.if %cond3A_35 {
      %swap3A_40 = arith.constant 0 : index
      %swap3A_41 = arith.constant 0 : index
      %swap3A_42 = arith.constant 0 : index
      %swap3A_43 = vector.load %arg5[%swap3A_40, %swap3A_41, %swap3A_42] : memref<1x1x4096xf32, #tpu.memory_space<vmem>>, vector<1x1x4096xf32>
      %swap3A_44 = vector.shape_cast %swap3A_43 : vector<1x1x4096xf32> to vector<1x4096xf32>
      %swap3A_45 = vector.shape_cast %broadcast_in_dim3A_33 : vector<1x4096xf32> to vector<1x1x4096xf32>
      tpu.vector_store %arg5[%swap3A_40, %swap3A_41, %swap3A_42], %swap3A_45 {strides = array<i32>} : memref<1x1x4096xf32, #tpu.memory_space<vmem>>, vector<1x1x4096xf32>,
    } else {
    }
    %ne3A = arith.constant 0 : i32
    %ne3A_36 = arith.cmpi ne, %arg1, %ne3A : i32
    %convert_element_type3A_37 = arith.extui %ne3A_36 : i1 to i32
    %cond3A_38 = arith.constant 0 : i32
    %cond3A_39 = arith.cmpi ne, %convert_element_type3A_37, %cond3A_38 : i32
    scf.if %cond3A_39 {
      %get3A_40 = arith.constant 0 : index
      %get3A_41 = arith.constant 0 : index
      %get3A_42 = arith.constant 0 : index
      %get3A_43 = vector.load %arg5[%get3A_40, %get3A_41, %get3A_42] : memref<1x1x4096xf32, #tpu.memory_space<vmem>>, vector<1x1x4096xf32>
      %get3A_44 = vector.shape_cast %get3A_43 : vector<1x1x4096xf32> to vector<1x4096xf32>
      %min3A = arith.minimumf %get3A_44, %broadcast_in_dim3A_33 : vector<1x4096xf32>
      %swap3A_45 = arith.constant 0 : index
      %swap3A_46 = arith.constant 0 : index
      %swap3A_47 = arith.constant 0 : index
      %swap3A_48 = vector.load %arg5[%swap3A_45, %swap3A_46, %swap3A_47] : memref<1x1x4096xf32, #tpu.memory_space<vmem>>, vector<1x1x4096xf32>
      %swap3A_49 = vector.shape_cast %swap3A_48 : vector<1x1x4096xf32> to vector<1x4096xf32>
      %swap3A_50 = vector.shape_cast %min3A : vector<1x4096xf32> to vector<1x1x4096xf32>
      tpu.vector_store %arg5[%swap3A_45, %swap3A_46, %swap3A_47], %swap3A_50 {strides = array<i32>} : memref<1x1x4096xf32, #tpu.memory_space<vmem>>, vector<1x1x4096xf32>,
    } else {
    }
    return
  }
  func.func @transform_0(%arg0: i32, %arg1: i32) -> (i32, i32, i32) {
    %c0_i32 = arith.constant 0 : i32
    %c0_i32_0 = arith.constant 0 : i32
    return %arg0, %arg1, %c0_i32 : i32, i32, i32
  }
  func.func @transform_1(%arg0: i32, %arg1: i32) -> (i32, i32, i32) {
    %c0_i32 = arith.constant 0 : i32
    %c0_i32_0 = arith.constant 0 : i32
    %c0_i32_1 = arith.constant 0 : i32
    return %arg0, %c0_i32, %c0_i32_0 : i32, i32, i32
  }
  func.func @transform_2(%arg0: i32, %arg1: i32) -> (i32, i32, i32) {
    %c0_i32 = arith.constant 0 : i32
    %c0_i32_0 = arith.constant 0 : i32
    return %arg0, %arg1, %c0_i32 : i32, i32, i32
  }
  func.func @transform_3(%arg0: i32, %arg1: i32) -> (i32, i32, i32) {
    %c0_i32 = arith.constant 0 : i32
    %c0_i32_0 = arith.constant 0 : i32
    %c0_i32_1 = arith.constant 0 : i32
    return %arg0, %c0_i32, %c0_i32_0 : i32, i32, i32
  }
}

</mosaic_0001>

<sc_bundles>
// kernel: kernel.4.cloned.1.call-start
scs
__scs_entry_jumppad:
0x0: {  	(pc) =	sbr.rel $0x88, $3  }
0x1: {  	(tag) =	ssettag $0x0;
	lr =	simm.s32 $0x1  }
0x2: {  	[smem:$0x3F9F] =	sst lr;
	_ =	strace $0xD0000000  }
0x3: {  	_ = 	snop  }
0x4: {  	_ = 	snop  }
0x5: {  	_ = 	snop  }
0x6: {  	_ = 	snop  }
0x7: {  	_ = 	snop  }
__scs_overlays_trampoline_lowered:
0x8: {  	[smem:$0x3FAE] =	sst s0  }
0x9: {  	[smem:$0x3FAF] =	sst s1  }
0xa: {  	[smem:$0x3FB0] =	sst s2  }
0xb: {  	[smem:$0x3FB1] =	sst s3  }
0xc: {  	[smem:$0x3FB2] =	sst s4  }
0xd: {  	[smem:$0x3FB3] =	sst s5  }
0xe: {  	[smem:$0x3FB4] =	sst s6  }
0xf: {  	[smem:$0x3FB5] =	sst s7  }
0x10: {  	[smem:$0x3FB6] =	sst s8  }
0x11: {  	[smem:$0x3FB7] =	sst s9;
	s0 =	simm.s32 @!p0 $0x0  }
0x12: {  	s1 =	sld [smem:$0x3F9D];
	s0 =	simm.s32 @p0 $0x1  }
0x13: {  	[smem:$0x3FB8] =	sst s0;
	s0 =	simm.s32 @!p1 $0x0  }
0x14: {  	s2 =	sld [smem:$0x3F9C];
	s0 =	simm.s32 @p1 $0x1  }
0x15: {  	[smem:$0x3FB9] =	sst s0;
	s0 =	simm.s32 @!p2 $0x0  }
0x16: {  	s3 =	sld [smem:$0x3FDB];
	s0 =	simm.s32 @p2 $0x1  }
0x17: {  	s4 =	simm.s32 $0x1BF5;
	[smem:$0x3FBB] =	sst s0  }
0x18: {  	s0 =	sld [smem:$0x3F9E];
	_ =	swait.ge [sflag:s4], $0x0  }
0x19: {  	s7 =	sld [smem:$0x3F9F]  }
0x1a: {  	s8 =	sadd.s32 $0xFFFFE003, lr  }
0x1b: {  	s9 =	sadd.s32 $0xFFFFFEF7, lr;
	s5 =	simm.s32 $0xFFFFFFFF;
	p2 =	slt.u32 s8, $0xFFFFF086  }
0x1c: {  	p1 =	slt.u32 s9, $0xF7A;
	s5 =	simm.s32 @!p2 $0x0  }
0x1d: {  	s5 =	simm.s32 @p1 $0x1;
	p0 =	seq.s32 s7, s2  }
0x1e: {  	s7 =	smul.u32 @!p0 $0xF7A, s2;
	p2 =	seq.s32 @!p0 s5, $0x0  }
0x1f: {  	s9 =	smul.u32 $0xF7A, s1;
	s8 =	simm.s32 @!p0 $0x1BF5;
	p2 =	por !p2, p0  }
0x20: {  	[sflag:s8] =	ssyncset.s32 @!p0 $0xFFFFF086;
	s6 =	sadd.s32 @!p0 s3, s7;
	s7 =	simm.s32 @!p0 $0x108  }
0x21: {  	s3 =	sadd.s32 s3, s9;
	s6 =	sadd.s32 @!p0 $0x88, s6;
	s7 =	simm.s32 @p2 $0x1082  }
0x22: {  	[simem:s7], [sflag:s8] =	dma.local @!p0 [hbm:s6], $0xF7A  }
0x23: {  	s9 =	sor.u32 $0xD0000000, s2;
	s6 =	simm.s32 $0x108;
	_ =	swait.ge @!p0 [sflag:s8], $0x0  }
0x24: {  	s3 =	sadd.s32 $0x88, s3;
	s6 =	simm.s32 @!p1 $0x1082;
	[sflag:s4] =	ssyncset.s32 $0xFFFFF086  }
0x25: {  	[simem:s6], [sflag:s4] =	dma.local [hbm:s3], $0xF7A  }
0x26: {  	[smem:$0x3F9F] =	sst s1;
	(tag) =	ssettag s2;
	_ =	strace s9  }
0x27: {  	s1 =	sld [smem:$0x3FAF]  }
0x28: {  	s2 =	sld [smem:$0x3FB0]  }
0x29: {  	s4 =	sld [smem:$0x3FB2]  }
0x2a: {  	p0 =	seq.s32 s5, $0x0;
	s5 =	sld [smem:$0x3FB3]  }
0x2b: {  	s6 =	sld [smem:$0x3FB4]  }
0x2c: {  	s7 =	sld [smem:$0x3FB5]  }
0x2d: {  	s3 =	simm.s32 $0x108;
	s8 =	sld [smem:$0x3FB6]  }
0x2e: {  	s3 =	simm.s32 @!p0 $0x1082;
	s9 =	sld [smem:$0x3FB7]  }
0x2f: {  	lr =	sadd.s32 s0, s3;
	s0 =	sld [smem:$0x3FAE]  }
0x30: {  	s3 =	sld [smem:$0x3FB1]  }
0x31: {  	[smem:$0x3FBA] =	sst s10  }
0x32: {  	s10 =	sld [smem:$0x3FB8];
	_ =	sdelay $0x3  }
0x33: {  	p0 =	seq.s32 s10, $0x1;
	s10 =	sld [smem:$0x3FBA];
	_ =	sdelay $0x3  }
0x34: {  	[smem:$0x3FBA] =	sst s10  }
0x35: {  	s10 =	sld [smem:$0x3FB9];
	_ =	sdelay $0x3  }
0x36: {  	p1 =	seq.s32 s10, $0x1;
	s10 =	sld [smem:$0x3FBA];
	_ =	sdelay $0x3  }
0x37: {  	[smem:$0x3FBA] =	sst s10  }
0x38: {  	s10 =	sld [smem:$0x3FBB]  }
0x39: {  	_ = 	snop;
	(pc) =	sbr.ind lr, $3  }
0x3a: {  	_ = 	snop  }
0x3b: {  	_ = 	snop  }
0x3c: {  	p2 =	seq.s32 s10, $0x1;
	s10 =	sld [smem:$0x3FBA]  }
0x3d: {  	_ =	shalt  }
0x3e: {  	_ =	shalt  }
0x3f: {  	_ =	shalt  }
0x40: {  	_ =	shalt  }
0x41: {  	_ =	shalt  }
0x42: {  	_ =	shalt  }
0x43: {  	_ =	shalt  }
0x44: {  	_ =	shalt  }
0x45: {  	_ =	shalt  }
0x46: {  	_ =	shalt  }
0x47: {  	_ =	shalt  }
0x48: {  	_ =	shalt  }
0x49: {  	_ =	shalt  }
0x4a: {  	_ =	shalt  }
0x4b: {  	_ =	shalt  }
0x4c: {  	_ =	shalt  }
0x4d: {  	_ =	shalt  }
0x4e: {  	_ =	shalt  }
0x4f: {  	_ =	shalt  }
0x50: {  	_ =	shalt  }
0x51: {  	_ =	shalt  }
0x52: {  	_ =	shalt  }
0x53: {  	_ =	shalt  }
0x54: {  	_ =	shalt  }
0x55: {  	_ =	shalt  }
0x56: {  	_ =	shalt  }
0x57: {  	_ =	shalt  }
0x58: {  	_ =	shalt  }
0x59: {  	_ =	shalt  }
0x5a: {  	_ =	shalt  }
0x5b: {  	_ =	shalt  }
0x5c: {  	_ =	shalt  }
0x5d: {  	_ =	shalt  }
0x5e: {  	_ =	shalt  }
0x5f: {  	_ =	shalt  }
0x60: {  	_ =	shalt  }
0x61: {  	_ =	shalt  }
0x62: {  	_ =	shalt  }
0x63: {  	_ =	shalt  }
0x64: {  	_ =	shalt  }
0x65: {  	_ =	shalt  }
0x66: {  	_ =	shalt  }
0x67: {  	_ =	shalt  }
0x68: {  	_ =	shalt  }
0x69: {  	_ =	shalt  }
0x6a: {  	_ =	shalt  }
0x6b: {  	_ =	shalt  }
0x6c: {  	_ =	shalt  }
0x6d: {  	_ =	shalt  }
0x6e: {  	_ =	shalt  }
0x6f: {  	_ =	shalt  }
0x70: {  	_ =	shalt  }
0x71: {  	_ =	shalt  }
0x72: {  	_ =	shalt  }
0x73: {  	_ =	shalt  }
0x74: {  	_ =	shalt  }
0x75: {  	_ =	shalt  }
0x76: {  	_ =	shalt  }
0x77: {  	_ =	shalt  }
0x78: {  	_ =	shalt  }
0x79: {  	_ =	shalt  }
0x7a: {  	_ =	shalt  }
0x7b: {  	_ =	shalt  }
0x7c: {  	_ =	shalt  }
0x7d: {  	_ =	shalt  }
0x7e: {  	_ =	shalt  }
0x7f: {  	_ =	shalt  }
0x80: {  	_ =	shalt  }
0x81: {  	_ =	shalt  }
0x82: {  	_ =	shalt  }
0x83: {  	_ =	shalt  }
0x84: {  	_ =	shalt  }
0x85: {  	_ =	shalt  }
0x86: {  	_ =	shalt  }
0x87: {  	_ =	shalt  }
.Lfunc_end0:
.L_simem_size_0:
called_computation_lowered:
.L_overlay_start_0:
0x88: {  	s2 =	sld [smem:$0x3FD9]  }
0x89: {  	s3 =	sld [smem:$0x3FFE];
	_ =	sdelay $0x1  }
0x8a: {  	s1 =	srdreg.scid  }
0x8b: {  	s0 =	sand.u32 $0x1, s1  }
0x8c: {  	s14 =	sshll.u32 s0, $0xA;
	s2 =	sadd.s32 s3, s2  }
0x8d: {  	s2 =	sadd.s32 s2, s14  }
0x8e: {  	[smem:$0x3FC6] =	sst s2  }
0x8f: {  	_ = 	snop  }
0x90: {  	s2 =	sld [smem:$0x3FD0];
	_ =	sdelay $0x2  }
0x91: {  	s15 =	simm.s32 $0xA;
	s4 =	simm.s32 $0x10  }
0x92: {  	[smem:s4], [sflag:s15] =	dma.local [hbm:s2], $0x1  }
0x93: {  	_ =	swait.eq [sflag:s15], $0x1  }
0x94: {  	[sflag:s15] =	ssyncset.done $0x0  }
0x95: {  	s16 =	sld [smem:$0x10];
	[sflag:s15] =	ssyncadd.s32 $0xFFFFFFFF  }
0x96: {  	s17 =	sld [smem:$0x11];
	(tm) =	ssettm $0x1  }
0x97: {  	s18 =	sld [smem:$0x3FFB];
	_ =	sdelay $0x3  }
0x98: {  	_ =	strace s18  }
0x99: {  	s4 =	sld [smem:$0x3FFC];
	_ =	sdelay $0x3  }
0x9a: {  	_ =	strace s4  }
0x9b: {  	s4 =	sld [smem:$0x3FFD];
	_ =	sdelay $0x3  }
0x9c: {  	_ =	strace s4  }
0x9d: {  	_ =	strace $0x8FFFFFFF  }
0x9e: {  	s19 =	sld [smem:$0x3FDB];
	_ =	sdelay $0x1  }
0x9f: {  	s5 =	simm.s32 $_scs_section_size  }
0xa0: {  	s6 =	simm.s32 $_size__tile_overlayer_lowered;
	s7 =	simm.s32 $_tile_overlayer_lowered  }
0xa1: {  	s22 =	simm.s32 $0x1BFF;
	s21 =	sshll.u32 s7, $0x1;
	s4 =	sadd.s32 s5, s19  }
0xa2: {  	s8 =	simm.s32 $0x0;
	s20 =	sshll.u32 s6, $0x1;
	s6 =	sadd.s32 s21, s4  }
0xa3: {  	[timem:s8], [sflag:s22] =	dma.local [hbm:s6], s20  }
0xa4: {  	_ =	swait.ge [sflag:s22], s20  }
0xa5: {  	s5 =	ssub.s32 $0x0, s20;
	[sflag:s22] =	ssyncset.done $0x0  }
0xa6: {  	[sflag:s22] =	ssyncadd.s32 s5;
	_ =	sdelay $0x1  }
0xa7: {  	s23 =	simm.s32 $0x1B8B  }
0xa8: {  	_ =	swait.ge [sflag:s23], $0x1  }
0xa9: {  	[sflag:s23] =	ssyncset.done $0x0  }
0xaa: {  	s25 =	simm.s32 $0x1B8E;
	s24 =	sld [smem:$0x3FFE];
	[sflag:s23] =	ssyncadd.s32 $0xFFFFFFFF  }
0xab: {  	s26 =	simm.s32 $execute0_lowered;
	[smem:$0x3FD2] =	sst s25  }
0xac: {  	s6 =	sshll.u32 s26, $0x1;
	_ =	strace $0x80000046;
	[dreg:$0x1] =	wrdreg $0xFFFFFFFF  }
0xad: {  	s28 =	simm.s32 $_size_execute0_lowered;
	s4 =	sadd.s32 s4, s6;
	[dreg:$0x0] =	wrdreg $0x0  }
0xae: {  	s6 =	sshll.u32 s28, $0x1;
	[dreg:$0x2] =	wrdreg s4  }
0xaf: {  	[dreg:$0x3] =	wrdreg s6  }
0xb0: {  	[dreg:$0x4] =	wrdreg $0xC0  }
0xb1: {  	_ =	task [dreg:s8], $0x5FFFF  }
0xb2: {  	[dreg:$0x1] =	wrdreg $0xFFFFFFFF  }
0xb3: {  	[dreg:$0x0] =	wrdreg $0x60  }
0xb4: {  	[dreg:$0x2] =	wrdreg s17  }
0xb5: {  	[dreg:$0x3] =	wrdreg s16  }
0xb6: {  	[dreg:$0x4] =	wrdreg s24  }
0xb7: {  	[dreg:$0x5] =	wrdreg $0x54000  }
0xb8: {  	[dreg:$0x6] =	wrdreg $0x9  }
0xb9: {  	_ =	task.clear_ibuf [dreg:s8], $0x7FFFF;
	_ =	strace $0x90000046  }
0xba: {  	s29 =	simm.s32 $0x9;
	_ =	strace $0x80000048  }
0xbb: {  	_ =	swait.ge [sflag:s29], $0x1  }
0xbc: {  	[sflag:s29] =	ssyncadd.s32 $0xFFFFFFFF  }
0xbd: {  	_ =	strace $0x90000048  }
0xbe: {  	_ =	sfence  }
0xbf: {  	s30 =	sld [smem:$0x0];
	_ =	sdelay $0x2  }
0xc0: {  	s31 =	sshll.u32 s1, $0xD;
	s1 =	sshrl.u32 s1, $0x2  }
0xc1: {  	s3 =	sand.u32 $0x4000, s31;
	s1 =	sadd.s32 s1, s30  }
0xc2: {  	s0 =	sor.u32 s3, s0;
	s1 =	sshll.u32 s1, $0x11  }
0xc3: {  	s0 =	sor.u32 s1, s0  }
0xc4: {  	s0 =	sadd.s32 $0x8F2B, s0  }
0xc5: {  	[sflag:s0] =	ssyncadd.remote.s32 $0x1  }
0xc6: {  	_ =	sfence.sel $0xFFFF  }
0xc7: {  	[dreg:$0x0] =	wrdreg $0xFFFFFFFF;
	(pc) =	sbr.abs _section_cstart, $3  }
0xc8: {  	[dreg:$0x1] =	wrdreg $0xFFFFFFFF  }
0xc9: {  	_ =	task.clear_ibuf [dreg:s8], $0x2FFFF;
	_ =	strace $0x9FFFFFFF  }
0xca: {  	(tm) =	ssettm $0x7FFFFFFF  }
0xcb: {  	_ =	shalt  }
tec
execute0_lowered:
.L_overlay_start_1:
0x0: {  	(tag) =	ssettag $0x1  }
0x1: {  	s0 =	rddreg [dreg:$0x0]  }
0x2: {  	s10 =	rddreg [dreg:$0x1]  }
0x3: {  	s1 =	rddreg [dreg:$0x2]  }
0x4: {  	s3 =	rddreg [dreg:$0x3];
	s2 =	simm.s32 $0x0;
	s4 =	srdreg.scid  }
0x5: {  	s11 =	stileid.u32;
	s30 =	simm.s32 $0x1;
	s31 =	simm.s32 $0x80  }
0x6: {  	[smem:$0x7FF] =	sst s2;
	s4 =	sand.u32 $0x1, s4;
	s6 =	sshll.u32 s11, $0x4  }
0x7: {  	s7 =	sshll.u32 s11, $0x8;
	s22 =	sadd.s32 $0x200, s10;
	s23 =	sadd.s32 $0x400, s10  }
0x8: {  	s24 =	sshll.u32 s11, $0xC;
	_ =	strace $0x80000047;
	s5 =	sshll.u32 s4, $0x8  }
0x9: {  	s8 =	sshll.u32 s4, $0xC;
	s4 =	ssub.s32 $0x2, s4;
	[dreg:$0x7] =	wrdreg s22  }
0xa: {  	[dreg:$0x8] =	wrdreg s23;
	s5 =	sor.u32 s6, s5;
	s25 =	sor.u32 s7, s8  }
0xb: {  	s9 =	sshrl.u32 s4, $0x1;
	s26 =	sadd.s32 s5, s1;
	s6 =	sshrl.u32 s25, $0x3  }
0xc: {  	s12 =	ssub.s32 s4, s9;
	s4 =	sadd.s32 s0, s5;
	s9 =	sadd.s32 s7, s3  }
0xd: {  	s1 =	sadd.s32 s6, s1;
	s0 =	sadd.s32 $0x200, s4;
	s21 =	sadd.s32 $0x400, s4  }
0xe: {  	s25 =	sadd.s32 $0x600, s26;
	s26 =	sadd.s32 $0x1000, s9;
	s13 =	sadd.s32 $0x2000, s9  }
0xf: {  	s14 =	sadd.s32 $0x3000, s9;
	s15 =	sadd.s32 $0x4000, s9;
	s16 =	sadd.s32 $0x5000, s9  }
0x10: {  	s17 =	sadd.s32 $0x6000, s9;
	s18 =	sadd.s32 $0x7000, s9;
	s19 =	sadd.s32 $0x8000, s9  }
0x11: {  	s20 =	sadd.s32 $0x9000, s9;
	s22 =	sadd.s32 $0xB000, s9;
	[dreg:$0x5] =	wrdreg s0  }
0x12: {  	s23 =	sadd.s32 $0xC000, s9;
	s28 =	sadd.s32 $0xE000, s9;
	[dreg:$0x6] =	wrdreg s21  }
0x13: {  	v0 =	vlaneseq.u32;
	s29 =	sadd.s32 $0xF000, s9;
	[dreg:$0x9] =	wrdreg s25;
	s0 =	sadd.s32 s24, s3  }
0x14: {  	v0 =	vmul.u32 $0x10, v0;
	[dreg:$0xb] =	wrdreg s26;
	s21 =	sadd.s32 $0xA000, s9;
	s24 =	sadd.s32 $0x200, s1  }
0x15: {  	s25 =	smax.u32 s12, $0x1;
	s26 =	sadd.s32 $0xD000, s9;
	s3 =	simm.s32 $0x4200  }
0x16: {  	v1 =	vimm.f32 $3.000000010e+38;
	[tilespmem:$0x1FFF0] =	vst v0;
	s1 =	simm.s32 $0x0;
	[dreg:$0xa] =	wrdreg s0;
	s0 =	simm.s32 $0x100  }
.LBB2_1:
0x17: {  	[tilespmem:s2], [sflag:$0x1] =	stream.linear.gather [hbm4b:s4+s2], $0x80, $0x38;
	[tilespmem:$0x6400] =	vst v63  }
0x18: {  	_ =	swait.ge [sflag:s30], $0x80  }
0x19: {  	[sflag:s30] =	ssyncset.done $0x0  }
0x1a: {  	s5 =	rddreg [dreg:$0x5];
	[sflag:s30] =	ssyncadd.s32 $0xFFFFFF80  }
0x1b: {  	[tilespmem:s31], [sflag:$0x1] =	stream.linear.gather [hbm4b:s5+s2], $0x80, $0x38;
	[tilespmem:$0x6400] =	vst v63  }
0x1c: {  	_ =	swait.ge [sflag:s30], $0x80  }
0x1d: {  	[sflag:s30] =	ssyncset.done $0x0  }
0x1e: {  	s6 =	rddreg [dreg:$0x6];
	[sflag:s30] =	ssyncadd.s32 $0xFFFFFF80  }
0x1f: {  	[tilespmem:s0], [sflag:$0x1] =	stream.linear.gather [hbm4b:s6+s2], $0x80, $0x38;
	[tilespmem:$0x6400] =	vst v63  }
0x20: {  	_ =	swait.ge [sflag:s30], $0x80  }
0x21: {  	[sflag:s30] =	ssyncset.done $0x0  }
0x22: {  	[sflag:s30] =	ssyncadd.s32 $0xFFFFFF80  }
0x23: {  	s6 =	simm.s32 $0x180;
	s7 =	rddreg [dreg:$0x1]  }
0x24: {  	[tilespmem:s6], [sflag:$0x1] =	stream.linear.gather [hbm4b:s7+s2], $0x1000, $0x38;
	[tilespmem:$0x6400] =	vst v63  }
0x25: {  	_ =	swait.ge [sflag:s30], $0x1000  }
0x26: {  	[sflag:s30] =	ssyncset.done $0x0  }
0x27: {  	s10 =	simm.s32 $0x1180;
	s8 =	rddreg [dreg:$0x7];
	[sflag:s30] =	ssyncadd.s32 $0xFFFFF000  }
0x28: {  	[tilespmem:s10], [sflag:$0x1] =	stream.linear.gather [hbm4b:s8+s2], $0x1000, $0x38;
	[tilespmem:$0x6400] =	vst v63  }
0x29: {  	_ =	swait.ge [sflag:s30], $0x1000  }
0x2a: {  	[sflag:s30] =	ssyncset.done $0x0  }
0x2b: {  	s12 =	simm.s32 $0x2180;
	s11 =	rddreg [dreg:$0x8];
	[sflag:s30] =	ssyncadd.s32 $0xFFFFF000  }
0x2c: {  	[tilespmem:s12], [sflag:$0x1] =	stream.linear.gather [hbm4b:s11+s2], $0x1000, $0x38;
	[tilespmem:$0x6400] =	vst v63  }
0x2d: {  	_ =	swait.ge [sflag:s30], $0x1000  }
0x2e: {  	[sflag:s30] =	ssyncset.done $0x0  }
0x2f: {  	s5 =	simm.s32 $0x0;
	[sflag:s30] =	ssyncadd.s32 $0xFFFFF000  }
.LBB2_2:
0x30: {  	p0 =	sne.s32 s5, $0x3FC0  }
.Ltmp0:
0x31: {  	_ = 	snop;
	(pc) =	sbr.rel @p0 .LBB2_2-.Ltmp0, $3  }
0x32: {  	_ =	sdelay $0x1  }
0x33: {  	s6 =	sshra.s32 s5, $0x2  }
0x34: {  	s5 =	sadd.s32 $0x40, s5;
	[tilespmem:s6+$0x3200] =	vst v1  }
0x35: {  	s5 =	simm.s32 $0x0  }
.LBB2_4:
0x36: {  	s6 =	sshll.u32 s5, $0x4  }
0x37: {  	v0 =	vmov s6  }
0x38: {  	s7 =	sor.u32 $0x1, s6;
	v10 =	vbroadcast v0, $0x0  }
0x39: {  	s12 =	sor.u32 $0x2, s6;
	v0 =	vmov s7  }
0x3a: {  	s8 =	sor.u32 $0x3, s6;
	v8 =	vbroadcast v0, $0x0;
	v0 =	vmov s12  }
0x3b: {  	s10 =	sor.u32 $0x4, s6;
	v9 =	vbroadcast v0, $0x0;
	v0 =	vmov s8  }
0x3c: {  	v6 =	vbroadcast v0, $0x0;
	v0 =	vmov s10  }
0x3d: {  	v7 =	vbroadcast v0, $0x0  }
0x3e: {  	[tilespmem:$0x1F8F0] =	vst v10;
	v17 =	vld.idx.msk [tilespmem:v10+s2+$0x0], $0xffff  }
0x3f: {  	s11 =	sor.u32 $0x5, s6;
	[tilespmem:$0x1F900] =	vst v8;
	v18 =	vld.idx.msk [tilespmem:v10+s31+$0x0], $0xffff  }
0x40: {  	s12 =	sor.u32 $0x6, s6;
	v0 =	vmov s11;
	[tilespmem:$0x1F910] =	vst v9;
	v53 =	vld.idx.msk [tilespmem:v8+s2+$0x0], $0xffff  }
0x41: {  	s11 =	sor.u32 $0x9, s6;
	v3 =	vbroadcast v0, $0x0;
	v0 =	vmov s12;
	[tilespmem:$0x1F920] =	vst v6;
	v51 =	vld.idx.msk [tilespmem:v8+s31+$0x0], $0xffff  }
0x42: {  	s8 =	sor.u32 $0x7, s6;
	v1 =	vmov s11;
	v4 =	vbroadcast v0, $0x0;
	[tilespmem:$0x1F930] =	vst v7;
	v21 =	vld.idx.msk [tilespmem:v9+s2+$0x0], $0xffff  }
0x43: {  	s10 =	sor.u32 $0x8, s6;
	v0 =	vmov s8;
	v1 =	vbroadcast v1, $0x0;
	[tilespmem:$0x1F940] =	vst v3;
	v25 =	vld.idx.msk [tilespmem:v7+s2+$0x0], $0xffff  }
0x44: {  	v2 =	vbroadcast v0, $0x0;
	v0 =	vmov s10;
	[tilespmem:$0x1F950] =	vst v4;
	v8 =	vld.idx.msk [tilespmem:v9+s31+$0x0], $0xffff  }
0x45: {  	v0 =	vbroadcast v0, $0x0;
	[tilespmem:$0x1F980] =	vst v1;
	v13 =	vld.idx.msk [tilespmem:v6+s2+$0x0], $0xffff  }
0x46: {  	[tilespmem:$0x1F960] =	vst v2;
	v24 =	vld.idx.msk [tilespmem:v6+s31+$0x0], $0xffff  }
0x47: {  	[tilespmem:$0x1F970] =	vst v0;
	v55 =	vld.idx.msk [tilespmem:v7+s31+$0x0], $0xffff  }
0x48: {  	s8 =	simm.s32 $0x190;
	v57 =	vld.idx.msk [tilespmem:v3+s2+$0x0], $0xffff;
	[tilespmem:$0x1F8E0] =	vst v25  }
0x49: {  	s7 =	simm.s32 $0x1190;
	v29 =	vld [tilespmem:s8+$0xFFFFFFF0]  }
0x4a: {  	v31 =	vld [tilespmem:s7+$0xFFFFFFF0];
	[tilespmem:$0x1F9F0] =	vst v17  }
0x4b: {  	v60 =	vld.idx.msk [tilespmem:v3+s31+$0x0], $0xffff;
	[tilespmem:$0x1FA00] =	vst v18  }
0x4c: {  	s11 =	sor.u32 $0xC, s6;
	v59 =	vld.idx.msk [tilespmem:v4+s2+$0x0], $0xffff;
	[tilespmem:$0x1FA10] =	vst v53  }
0x4d: {  	v12 =	vmov s11;
	s10 =	sor.u32 $0xA, s6;
	v47 =	vld.idx.msk [tilespmem:v1+s2+$0x0], $0xffff;
	[tilespmem:$0x1FA20] =	vst v21  }
0x4e: {  	s12 =	sor.u32 $0xB, s6;
	v12 =	vbroadcast v12, $0x0;
	v10 =	vmov s10;
	v63 =	vld.idx.msk [tilespmem:v4+s31+$0x0], $0xffff;
	[tilespmem:$0x1FA30] =	vst v8  }
0x4f: {  	v11 =	vbroadcast v10, $0x0;
	v10 =	vmov s12;
	v6 =	vmovc v17;
	v46 =	vld.idx.msk [tilespmem:v1+s31+$0x0], $0xffff;
	[tilespmem:$0x1FA40] =	vst v13;
	v16 =	vsub.f32 v17, v29  }
0x50: {  	v5 =	vmov v18;
	v62 =	vld.idx.msk [tilespmem:v2+s2+$0x0], $0xffff;
	[tilespmem:$0x1FA50] =	vst v24;
	v17 =	vsub.f32 v18, v31;
	v18 =	vsub.f32 v53, v29  }
0x51: {  	v58 =	vbroadcast v10, $0x0;
	v61 =	vld.idx.msk [tilespmem:v2+s31+$0x0], $0xffff;
	[tilespmem:$0x1FA60] =	vst v55;
	v19 =	vsub.f32 v51, v31;
	v20 =	vsub.f32 v21, v29  }
0x52: {  	v10 =	vmov v21;
	v54 =	vld.idx.msk [tilespmem:v0+s2+$0x0], $0xffff;
	[tilespmem:$0x1FA70] =	vst v57;
	v21 =	vsub.f32 v8, v31;
	v22 =	vsub.f32 v13, v29  }
0x53: {  	v56 =	vld.idx.msk [tilespmem:v0+s31+$0x0], $0xffff;
	v7 =	vmov v24;
	[tilespmem:$0x1FA80] =	vst v60;
	v23 =	vsub.f32 v24, v31;
	v24 =	vsub.f32 v25, v29  }
0x54: {  	s11 =	sor.u32 $0xE, s6;
	v45 =	vld.idx.msk [tilespmem:v12+s31+$0x0], $0xffff;
	[tilespmem:$0x1FA90] =	vst v59;
	v25 =	vsub.f32 v55, v31;
	v26 =	vsub.f32 v57, v29  }
0x55: {  	v14 =	vmov s11;
	v48 =	vld.idx.msk [tilespmem:v11+s2+$0x0], $0xffff;
	[tilespmem:$0x1FAA0] =	vst v63;
	v27 =	vsub.f32 v60, v31;
	v28 =	vsub.f32 v59, v29  }
0x56: {  	v14 =	vbroadcast v14, $0x0;
	s12 =	sor.u32 $0xD, s6;
	v52 =	vld.idx.msk [tilespmem:v11+s31+$0x0], $0xffff;
	[tilespmem:$0x1FAF0] =	vst v47;
	v30 =	vsub.f32 v63, v31;
	v32 =	vsub.f32 v62, v29  }
0x57: {  	v9 =	vmovc v13;
	v44 =	vld.idx.msk [tilespmem:v58+s2+$0x0], $0xffff;
	[tilespmem:$0x1FB00] =	vst v46;
	v13 =	vmov s12;
	v33 =	vsub.f32 v61, v31;
	v34 =	vsub.f32 v54, v29  }
0x58: {  	v3 =	vld.idx.msk [tilespmem:v58+s31+$0x0], $0xffff;
	[tilespmem:$0x1FAB0] =	vst v62;
	v35 =	vsub.f32 v56, v31;
	v13 =	vbroadcast v13, $0x0;
	v16 =	vmul.f32 v16, v16  }
0x59: {  	[tilespmem:$0x1FAC0] =	vst v61;
	v36 =	vsub.f32 v47, v29;
	v17 =	vmul.f32 v17, v17;
	v18 =	vmul.f32 v18, v18  }
0x5a: {  	[tilespmem:$0x1FB80] =	vst v45;
	v37 =	vsub.f32 v46, v31;
	v19 =	vmul.f32 v19, v19;
	v20 =	vmul.f32 v20, v20  }
0x5b: {  	[tilespmem:$0x1FAD0] =	vst v54;
	v38 =	vsub.f32 v48, v29;
	v21 =	vmul.f32 v21, v21;
	v40 =	vmul.f32 v22, v22  }
0x5c: {  	[tilespmem:$0x1FAE0] =	vst v56;
	v22 =	vadd.f32 v17, v16;
	v17 =	vmul.f32 v26, v26;
	v26 =	vmul.f32 v27, v27  }
0x5d: {  	[tilespmem:$0x1FB10] =	vst v48;
	v43 =	vsub.f32 v44, v29;
	v16 =	vmul.f32 v25, v25;
	v27 =	vmul.f32 v28, v28  }
0x5e: {  	[tilespmem:$0x1FB20] =	vst v52;
	v25 =	vadd.f32 v19, v18;
	v18 =	vmul.f32 v30, v30;
	v0 =	vadd.f32 v26, v17  }
0x5f: {  	[tilespmem:$0x1FB30] =	vst v44;
	v41 =	vmul.f32 v23, v23;
	v23 =	vmov v44;
	v44 =	vld.idx.msk [tilespmem:v12+s2+$0x0], $0xffff;
	v28 =	vmul.f32 v32, v32  }
0x60: {  	s12 =	sshllo.u32 s5, $0x4;
	v19 =	vadd.f32 v21, v20;
	v21 =	vmul.f32 v33, v33;
	[tilespmem:$0x1F990] =	vst v0;
	v0 =	vadd.f32 v18, v27  }
0x61: {  	v39 =	vsub.f32 v52, v31;
	[tilespmem:$0x1FB40] =	vst v3;
	v15 =	vmov s12;
	v42 =	vmul.f32 v24, v24  }
0x62: {  	v30 =	vmul.f32 v34, v34;
	v32 =	vmul.f32 v35, v35;
	[tilespmem:$0x1F9A0] =	vst v0;
	v0 =	vadd.f32 v21, v28  }
0x63: {  	v24 =	vadd.f32 v41, v40;
	v4 =	vld.idx.msk [tilespmem:v13+s2+$0x0], $0xffff;
	v18 =	vmul.f32 v36, v36;
	v28 =	vmul.f32 v37, v37  }
0x64: {  	v41 =	vmul.f32 v43, v43;
	v49 =	vld.idx.msk [tilespmem:v13+s31+$0x0], $0xffff;
	[tilespmem:$0x1F9B0] =	vst v0;
	v0 =	vadd.f32 v32, v30  }
0x65: {  	v20 =	vadd.f32 v16, v42;
	v42 =	vld.idx.msk [tilespmem:v14+s2+$0x0], $0xffff;
	[tilespmem:$0x1FB70] =	vst v44;
	v1 =	vadd.f32 v28, v18  }
0x66: {  	v16 =	vld.idx.msk [tilespmem:v14+s31+$0x0], $0xffff;
	v30 =	vmul.f32 v38, v38;
	v32 =	vmul.f32 v39, v39;
	[tilespmem:$0x1F9C0] =	vst v0  }
0x67: {  	v43 =	vsub.f32 v45, v31;
	v26 =	vsub.f32 v3, v31;
	v2 =	vld.idx.msk [tilespmem:v15+s31+$0x0], $0xffff;
	[tilespmem:$0x1F9D0] =	vst v1  }
0x68: {  	v27 =	vsub.f32 v44, v29;
	v1 =	vadd.f32 v32, v30;
	v36 =	vld [tilespmem:s8+$0x0];
	[tilespmem:$0x1FB90] =	vst v4  }
0x69: {  	v50 =	vld.idx.msk [tilespmem:v15+s2+$0x0], $0xffff;
	v34 =	vmul.f32 v43, v43;
	[tilespmem:$0x1FBA0] =	vst v49  }
0x6a: {  	v17 =	vmov v44;
	v44 =	vmul.f32 v27, v27;
	v28 =	vmul.f32 v26, v26;
	[tilespmem:$0x1F9E0] =	vst v1  }
0x6b: {  	v43 =	vsub.f32 v42, v29;
	v40 =	vsub.f32 v49, v31;
	v32 =	vld [tilespmem:s7+$0x0]  }
0x6c: {  	v27 =	vadd.f32 v28, v41;
	v28 =	vadd.f32 v34, v44  }
0x6d: {  	v44 =	vsub.f32 v16, v31;
	v31 =	vsub.f32 v2, v31  }
0x6e: {  	v33 =	vmul.f32 v43, v43;
	v0 =	vmovc v45;
	v45 =	vsub.f32 v4, v29;
	v29 =	vsub.f32 v50, v29  }
0x6f: {  	v34 =	vmul.f32 v44, v44;
	v31 =	vmul.f32 v31, v31  }
0x70: {  	v29 =	vmul.f32 v29, v29;
	v43 =	vsub.f32 v53, v36;
	v44 =	vsub.f32 v51, v32;
	_ =	sdelay $0x1  }
0x71: {  	v18 =	vadd.f32 v31, v29;
	v29 =	vmul.f32 v43, v43;
	v31 =	vmul.f32 v44, v44  }
0x72: {  	v53 =	vadd.f32 v34, v33;
	v39 =	vsub.f32 v10, v36  }
0x73: {  	v34 =	vadd.f32 v31, v29;
	v29 =	vsub.f32 v8, v32  }
0x74: {  	v41 =	vmul.f32 v40, v40;
	v44 =	vsub.f32 v57, v36;
	v57 =	vsub.f32 v59, v36  }
0x75: {  	[tilespmem:$0x1FBB0] =	vst v42;
	v59 =	vsub.f32 v63, v32;
	v31 =	vmul.f32 v39, v39;
	v29 =	vmul.f32 v29, v29  }
0x76: {  	v30 =	vmul.f32 v45, v45;
	v1 =	vmovc v42;
	v45 =	vsub.f32 v6, v36;
	v42 =	vsub.f32 v5, v32  }
0x77: {  	v39 =	vadd.f32 v29, v31;
	v31 =	vmul.f32 v59, v59;
	v59 =	vsub.f32 v3, v32;
	v3 =	vld [tilespmem:$0x1F900]  }
0x78: {  	v21 =	vld [tilespmem:$0x1F8E0];
	v30 =	vadd.f32 v41, v30;
	v45 =	vmul.f32 v45, v45;
	v37 =	vmul.f32 v42, v42  }
0x79: {  	v40 =	vsub.f32 v9, v36;
	v41 =	vsub.f32 v7, v32  }
0x7a: {  	v26 =	vadd.f32 v37, v45;
	v45 =	vsub.f32 v60, v32  }
0x7b: {  	v33 =	vmul.f32 v40, v40;
	v60 =	vsub.f32 v62, v36;
	v62 =	vsub.f32 v61, v32  }
0x7c: {  	v35 =	vmul.f32 v41, v41;
	v40 =	vmul.f32 v45, v45  }
0x7d: {  	v42 =	vsub.f32 v21, v36;
	v63 =	vmul.f32 v60, v60;
	v45 =	vmul.f32 v62, v62;
	_ =	sdelay $0x1  }
0x7e: {  	v37 =	vmul.f32 v42, v42;
	v42 =	vadd.f32 v35, v33;
	v35 =	vadd.f32 v45, v63;
	v63 =	vld.idx.msk [tilespmem:v3+s0+$0x0], $0xffff  }
0x7f: {  	v3 =	vsub.f32 v4, v36;
	v4 =	vld [tilespmem:$0x1F910];
	_ =	sdelay $0x1  }
0x80: {  	v43 =	vsub.f32 v55, v32;
	_ =	sdelay $0x1  }
0x81: {  	v38 =	vmul.f32 v43, v43;
	v61 =	vsub.f32 v0, v32;
	v0 =	vld [tilespmem:$0x1F8F0]  }
0x82: {  	v55 =	vmul.f32 v44, v44;
	v29 =	vmul.f32 v57, v57  }
0x83: {  	v47 =	vsub.f32 v47, v36;
	v43 =	vadd.f32 v38, v37  }
0x84: {  	[tilespmem:$0x1FBC0] =	vst v16;
	v40 =	vadd.f32 v40, v55;
	v38 =	vadd.f32 v31, v29  }
0x85: {  	v33 =	vmul.f32 v47, v47;
	v29 =	vsub.f32 v54, v36;
	v31 =	vsub.f32 v56, v32;
	v47 =	vld.idx.msk [tilespmem:v4+s0+$0x0], $0xffff  }
0x86: {  	[tilespmem:$0x1FBD0] =	vst v50;
	v55 =	vsub.f32 v48, v36;
	v54 =	vsub.f32 v46, v32;
	v4 =	vld [tilespmem:$0x1F930]  }
0x87: {  	[tilespmem:$0x1FBE0] =	vst v2;
	v56 =	vsub.f32 v52, v32;
	v29 =	vmul.f32 v29, v29;
	v31 =	vmul.f32 v31, v31  }
0x88: {  	[tilespmem:$0x1FC10] =	vst v51;
	v57 =	vsub.f32 v23, v36;
	v37 =	vmul.f32 v54, v54  }
0x89: {  	s11 =	simm.s32 $0x2190;
	v41 =	vmul.f32 v55, v55;
	v44 =	vmul.f32 v56, v56;
	v0 =	vld.idx.msk [tilespmem:v0+s0+$0x0], $0xffff;
	v23 =	vadd.f32 v31, v29  }
0x8a: {  	v29 =	vmul.f32 v57, v57;
	v31 =	vmul.f32 v59, v59;
	v45 =	vadd.f32 v37, v33;
	v37 =	vld [tilespmem:s11+$0xFFFFFFF0];
	_ =	sdelay $0x1  }
0x8b: {  	v41 =	vadd.f32 v44, v41;
	v44 =	vadd.f32 v31, v29  }
0x8c: {  	v29 =	vsub.f32 v1, v36;
	v31 =	vsub.f32 v16, v32  }
0x8d: {  	v7 =	vsub.f32 v50, v36;
	v60 =	vsub.f32 v17, v36;
	v36 =	vmov v0;
	v16 =	vld.idx.msk [tilespmem:v4+s0+$0x0], $0xffff  }
0x8e: {  	[tilespmem:$0x1FCD0] =	vst v0;
	v4 =	vmul.f32 v29, v29;
	v29 =	vmul.f32 v31, v31;
	v31 =	vsub.f32 v0, v37;
	v0 =	vld [tilespmem:$0x1F950];
	_ =	sdelay $0x5  }
0x8f: {  	v8 =	vsub.f32 v2, v32;
	v2 =	vld [tilespmem:$0x1F940];
	_ =	sdelay $0x1  }
0x90: {  	v33 =	vld.idx.msk [tilespmem:v0+s0+$0x0], $0xffff  }
0x91: {  	v0 =	vld [tilespmem:$0x1F960];
	_ =	sdelay $0x4  }
0x92: {  	v48 =	vld.idx.msk [tilespmem:v2+s0+$0x0], $0xffff  }
0x93: {  	v1 =	vld [tilespmem:$0x1F920];
	v2 =	vmul.f32 v31, v31;
	_ =	sdelay $0x1  }
0x94: {  	v46 =	vadd.f32 v29, v4;
	v29 =	vld.idx.msk [tilespmem:v0+s0+$0x0], $0xffff;
	v0 =	vadd.f32 v2, v22;
	_ =	sdelay $0x1  }
0x95: {  	[tilespmem:$0x1FB50] =	vst v0;
	v0 =	vld [tilespmem:$0x1F970];
	_ =	sdelay $0x3  }
0x96: {  	v1 =	vld.idx.msk [tilespmem:v1+s0+$0x0], $0xffff;
	_ =	sdelay $0x3  }
0x97: {  	v6 =	vsub.f32 v49, v32;
	v31 =	vld.idx.msk [tilespmem:v0+s0+$0x0], $0xffff  }
0x98: {  	v50 =	vmov v1;
	[tilespmem:$0x1FD50] =	vst v1;
	v0 =	vsub.f32 v1, v37;
	v1 =	vld [tilespmem:$0x1F980]  }
0x99: {  	v6 =	vmul.f32 v6, v6;
	v5 =	vmul.f32 v7, v7  }
0x9a: {  	v7 =	vmul.f32 v8, v8;
	v3 =	vmul.f32 v3, v3;
	v8 =	vsub.f32 v63, v37;
	_ =	sdelay $0x1  }
0x9b: {  	v6 =	vadd.f32 v6, v3;
	v3 =	vmul.f32 v8, v8  }
0x9c: {  	v7 =	vadd.f32 v7, v5;
	v5 =	vld [tilespmem:$0x1F990];
	v8 =	vsub.f32 v47, v37  }
0x9d: {  	v11 =	vld.idx.msk [tilespmem:v11+s0+$0x0], $0xffff;
	v4 =	vadd.f32 v3, v25;
	v3 =	vsub.f32 v48, v37;
	v0 =	vmul.f32 v0, v0;
	_ =	sdelay $0x1  }
0x9e: {  	v25 =	vadd.f32 v0, v24;
	v0 =	vmul.f32 v3, v3;
	v22 =	vld.idx.msk [tilespmem:v1+s0+$0x0], $0xffff;
	v1 =	vmul.f32 v8, v8  }
0x9f: {  	v2 =	vsub.f32 v16, v37  }
0xa0: {  	v17 =	vadd.f32 v0, v5;
	v0 =	vld [tilespmem:$0x1F9A0];
	v1 =	vadd.f32 v1, v19  }
0xa1: {  	v10 =	vld.idx.msk [tilespmem:v58+s0+$0x0], $0xffff;
	[tilespmem:$0x1FE20] =	vst v11;
	v8 =	vsub.f32 v33, v37  }
0xa2: {  	[tilespmem:$0x1FB60] =	vst v1;
	v1 =	vmul.f32 v2, v2  }
0xa3: {  	[tilespmem:$0x1FD90] =	vst v29;
	v3 =	vmul.f32 v8, v8;
	v2 =	vsub.f32 v29, v37  }
0xa4: {  	[tilespmem:$0x1FE00] =	vst v31;
	v19 =	vmov v29;
	v29 =	vadd.f32 v1, v20  }
0xa5: {  	v1 =	vmul.f32 v2, v2;
	v2 =	vsub.f32 v31, v37;
	v20 =	vmovc v31;
	v31 =	vadd.f32 v3, v0;
	v0 =	vld [tilespmem:$0x1F9B0]  }
0xa6: {  	v12 =	vld.idx.msk [tilespmem:v12+s0+$0x0], $0xffff;
	[tilespmem:$0x1FE30] =	vst v10  }
0xa7: {  	v54 =	vld.idx.msk [tilespmem:v14+s0+$0x0], $0xffff;
	[tilespmem:$0x1FD70] =	vst v48  }
0xa8: {  	[tilespmem:$0x1FCE0] =	vst v63;
	v8 =	vld [tilespmem:$0x1F9C0]  }
0xa9: {  	[tilespmem:$0x1FD10] =	vst v47;
	v24 =	vld.idx.msk [tilespmem:v13+s0+$0x0], $0xffff  }
0xaa: {  	v13 =	vmovc v11;
	v5 =	vadd.f32 v1, v0;
	v0 =	vmul.f32 v2, v2;
	v2 =	vsub.f32 v11, v37;
	v11 =	vld [tilespmem:$0x1F9D0]  }
0xab: {  	[tilespmem:$0x1FD60] =	vst v16;
	v1 =	vsub.f32 v22, v37  }
0xac: {  	v32 =	vld.idx.msk [tilespmem:v15+s0+$0x0], $0xffff;
	[tilespmem:$0x1FD80] =	vst v33  }
0xad: {  	[tilespmem:$0x1FE10] =	vst v22;
	v52 =	vadd.f32 v0, v8;
	v0 =	vmul.f32 v1, v1;
	v1 =	vsub.f32 v12, v37  }
0xae: {  	v62 =	vmul.f32 v61, v61;
	v8 =	vld [tilespmem:s11+$0x0]  }
0xaf: {  	v57 =	vadd.f32 v0, v11;
	v0 =	vmul.f32 v1, v1;
	v1 =	vsub.f32 v54, v37;
	v11 =	vld [tilespmem:$0x1F9E0]  }
0xb0: {  	v9 =	vmul.f32 v60, v60;
	v2 =	vmul.f32 v2, v2  }
0xb1: {  	v55 =	vadd.f32 v0, v28;
	v0 =	vsub.f32 v32, v37;
	v1 =	vmul.f32 v1, v1  }
0xb2: {  	v9 =	vadd.f32 v62, v9;
	v49 =	vmov v63;
	v3 =	vsub.f32 v10, v37  }
0xb3: {  	v14 =	vmovc v10;
	v62 =	vadd.f32 v1, v53;
	v0 =	vmul.f32 v0, v0;
	v1 =	vsub.f32 v49, v8  }
0xb4: {  	v10 =	vsub.f32 v24, v37;
	v3 =	vmul.f32 v3, v3;
	[tilespmem:$0x1FED0] =	vst v32;
	v58 =	vadd.f32 v2, v11  }
0xb5: {  	v2 =	vmovc v32;
	v32 =	vadd.f32 v0, v18;
	v0 =	vmul.f32 v1, v1;
	v1 =	vsub.f32 v16, v8  }
0xb6: {  	v59 =	vadd.f32 v3, v27;
	v3 =	vmul.f32 v10, v10  }
0xb7: {  	v34 =	vadd.f32 v0, v34;
	v0 =	vmul.f32 v1, v1  }
0xb8: {  	v61 =	vadd.f32 v3, v30;
	v3 =	vsub.f32 v36, v8  }
0xb9: {  	v1 =	vsub.f32 v48, v8;
	v0 =	vadd.f32 v0, v43  }
0xba: {  	v3 =	vmul.f32 v3, v3  }
0xbb: {  	v10 =	vsub.f32 v47, v8;
	[tilespmem:$0x1FBF0] =	vst v0;
	v0 =	vmul.f32 v1, v1  }
0xbc: {  	v11 =	vsub.f32 v50, v8;
	v56 =	vadd.f32 v3, v26  }
0xbd: {  	v3 =	vmul.f32 v10, v10;
	v1 =	vsub.f32 v33, v8;
	v0 =	vadd.f32 v0, v40  }
0xbe: {  	v10 =	vmul.f32 v11, v11  }
0xbf: {  	v63 =	vadd.f32 v3, v39;
	v3 =	vsub.f32 v19, v8;
	[tilespmem:$0x1FC00] =	vst v0;
	v0 =	vmul.f32 v1, v1  }
0xc0: {  	v60 =	vadd.f32 v10, v42  }
0xc1: {  	[tilespmem:$0x1FE40] =	vst v12;
	v10 =	vsub.f32 v20, v8;
	v3 =	vmul.f32 v3, v3;
	v0 =	vadd.f32 v0, v38  }
0xc2: {  	[tilespmem:$0x1FE50] =	vst v24  }
0xc3: {  	v10 =	vmul.f32 v10, v10;
	v1 =	vsub.f32 v22, v8;
	[tilespmem:$0x1FC20] =	vst v0;
	v0 =	vadd.f32 v3, v35  }
0xc4: {  	s7 =	simm.s32 $0x1B0;
	v15 =	vmov v12;
	[tilespmem:$0x1FEB0] =	vst v54  }
0xc5: {  	v11 =	vsub.f32 v13, v8;
	v12 =	vmul.f32 v1, v1;
	v39 =	vld [tilespmem:s7+$0xFFFFFFF0];
	[tilespmem:$0x1FC30] =	vst v0;
	v0 =	vadd.f32 v10, v23;
	_ =	sdelay $0x1  }
0xc6: {  	v13 =	vsub.f32 v14, v8;
	v3 =	vmul.f32 v11, v11;
	[tilespmem:$0x1FC40] =	vst v0;
	v0 =	vadd.f32 v12, v45  }
0xc7: {  	s8 =	simm.s32 $0x11B0  }
0xc8: {  	v11 =	vsub.f32 v15, v8;
	v10 =	vmul.f32 v13, v13;
	v42 =	vld [tilespmem:s8+$0xFFFFFFF0];
	[tilespmem:$0x1FC50] =	vst v0;
	v0 =	vadd.f32 v3, v41;
	_ =	sdelay $0x1  }
0xc9: {  	v36 =	vld [tilespmem:$0x1FA00];
	v3 =	vsub.f32 v24, v8;
	[tilespmem:$0x1FC60] =	vst v0;
	v0 =	vadd.f32 v10, v44;
	v10 =	vmul.f32 v11, v11  }
0xca: {  	v11 =	vsub.f32 v54, v8;
	v8 =	vsub.f32 v2, v8;
	v2 =	vld [tilespmem:$0x1F9F0]  }
0xcb: {  	v19 =	vld [tilespmem:$0x1FA10];
	v12 =	vmul.f32 v3, v3;
	[tilespmem:$0x1FC70] =	vst v0;
	v0 =	vadd.f32 v10, v9;
	_ =	sdelay $0x1  }
0xcc: {  	v18 =	vld [tilespmem:$0x1FA30];
	v9 =	vmul.f32 v11, v11;
	[tilespmem:$0x1FC80] =	vst v0;
	v0 =	vadd.f32 v12, v6  }
0xcd: {  	v15 =	vld [tilespmem:$0x1FA20];
	v10 =	vsub.f32 v36, v42  }
0xce: {  	v53 =	vld [tilespmem:$0x1FA50];
	v6 =	vmul.f32 v8, v8;
	v13 =	vsub.f32 v2, v39;
	[tilespmem:$0x1FCA0] =	vst v0;
	v0 =	vadd.f32 v9, v46  }
0xcf: {  	v16 =	vld [tilespmem:$0x1FA40];
	v11 =	vsub.f32 v19, v39;
	v10 =	vmul.f32 v10, v10  }
0xd0: {  	v1 =	vld [tilespmem:$0x1FA60];
	v12 =	vsub.f32 v51, v42;
	v8 =	vmul.f32 v13, v13;
	[tilespmem:$0x1FCB0] =	vst v0;
	v0 =	vadd.f32 v6, v7  }
0xd1: {  	v9 =	vsub.f32 v18, v42;
	v6 =	vmul.f32 v11, v11  }
0xd2: {  	v7 =	vmul.f32 v12, v12;
	[tilespmem:$0x1FCC0] =	vst v0;
	v0 =	vadd.f32 v10, v8;
	v8 =	vsub.f32 v15, v39  }
0xd3: {  	v9 =	vmul.f32 v9, v9;
	v10 =	vsub.f32 v53, v42  }
0xd4: {  	v27 =	vld [tilespmem:$0x1FA80];
	[tilespmem:$0x1FD00] =	vst v0;
	v0 =	vadd.f32 v7, v6;
	v6 =	vsub.f32 v16, v39;
	v8 =	vmul.f32 v8, v8  }
0xd5: {  	v26 =	vld [tilespmem:$0x1FA70];
	v11 =	vsub.f32 v21, v39;
	v12 =	vsub.f32 v1, v42  }
0xd6: {  	v10 =	vmul.f32 v10, v10;
	v6 =	vmul.f32 v6, v6;
	v3 =	vadd.f32 v9, v8  }
0xd7: {  	v28 =	vld [tilespmem:$0x1FB00]  }
0xd8: {  	v20 =	vld [tilespmem:$0x1FAA0];
	v8 =	vmul.f32 v11, v11;
	v11 =	vmul.f32 v12, v12;
	[tilespmem:$0x1FDA0] =	vst v3;
	v3 =	vadd.f32 v10, v6  }
0xd9: {  	v24 =	vld [tilespmem:$0x1FAD0];
	v14 =	vsub.f32 v27, v42  }
0xda: {  	v13 =	vsub.f32 v26, v39;
	[tilespmem:$0x1FDB0] =	vst v3;
	v3 =	vadd.f32 v11, v8;
	v11 =	vld [tilespmem:$0x1FA90]  }
0xdb: {  	[tilespmem:$0x1FD40] =	vst v0;
	v0 =	vmov v21;
	v21 =	vld [tilespmem:$0x1FAC0]  }
0xdc: {  	v12 =	vmul.f32 v14, v14;
	v6 =	vmul.f32 v13, v13;
	v10 =	vld [tilespmem:$0x1FAB0]  }
0xdd: {  	v23 =	vld [tilespmem:$0x1FAE0]  }
0xde: {  	[tilespmem:$0x1FDC0] =	vst v3;
	v3 =	vadd.f32 v12, v6  }
0xdf: {  	v6 =	vsub.f32 v20, v42;
	v13 =	vsub.f32 v11, v39  }
0xe0: {  	v54 =	vld [tilespmem:$0x1FAF0];
	v22 =	vsub.f32 v24, v39;
	v14 =	vsub.f32 v21, v42  }
0xe1: {  	v37 =	vld [tilespmem:$0x1FB10];
	v6 =	vmul.f32 v6, v6;
	v12 =	vmul.f32 v13, v13;
	v13 =	vsub.f32 v10, v39  }
0xe2: {  	v49 =	vld [tilespmem:$0x1FB20];
	v50 =	vsub.f32 v23, v42;
	v40 =	vmul.f32 v22, v22;
	v22 =	vsub.f32 v28, v42  }
0xe3: {  	v30 =	vld [tilespmem:$0x1FB40];
	[tilespmem:$0x1FDD0] =	vst v3;
	v14 =	vmul.f32 v14, v14;
	v13 =	vmul.f32 v13, v13;
	v3 =	vadd.f32 v6, v12  }
0xe4: {  	v48 =	vmul.f32 v22, v22;
	v22 =	vld [tilespmem:$0x1FB30]  }
0xe5: {  	v35 =	vmul.f32 v50, v50;
	v51 =	vsub.f32 v54, v39;
	[tilespmem:$0x1FDE0] =	vst v3;
	v3 =	vadd.f32 v14, v13  }
0xe6: {  	v41 =	vsub.f32 v37, v39  }
0xe7: {  	v33 =	vsub.f32 v49, v42;
	v38 =	vmul.f32 v51, v51;
	[tilespmem:$0x1FDF0] =	vst v3;
	v3 =	vadd.f32 v35, v40  }
0xe8: {  	v41 =	vmul.f32 v41, v41;
	v51 =	vsub.f32 v30, v42  }
0xe9: {  	v43 =	vmul.f32 v33, v33;
	v50 =	vsub.f32 v22, v39;
	[tilespmem:$0x1FE60] =	vst v3;
	v3 =	vadd.f32 v48, v38;
	_ =	sdelay $0x1  }
0xea: {  	v46 =	vmul.f32 v51, v51;
	v45 =	vmul.f32 v50, v50;
	[tilespmem:$0x1FE70] =	vst v3;
	v3 =	vadd.f32 v43, v41;
	_ =	sdelay $0x1  }
0xeb: {  	[tilespmem:$0x1FE80] =	vst v3;
	v3 =	vadd.f32 v46, v45;
	_ =	sdelay $0x1  }
0xec: {  	[tilespmem:$0x1FE90] =	vst v3;
	v3 =	vld [tilespmem:$0x1FB50];
	_ =	sdelay $0x3  }
0xed: {  	v44 =	vimm.f32 $3.000000010e+38  }
0xee: {  	v43 =	vmin.f32 v44, v3;
	v38 =	vmin.f32 v3, v4;
	v3 =	vld [tilespmem:$0x1FB60];
	_ =	sdelay $0x3  }
0xef: {  	v51 =	vmin.f32 v44, v52  }
0xf0: {  	v9 =	vld [tilespmem:$0x1FB80];
	v35 =	vmin.f32 v58, v59;
	v45 =	vmin.f32 v44, v3;
	v40 =	vmin.f32 v3, v25  }
0xf1: {  	v3 =	vmin.f32 v52, v57;
	v52 =	vmin.f32 v44, v57;
	v57 =	vmin.f32 v44, v58;
	v58 =	vld [tilespmem:$0x1FB70];
	_ =	sdelay $0x3  }
0xf2: {  	v50 =	vmin.f32 v44, v5;
	v14 =	vmin.f32 v31, v5  }
0xf3: {  	v46 =	vmin.f32 v44, v25;
	v25 =	vsub.f32 v9, v42;
	v5 =	vsub.f32 v58, v39  }
0xf4: {  	v47 =	vmin.f32 v44, v29  }
0xf5: {  	v8 =	vld [tilespmem:$0x1FBA0];
	[tilespmem:$0x1FCF0] =	vst v3;
	v3 =	vmin.f32 v55, v61;
	v25 =	vmul.f32 v25, v25;
	v5 =	vmul.f32 v5, v5  }
0xf6: {  	v41 =	vmin.f32 v29, v17;
	v29 =	vmin.f32 v44, v17;
	v17 =	vld [tilespmem:$0x1FB90];
	[tilespmem:$0x1FD20] =	vst v3;
	v3 =	vmin.f32 v62, v32  }
0xf7: {  	[tilespmem:$0x1FD30] =	vst v3;
	v3 =	vadd.f32 v25, v5  }
0xf8: {  	v13 =	vmin.f32 v44, v59;
	v48 =	vld [tilespmem:$0x1FBB0]  }
0xf9: {  	v59 =	vmin.f32 v44, v55;
	v4 =	vmin.f32 v44, v4;
	[tilespmem:$0x1FEA0] =	vst v3;
	v3 =	vmin.f32 v43, v56;
	v43 =	vld [tilespmem:$0x1FBC0]  }
0xfa: {  	v55 =	vmin.f32 v44, v61;
	v61 =	vmin.f32 v44, v62;
	v62 =	vld [tilespmem:s7+$0x0];
	[tilespmem:$0x1FF50] =	vst v3;
	v3 =	vmin.f32 v4, v34  }
0xfb: {  	v12 =	vmin.f32 v44, v31;
	v31 =	vsub.f32 v17, v39;
	v5 =	vsub.f32 v8, v42;
	[tilespmem:$0x1FF60] =	vst v3;
	v3 =	vld [tilespmem:$0x1FBD0]  }
0xfc: {  	v6 =	vld [tilespmem:$0x1FBE0]  }
0xfd: {  	v5 =	vmul.f32 v5, v5;
	v4 =	vmul.f32 v31, v31  }
0xfe: {  	v44 =	vmin.f32 v44, v32;
	v31 =	vsub.f32 v48, v39  }
0xff: {  	v4 =	vadd.f32 v5, v4;
	v5 =	vmin.f32 v45, v63;
	v32 =	vsub.f32 v43, v42  }
0x100: {  	v25 =	vmin.f32 v56, v34;
	v7 =	vld [tilespmem:s8+$0x0];
	[tilespmem:$0x1FF70] =	vst v5;
	v5 =	vmin.f32 v46, v60;
	v56 =	vsub.f32 v3, v39  }
0x101: {  	[tilespmem:$0x1FEC0] =	vst v4;
	v4 =	vmul.f32 v31, v31;
	v39 =	vsub.f32 v6, v42;
	v31 =	vmul.f32 v32, v32  }
0x102: {  	[tilespmem:$0x1FF80] =	vst v5;
	v5 =	vmin.f32 v63, v60;
	v63 =	vld [tilespmem:$0x1FBF0];
	v42 =	vmul.f32 v56, v56  }
0x103: {  	v45 =	vmul.f32 v39, v39;
	v56 =	vsub.f32 v2, v62;
	v2 =	vadd.f32 v31, v4;
	v39 =	vld [tilespmem:$0x1FC00];
	_ =	sdelay $0x1  }
0x104: {  	[tilespmem:$0x1FEE0] =	vst v2;
	v2 =	vadd.f32 v45, v42;
	_ =	sdelay $0x1  }
0x105: {  	[tilespmem:$0x1FEF0] =	vst v2;
	v2 =	vmin.f32 v47, v63  }
0x106: {  	[tilespmem:$0x1FF90] =	vst v2;
	v2 =	vmin.f32 v29, v39  }
0x107: {  	[tilespmem:$0x1FFA0] =	vst v2;
	v2 =	vld [tilespmem:$0x1FC10];
	_ =	sdelay $0x1  }
0x108: {  	v36 =	vsub.f32 v36, v7;
	_ =	sdelay $0x1  }
0x109: {  	v31 =	vmul.f32 v36, v36;
	v4 =	vmul.f32 v56, v56  }
0x10a: {  	v46 =	vsub.f32 v18, v7;
	v42 =	vsub.f32 v2, v7  }
0x10b: {  	v29 =	vsub.f32 v19, v62;
	v2 =	vadd.f32 v31, v4  }
0x10c: {  	v4 =	vsub.f32 v15, v62;
	v31 =	vmul.f32 v42, v42;
	v42 =	vsub.f32 v1, v7;
	v1 =	vld [tilespmem:$0x1FC20]  }
0x10d: {  	v32 =	vmul.f32 v46, v46;
	v56 =	vsub.f32 v16, v62;
	v29 =	vmul.f32 v29, v29;
	[tilespmem:$0x1FF00] =	vst v2;
	v2 =	vld [tilespmem:$0x1FC30]  }
0x10e: {  	v47 =	vmin.f32 v63, v39;
	v63 =	vsub.f32 v0, v62;
	v4 =	vmul.f32 v4, v4  }
0x10f: {  	v31 =	vadd.f32 v31, v29  }
0x110: {  	v29 =	vmul.f32 v56, v56;
	v32 =	vadd.f32 v32, v4;
	v4 =	vmul.f32 v63, v63  }
0x111: {  	v46 =	vmul.f32 v42, v42;
	v56 =	vsub.f32 v10, v62;
	v0 =	vmin.f32 v12, v1;
	v12 =	vld [tilespmem:$0x1FC40]  }
0x112: {  	v10 =	vld [tilespmem:$0x1FC50];
	[tilespmem:$0x1FFB0] =	vst v0;
	v0 =	vmin.f32 v50, v2;
	v2 =	vmin.f32 v1, v2;
	v1 =	vsub.f32 v26, v62  }
0x113: {  	[tilespmem:$0x1FFC0] =	vst v0;
	v0 =	vadd.f32 v46, v4;
	v4 =	vsub.f32 v27, v7;
	_ =	sdelay $0x1  }
0x114: {  	v1 =	vmul.f32 v1, v1;
	v4 =	vmul.f32 v4, v4  }
0x115: {  	[tilespmem:$0x1FF10] =	vst v0;
	v0 =	vmin.f32 v51, v12  }
0x116: {  	[tilespmem:$0x1FFD0] =	vst v0;
	v0 =	vmin.f32 v52, v10;
	v1 =	vadd.f32 v4, v1;
	v4 =	vld [tilespmem:$0x1FC60]  }
0x117: {  	[tilespmem:$0x1FFE0] =	vst v0;
	v0 =	vmin.f32 v12, v10;
	v10 =	vld [tilespmem:$0x1FC70]  }
0x118: {  	v60 =	vsub.f32 v53, v7;
	v53 =	vsub.f32 v20, v7  }
0x119: {  	v51 =	vsub.f32 v11, v62  }
0x11a: {  	v36 =	vmul.f32 v53, v53  }
0x11b: {  	v45 =	vmul.f32 v60, v60;
	v63 =	vsub.f32 v21, v7;
	v60 =	vmul.f32 v51, v51  }
0x11c: {  	v52 =	vmin.f32 v57, v4;
	v57 =	vmin.f32 v4, v10;
	v4 =	vld [tilespmem:$0x1FC80]  }
0x11d: {  	v39 =	vmul.f32 v56, v56;
	v42 =	vmul.f32 v63, v63;
	[tilespmem:$0x1FF20] =	vst v1;
	v1 =	vadd.f32 v36, v60;
	_ =	sdelay $0x1  }
0x11e: {  	[tilespmem:$0x1FF30] =	vst v1;
	v1 =	vadd.f32 v42, v39;
	_ =	sdelay $0x1  }
0x11f: {  	[tilespmem:$0x1FF40] =	vst v1;
	v1 =	vmin.f32 v59, v4  }
0x120: {  	[tilespmem:$0x1FC90] =	vst v1;
	v1 =	vld [tilespmem:$0x1FCA0];
	_ =	sdelay $0x3  }
0x121: {  	v18 =	vsub.f32 v28, v7  }
0x122: {  	v54 =	vsub.f32 v54, v62;
	v53 =	vmin.f32 v55, v1;
	v59 =	vmin.f32 v4, v1;
	v1 =	vld [tilespmem:$0x1FCB0]  }
0x123: {  	v18 =	vmul.f32 v18, v18;
	v63 =	vsub.f32 v30, v7;
	v60 =	vsub.f32 v22, v62;
	v4 =	vld [tilespmem:$0x1FCC0]  }
0x124: {  	v19 =	vmul.f32 v54, v54;
	v33 =	vadd.f32 v45, v29;
	v46 =	vsub.f32 v23, v7  }
0x125: {  	v45 =	vsub.f32 v24, v62;
	v54 =	vmul.f32 v63, v63;
	v34 =	vmul.f32 v60, v60  }
0x126: {  	v21 =	vmul.f32 v46, v46;
	v46 =	vadd.f32 v18, v19  }
0x127: {  	v20 =	vmul.f32 v45, v45;
	v19 =	vsub.f32 v3, v62;
	v3 =	vld [tilespmem:$0x1FCD0];
	v56 =	vadd.f32 v54, v34  }
0x128: {  	s12 =	simm.s32 $0x21B0;
	v55 =	vmin.f32 v61, v1;
	v54 =	vmin.f32 v44, v4;
	v44 =	vmin.f32 v1, v4;
	v1 =	vld [tilespmem:$0x1FCF0]  }
0x129: {  	v61 =	vld [tilespmem:s12+$0xFFFFFFF0]  }
0x12a: {  	v50 =	vadd.f32 v21, v20  }
0x12b: {  	v20 =	vsub.f32 v37, v62;
	v21 =	vsub.f32 v49, v7  }
0x12c: {  	v16 =	vsub.f32 v9, v7;
	v15 =	vsub.f32 v58, v62  }
0x12d: {  	v20 =	vmul.f32 v20, v20;
	v21 =	vmul.f32 v21, v21;
	v35 =	vmin.f32 v1, v35;
	v1 =	vld [tilespmem:$0x1FD00]  }
0x12e: {  	v16 =	vmul.f32 v16, v16;
	v15 =	vmul.f32 v15, v15;
	v37 =	vsub.f32 v3, v61  }
0x12f: {  	v60 =	vadd.f32 v21, v20  }
0x130: {  	v21 =	vsub.f32 v43, v7;
	v43 =	vadd.f32 v16, v15;
	v15 =	vmul.f32 v37, v37  }
0x131: {  	v4 =	vld [tilespmem:$0x1FD30]  }
0x132: {  	v16 =	vadd.f32 v15, v1;
	v1 =	vld [tilespmem:$0x1FD20]  }
0x133: {  	v36 =	vsub.f32 v6, v7;
	v20 =	vsub.f32 v8, v7;
	v7 =	vld [tilespmem:$0x1FCE0];
	_ =	sdelay $0x1  }
0x134: {  	v17 =	vsub.f32 v17, v62;
	_ =	sdelay $0x1  }
0x135: {  	v17 =	vmul.f32 v17, v17;
	v6 =	vmin.f32 v1, v4;
	v1 =	vld [tilespmem:$0x1FD40]  }
0x136: {  	v18 =	vsub.f32 v48, v62;
	v62 =	vld [tilespmem:$0x1FD10];
	v20 =	vmul.f32 v20, v20;
	v39 =	vsub.f32 v7, v61;
	_ =	sdelay $0x1  }
0x137: {  	v42 =	vadd.f32 v20, v17;
	v17 =	vmul.f32 v39, v39;
	_ =	sdelay $0x1  }
0x138: {  	v17 =	vadd.f32 v17, v1;
	v1 =	vld [tilespmem:$0x1FDA0]  }
0x139: {  	v26 =	vld [tilespmem:$0x1FD50];
	v15 =	vsub.f32 v62, v61;
	_ =	sdelay $0x1  }
0x13a: {  	v15 =	vmul.f32 v15, v15  }
0x13b: {  	v18 =	vmul.f32 v18, v18;
	v21 =	vmul.f32 v21, v21  }
0x13c: {  	v15 =	vadd.f32 v15, v1;
	v1 =	vld [tilespmem:$0x1FDB0]  }
0x13d: {  	v49 =	vadd.f32 v21, v18;
	v18 =	vsub.f32 v26, v61;
	v4 =	vld [tilespmem:$0x1FD60];
	_ =	sdelay $0x1  }
0x13e: {  	v38 =	vmin.f32 v38, v40;
	v18 =	vmul.f32 v18, v18  }
0x13f: {  	v40 =	vmin.f32 v41, v14;
	v19 =	vmul.f32 v19, v19;
	v41 =	vmul.f32 v36, v36  }
0x140: {  	v18 =	vadd.f32 v18, v1;
	v1 =	vld [tilespmem:$0x1FDC0]  }
0x141: {  	v28 =	vld [tilespmem:$0x1FD70];
	v45 =	vadd.f32 v41, v19;
	v19 =	vsub.f32 v4, v61;
	_ =	sdelay $0x1  }
0x142: {  	v19 =	vmul.f32 v19, v19;
	_ =	sdelay $0x1  }
0x143: {  	v19 =	vadd.f32 v19, v1;
	v1 =	vld [tilespmem:$0x1FDD0]  }
0x144: {  	v34 =	vld [tilespmem:$0x1FD80];
	v20 =	vsub.f32 v28, v61;
	_ =	sdelay $0x1  }
0x145: {  	v20 =	vmul.f32 v20, v20;
	_ =	sdelay $0x1  }
0x146: {  	v20 =	vadd.f32 v20, v1;
	v1 =	vld [tilespmem:$0x1FDE0]  }
0x147: {  	v36 =	vld [tilespmem:$0x1FD90];
	v21 =	vsub.f32 v34, v61;
	_ =	sdelay $0x1  }
0x148: {  	v51 =	vmin.f32 v13, v10;
	v10 =	vmul.f32 v21, v21;
	_ =	sdelay $0x1  }
0x149: {  	v21 =	vadd.f32 v10, v1;
	v1 =	vld [tilespmem:$0x1FDF0]  }
0x14a: {  	v23 =	vsub.f32 v36, v61;
	_ =	sdelay $0x1  }
0x14b: {  	v23 =	vmul.f32 v23, v23;
	_ =	sdelay $0x1  }
0x14c: {  	v22 =	vadd.f32 v23, v1;
	v1 =	vld [tilespmem:$0x1FE00];
	_ =	sdelay $0x1  }
0x14d: {  	v41 =	vld [tilespmem:$0x1FE30];
	_ =	sdelay $0x1  }
0x14e: {  	v8 =	vld [tilespmem:$0x1FE60]  }
0x14f: {  	v30 =	vmin.f32 v25, v5;
	v5 =	vld [tilespmem:$0x1FE10];
	v9 =	vsub.f32 v1, v61;
	_ =	sdelay $0x1  }
0x150: {  	v23 =	vsub.f32 v41, v61;
	v9 =	vmul.f32 v9, v9;
	_ =	sdelay $0x1  }
0x151: {  	v2 =	vmin.f32 v47, v2;
	v47 =	vmul.f32 v23, v23;
	v23 =	vadd.f32 v9, v8;
	v8 =	vld [tilespmem:$0x1FE70]  }
0x152: {  	v29 =	vld [tilespmem:$0x1FE20];
	v10 =	vsub.f32 v5, v61;
	_ =	sdelay $0x1  }
0x153: {  	v10 =	vmul.f32 v10, v10;
	_ =	sdelay $0x1  }
0x154: {  	v24 =	vadd.f32 v10, v8;
	v8 =	vld [tilespmem:$0x1FE80]  }
0x155: {  	v11 =	vsub.f32 v29, v61  }
0x156: {  	v39 =	vld [tilespmem:$0x1FE40]  }
0x157: {  	v11 =	vmul.f32 v11, v11;
	_ =	sdelay $0x1  }
0x158: {  	v12 =	vadd.f32 v11, v8;
	v8 =	vld [tilespmem:$0x1FE90];
	_ =	sdelay $0x1  }
0x159: {  	v37 =	vmin.f32 v59, v44;
	v44 =	vsub.f32 v39, v61  }
0x15a: {  	v58 =	vld [tilespmem:s12+$0x0]  }
0x15b: {  	v9 =	vmul.f32 v44, v44;
	v44 =	vld [tilespmem:$0x1FEB0]  }
0x15c: {  	v13 =	vadd.f32 v47, v8;
	v8 =	vld [tilespmem:$0x1FEA0]  }
0x15d: {  	v63 =	vld [tilespmem:$0x1FE50];
	_ =	sdelay $0x1  }
0x15e: {  	v14 =	vsub.f32 v3, v58;
	v3 =	vld [tilespmem:$0x1FEE0]  }
0x15f: {  	v47 =	vld [tilespmem:$0x1FED0]  }
0x160: {  	v10 =	vadd.f32 v9, v8;
	v9 =	vsub.f32 v44, v61;
	v8 =	vld [tilespmem:$0x1FEC0]  }
0x161: {  	v48 =	vsub.f32 v63, v61  }
0x162: {  	v9 =	vmul.f32 v9, v9  }
0x163: {  	v11 =	vmul.f32 v48, v48  }
0x164: {  	v9 =	vadd.f32 v9, v3;
	v3 =	vld [tilespmem:$0x1FEF0]  }
0x165: {  	v11 =	vadd.f32 v11, v8;
	v8 =	vsub.f32 v47, v61;
	_ =	sdelay $0x1  }
0x166: {  	v61 =	vsub.f32 v62, v58;
	v8 =	vmul.f32 v8, v8  }
0x167: {  	v38 =	vmin.f32 v38, v40;
	v27 =	vmul.f32 v14, v14  }
0x168: {  	v40 =	vsub.f32 v1, v58;
	v1 =	vld [tilespmem:$0x1FF10];
	v14 =	vadd.f32 v8, v3;
	v8 =	vmul.f32 v61, v61  }
0x169: {  	v3 =	vld [tilespmem:$0x1FF00]  }
0x16a: {  	v32 =	vadd.f32 v8, v32;
	v8 =	vsub.f32 v4, v58  }
0x16b: {  	v25 =	vsub.f32 v7, v58  }
0x16c: {  	v8 =	vmul.f32 v8, v8  }
0x16d: {  	v25 =	vmul.f32 v25, v25  }
0x16e: {  	v2 =	vmin.f32 v30, v2;
	v30 =	vadd.f32 v27, v3;
	v27 =	vadd.f32 v8, v1;
	v1 =	vld [tilespmem:$0x1FF20]  }
0x16f: {  	v31 =	vadd.f32 v25, v31;
	v25 =	vsub.f32 v28, v58;
	_ =	sdelay $0x1  }
0x170: {  	v0 =	vmin.f32 v0, v57;
	v25 =	vmul.f32 v25, v25  }
0x171: {  	v0 =	vmin.f32 v0, v37  }
0x172: {  	v0 =	vmin.f32 v2, v0;
	v2 =	vsub.f32 v34, v58;
	v34 =	vadd.f32 v25, v1;
	v1 =	vld [tilespmem:$0x1FF30]  }
0x173: {  	s10 =	simm.s32 $0x3210  }
0x174: {  	v28 =	vld [tilespmem:s10+$0xFFFFFFF0];
	v62 =	vsub.f32 v26, v58  }
0x175: {  	v2 =	vmul.f32 v2, v2  }
0x176: {  	v6 =	vmin.f32 v35, v6;
	v26 =	vmul.f32 v62, v62  }
0x177: {  	v57 =	vsub.f32 v5, v58;
	v6 =	vmin.f32 v38, v6;
	v5 =	vadd.f32 v2, v1;
	v1 =	vld [tilespmem:$0x1FF40]  }
0x178: {  	v33 =	vadd.f32 v26, v33;
	v26 =	vsub.f32 v36, v58;
	v8 =	vmul.f32 v40, v40  }
0x179: {  	v59 =	vmin.f32 v28, v6;
	v61 =	vsub.f32 v47, v58;
	v2 =	vmul.f32 v57, v57  }
0x17a: {  	v26 =	vmul.f32 v26, v26;
	v6 =	vadd.f32 v8, v50;
	v25 =	vsub.f32 v29, v58  }
0x17b: {  	v8 =	vadd.f32 v2, v46;
	v2 =	vsub.f32 v41, v58  }
0x17c: {  	v3 =	vmul.f32 v25, v25;
	v7 =	vadd.f32 v26, v1;
	v26 =	vsub.f32 v39, v58;
	v1 =	vld [tilespmem:$0x1FF50]  }
0x17d: {  	v28 =	vsub.f32 v63, v58;
	v29 =	vsub.f32 v44, v58;
	v2 =	vmul.f32 v2, v2  }
0x17e: {  	v4 =	vmul.f32 v61, v61;
	v25 =	vadd.f32 v3, v60;
	v3 =	vmul.f32 v26, v26  }
0x17f: {  	v26 =	vmul.f32 v28, v28;
	v28 =	vadd.f32 v2, v56;
	v2 =	vmul.f32 v29, v29  }
0x180: {  	v29 =	vadd.f32 v3, v43  }
0x181: {  	v3 =	vadd.f32 v2, v49;
	v2 =	vadd.f32 v4, v45;
	v4 =	vld [tilespmem:$0x1FF70];
	v1 =	vmin.f32 v1, v16  }
0x182: {  	v37 =	vmin.f32 v1, v30;
	v1 =	vld [tilespmem:$0x1FF60]  }
0x183: {  	v48 =	vld [tilespmem:s10+$0x0];
	_ =	sdelay $0x1  }
0x184: {  	v63 =	vld [tilespmem:$0x1FFB0]  }
0x185: {  	v62 =	vld [tilespmem:$0x1FF80];
	v4 =	vmin.f32 v4, v15  }
0x186: {  	v39 =	vmin.f32 v4, v32;
	v4 =	vld [tilespmem:$0x1FFA0];
	v1 =	vmin.f32 v1, v17  }
0x187: {  	v0 =	vmin.f32 v48, v0;
	v38 =	vmin.f32 v1, v31;
	v1 =	vld [tilespmem:$0x1FF90];
	[tilespmem:s10+$0xFFFFFFF0] =	vst v59  }
0x188: {  	[tilespmem:s10+$0x0] =	vst v0  }
0x189: {  	v0 =	vld [tilespmem:$0x1FFC0];
	_ =	sdelay $0x4  }
0x18a: {  	v35 =	vmin.f32 v0, v22;
	v0 =	vld [tilespmem:$0x1FFD0];
	_ =	sdelay $0x3  }
0x18b: {  	v1 =	vmin.f32 v1, v19  }
0x18c: {  	v41 =	vmin.f32 v1, v27;
	v1 =	vmin.f32 v0, v23;
	v0 =	vld [tilespmem:$0x1FFE0];
	_ =	sdelay $0x1  }
0x18d: {  	v36 =	vmin.f32 v62, v18  }
0x18e: {  	v40 =	vmin.f32 v36, v33;
	v36 =	vmin.f32 v63, v21  }
0x18f: {  	v36 =	vmin.f32 v36, v5;
	v4 =	vmin.f32 v4, v20  }
0x190: {  	s11 =	simm.s32 $0x2;
	s12 =	simm.s32 $0x21D0;
	v26 =	vadd.f32 v26, v42;
	v42 =	vmin.f32 v4, v34;
	v0 =	vmin.f32 v0, v24  }
.LBB2_5:
0x191: {  	v0 =	vmin.f32 v0, v8  }
0x192: {  	[tilespmem:$0x1F8D0] =	vst v0;
	v0 =	vmin.f32 v52, v12;
	v52 =	vld [tilespmem:$0x1FC90];
	_ =	sdelay $0x1  }
0x193: {  	v35 =	vmin.f32 v35, v7  }
0x194: {  	v1 =	vmin.f32 v1, v6;
	[tilespmem:$0x1F8B0] =	vst v35  }
0x195: {  	[tilespmem:$0x1F8C0] =	vst v1;
	v1 =	vmin.f32 v51, v13;
	v0 =	vmin.f32 v0, v25  }
0x196: {  	[tilespmem:$0x1F620] =	vst v0;
	v0 =	vmin.f32 v1, v28;
	v35 =	vmin.f32 v52, v10  }
0x197: {  	v4 =	vld [tilespmem:s12+$0xFFFFFFF0];
	[tilespmem:$0x1F670] =	vst v0;
	v0 =	vmin.f32 v35, v29  }
0x198: {  	[tilespmem:$0x1FC90] =	vst v0;
	v0 =	vmin.f32 v53, v11;
	v53 =	vmin.f32 v54, v14;
	v54 =	vmin.f32 v16, v17;
	v17 =	vld [tilespmem:$0x1FD60];
	_ =	sdelay $0x1  }
0x199: {  	v1 =	vmin.f32 v55, v9;
	v55 =	vld [tilespmem:$0x1FD70];
	_ =	sdelay $0x1  }
0x19a: {  	v56 =	vld [tilespmem:$0x1FD80]  }
0x19b: {  	v19 =	vmin.f32 v19, v20;
	v0 =	vmin.f32 v0, v26;
	v20 =	vsub.f32 v17, v4  }
0x19c: {  	[tilespmem:$0x1F640] =	vst v0  }
0x19d: {  	v0 =	vmin.f32 v1, v3;
	[tilespmem:$0x1F3C0] =	vst v20;
	v20 =	vmin.f32 v21, v22;
	v21 =	vsub.f32 v55, v4  }
0x19e: {  	[tilespmem:$0x1F6C0] =	vst v0  }
0x19f: {  	v0 =	vmin.f32 v53, v2;
	[tilespmem:$0x1F3D0] =	vst v21;
	v21 =	vsub.f32 v56, v4  }
0x1a0: {  	[tilespmem:$0x1F690] =	vst v0;
	v0 =	vld [tilespmem:$0x1FCD0]  }
0x1a1: {  	[tilespmem:$0x1F3E0] =	vst v21;
	v21 =	vld [tilespmem:s12+$0x0]  }
0x1a2: {  	v43 =	vld [tilespmem:$0x1FE00]  }
0x1a3: {  	v1 =	vld [tilespmem:$0x1FCE0];
	_ =	sdelay $0x1  }
0x1a4: {  	v18 =	vmin.f32 v15, v18;
	v15 =	vld [tilespmem:$0x1FD10]  }
0x1a5: {  	v48 =	vsub.f32 v0, v4;
	v0 =	vsub.f32 v0, v21  }
0x1a6: {  	v16 =	vld [tilespmem:$0x1FD50];
	v22 =	vmin.f32 v23, v24;
	v23 =	vsub.f32 v43, v4  }
0x1a7: {  	[tilespmem:$0x1F5F0] =	vst v0;
	v0 =	vsub.f32 v1, v21  }
0x1a8: {  	[tilespmem:$0x1F3F0] =	vst v23  }
0x1a9: {  	v23 =	vmin.f32 v12, v13;
	v13 =	vld [tilespmem:$0x1FE20];
	[tilespmem:$0x1F600] =	vst v0;
	v0 =	vsub.f32 v15, v21;
	_ =	sdelay $0x1  }
0x1aa: {  	[tilespmem:$0x1F650] =	vst v0;
	v0 =	vsub.f32 v16, v21;
	_ =	sdelay $0x1  }
0x1ab: {  	[tilespmem:$0x1F6A0] =	vst v0;
	v0 =	vsub.f32 v17, v21  }
0x1ac: {  	v57 =	vld [tilespmem:$0x1FD90];
	v24 =	vsub.f32 v13, v4  }
0x1ad: {  	[tilespmem:$0x1F6E0] =	vst v0;
	v0 =	vsub.f32 v55, v21  }
0x1ae: {  	[tilespmem:$0x1F400] =	vst v24  }
0x1af: {  	v24 =	vmin.f32 v10, v11;
	v10 =	vld [tilespmem:$0x1FE30];
	[tilespmem:$0x1F710] =	vst v0;
	v0 =	vsub.f32 v56, v21  }
0x1b0: {  	v12 =	vld [tilespmem:$0x1FE10]  }
0x1b1: {  	[tilespmem:$0x1F740] =	vst v0;
	v0 =	vsub.f32 v57, v21;
	_ =	sdelay $0x1  }
0x1b2: {  	v50 =	vmin.f32 v9, v14;
	v9 =	vld [tilespmem:$0x1FE50];
	[tilespmem:$0x1F770] =	vst v0;
	v0 =	vsub.f32 v43, v21  }
0x1b3: {  	v11 =	vsub.f32 v10, v4  }
0x1b4: {  	[tilespmem:$0x1F7A0] =	vst v0;
	v0 =	vsub.f32 v12, v21  }
0x1b5: {  	[tilespmem:$0x1F410] =	vst v11;
	v11 =	vld [tilespmem:$0x1FE40]  }
0x1b6: {  	[tilespmem:$0x1F7D0] =	vst v0;
	v0 =	vsub.f32 v13, v21  }
0x1b7: {  	v14 =	vsub.f32 v9, v4  }
0x1b8: {  	[tilespmem:$0x1F7E0] =	vst v0;
	v0 =	vsub.f32 v10, v21  }
0x1b9: {  	[tilespmem:$0x1F430] =	vst v14;
	v14 =	vld [tilespmem:$0x1FEB0]  }
0x1ba: {  	s7 =	sadd.s32 $0x20, s7;
	v49 =	vmin.f32 v6, v8;
	v8 =	vld [tilespmem:$0x1F9F0];
	[tilespmem:$0x1F7F0] =	vst v0;
	v0 =	vsub.f32 v11, v21  }
0x1bb: {  	v30 =	vmin.f32 v30, v31;
	v31 =	vmin.f32 v32, v33;
	v33 =	vld [tilespmem:s7+$0xFFFFFFF0]  }
0x1bc: {  	[tilespmem:$0x1F800] =	vst v0;
	v0 =	vsub.f32 v9, v21  }
0x1bd: {  	v59 =	vld [tilespmem:$0x1FED0]  }
0x1be: {  	[tilespmem:$0x1F810] =	vst v0;
	v0 =	vsub.f32 v14, v21;
	_ =	sdelay $0x1  }
0x1bf: {  	s8 =	sadd.s32 $0x20, s8;
	[tilespmem:$0x1F820] =	vst v0;
	v0 =	vsub.f32 v8, v33  }
0x1c0: {  	v27 =	vmin.f32 v27, v34;
	v32 =	vmin.f32 v5, v7;
	v63 =	vld [tilespmem:s8+$0xFFFFFFF0];
	v19 =	vmin.f32 v19, v20  }
0x1c1: {  	v20 =	vmin.f32 v22, v23;
	v23 =	vmin.f32 v27, v32;
	v32 =	vld [tilespmem:$0x1FB90];
	[tilespmem:$0x1F460] =	vst v0;
	v0 =	vsub.f32 v59, v21  }
0x1c2: {  	v25 =	vmin.f32 v25, v28;
	v35 =	vld [tilespmem:s8+$0x0]  }
0x1c3: {  	v28 =	vmin.f32 v3, v2;
	v26 =	vmin.f32 v29, v26;
	v22 =	vmin.f32 v30, v31;
	[tilespmem:$0x1F830] =	vst v0;
	v0 =	vld [tilespmem:$0x1FA00]  }
0x1c4: {  	v21 =	vmin.f32 v24, v50;
	v24 =	vmin.f32 v49, v25;
	v25 =	vmin.f32 v26, v28  }
0x1c5: {  	v22 =	vmin.f32 v22, v23;
	v24 =	vmin.f32 v24, v25  }
0x1c6: {  	v22 =	vmin.f32 v22, v24;
	v24 =	vsub.f32 v32, v33;
	_ =	sdelay $0x1  }
0x1c7: {  	[tilespmem:$0x1F500] =	vst v24;
	v53 =	vsub.f32 v0, v63;
	v24 =	vsub.f32 v0, v35;
	v0 =	vld [tilespmem:$0x1F3E0];
	_ =	sdelay $0x4  }
0x1c8: {  	[tilespmem:$0x1F860] =	vst v39;
	v39 =	vsub.f32 v57, v4;
	v0 =	vmul.f32 v0, v0;
	_ =	sdelay $0x1  }
0x1c9: {  	[tilespmem:$0x1F6F0] =	vst v0;
	v0 =	vmul.f32 v39, v39;
	_ =	sdelay $0x1  }
0x1ca: {  	[tilespmem:$0x1F700] =	vst v0;
	v0 =	vld [tilespmem:$0x1F3F0];
	_ =	sdelay $0x4  }
0x1cb: {  	[tilespmem:$0x1F880] =	vst v41;
	v41 =	vsub.f32 v12, v4;
	v0 =	vmul.f32 v0, v0;
	_ =	sdelay $0x1  }
0x1cc: {  	[tilespmem:$0x1F720] =	vst v0;
	v0 =	vmul.f32 v41, v41;
	_ =	sdelay $0x1  }
0x1cd: {  	[tilespmem:$0x1F730] =	vst v0;
	v0 =	vld [tilespmem:$0x1F400];
	_ =	sdelay $0x4  }
0x1ce: {  	v0 =	vmul.f32 v0, v0;
	_ =	sdelay $0x1  }
0x1cf: {  	[tilespmem:$0x1F750] =	vst v0;
	v0 =	vld [tilespmem:$0x1F410];
	_ =	sdelay $0x3  }
0x1d0: {  	v44 =	vsub.f32 v11, v4  }
0x1d1: {  	v0 =	vmul.f32 v0, v0  }
0x1d2: {  	[tilespmem:$0x1F420] =	vst v44  }
0x1d3: {  	[tilespmem:$0x1F760] =	vst v0;
	v0 =	vld [tilespmem:$0x1F420];
	_ =	sdelay $0x4  }
0x1d4: {  	v0 =	vmul.f32 v0, v0;
	_ =	sdelay $0x1  }
0x1d5: {  	[tilespmem:$0x1F780] =	vst v0;
	v0 =	vld [tilespmem:$0x1F430];
	_ =	sdelay $0x3  }
0x1d6: {  	v58 =	vsub.f32 v14, v4  }
0x1d7: {  	v0 =	vmul.f32 v0, v0  }
0x1d8: {  	[tilespmem:$0x1F440] =	vst v58  }
0x1d9: {  	[tilespmem:$0x1F790] =	vst v0;
	v0 =	vld [tilespmem:$0x1F440]  }
0x1da: {  	v29 =	vld [tilespmem:$0x1FB30]  }
0x1db: {  	[tilespmem:$0x1F840] =	vst v37  }
0x1dc: {  	[tilespmem:$0x1F850] =	vst v38;
	v6 =	vld [tilespmem:$0x1FA90];
	v51 =	vsub.f32 v15, v4;
	v37 =	vsub.f32 v16, v4  }
0x1dd: {  	[tilespmem:$0x1F8A0] =	vst v36;
	v38 =	vld [tilespmem:$0x1FBA0];
	v36 =	vsub.f32 v1, v4;
	v4 =	vsub.f32 v59, v4  }
0x1de: {  	v46 =	vld [tilespmem:$0x1FBB0];
	v0 =	vmul.f32 v0, v0  }
0x1df: {  	v47 =	vld [tilespmem:$0x1FBC0];
	v30 =	vsub.f32 v29, v33;
	[tilespmem:$0x1F450] =	vst v4  }
0x1e0: {  	[tilespmem:$0x1F7B0] =	vst v0;
	v0 =	vld [tilespmem:$0x1F450]  }
0x1e1: {  	[tilespmem:$0x1F4E0] =	vst v30;
	v30 =	vld [tilespmem:$0x1FB70]  }
0x1e2: {  	s10 =	sadd.s32 $0x20, s10;
	v16 =	vld [tilespmem:$0x1FA70]  }
0x1e3: {  	v23 =	vld [tilespmem:s10+$0x0]  }
0x1e4: {  	v7 =	vsub.f32 v6, v33;
	v20 =	vmin.f32 v20, v21;
	v21 =	vld [tilespmem:s10+$0xFFFFFFF0]  }
0x1e5: {  	v13 =	vld [tilespmem:$0x1FA20];
	v0 =	vmul.f32 v0, v0  }
0x1e6: {  	v34 =	vld [tilespmem:s7+$0x0];
	[tilespmem:$0x1F4B0] =	vst v7;
	v18 =	vmin.f32 v54, v18;
	v31 =	vsub.f32 v30, v33  }
0x1e7: {  	v18 =	vmin.f32 v18, v19;
	v5 =	vsub.f32 v16, v33;
	[tilespmem:$0x1F7C0] =	vst v0;
	v0 =	vld [tilespmem:$0x1F460]  }
0x1e8: {  	v7 =	vld [tilespmem:$0x1FAA0];
	[tilespmem:$0x1F4F0] =	vst v31;
	v18 =	vmin.f32 v18, v20  }
0x1e9: {  	[tilespmem:$0x1F4A0] =	vst v5;
	v12 =	vld [tilespmem:$0x1FA10];
	v18 =	vmin.f32 v21, v18  }
0x1ea: {  	v1 =	vld [tilespmem:$0x1FC10];
	v2 =	vsub.f32 v13, v33;
	[tilespmem:s10+$0xFFFFFFF0] =	vst v18;
	v18 =	vmin.f32 v23, v22  }
0x1eb: {  	v31 =	vld [tilespmem:$0x1FB80];
	[tilespmem:s10+$0x0] =	vst v18;
	v18 =	vmul.f32 v48, v48  }
0x1ec: {  	v17 =	vld [tilespmem:$0x1FAF0];
	[tilespmem:$0x1F470] =	vst v2;
	v0 =	vmul.f32 v0, v0  }
0x1ed: {  	v15 =	vld [tilespmem:$0x1F8E0];
	[tilespmem:$0x1F610] =	vst v18;
	v18 =	vmul.f32 v36, v36  }
0x1ee: {  	v5 =	vld [tilespmem:$0x1FA80];
	v44 =	vsub.f32 v12, v33;
	[tilespmem:$0x1F520] =	vst v0;
	v0 =	vmul.f32 v53, v53  }
0x1ef: {  	v2 =	vld [tilespmem:$0x1FA30];
	[tilespmem:$0x1F630] =	vst v18;
	v18 =	vmul.f32 v51, v51  }
0x1f0: {  	v14 =	vld [tilespmem:$0x1FA40];
	[tilespmem:$0x1F530] =	vst v0;
	v0 =	vmul.f32 v44, v44  }
0x1f1: {  	v27 =	vsub.f32 v17, v33;
	[tilespmem:$0x1F660] =	vst v18;
	v18 =	vmul.f32 v37, v37;
	v37 =	vsub.f32 v8, v34;
	v8 =	vld [tilespmem:$0x1F3C0]  }
0x1f2: {  	v4 =	vsub.f32 v15, v33;
	[tilespmem:$0x1F540] =	vst v0;
	v0 =	vld [tilespmem:$0x1F470]  }
0x1f3: {  	[tilespmem:$0x1F4D0] =	vst v27;
	v27 =	vld [tilespmem:$0x1FB00]  }
0x1f4: {  	[tilespmem:$0x1F490] =	vst v4;
	v4 =	vld [tilespmem:$0x1FA60]  }
0x1f5: {  	v26 =	vld [tilespmem:$0x1FAB0];
	v3 =	vsub.f32 v14, v33  }
0x1f6: {  	v28 =	vld [tilespmem:$0x1FB10];
	v8 =	vmul.f32 v8, v8  }
0x1f7: {  	v56 =	vsub.f32 v2, v63;
	[tilespmem:$0x1F480] =	vst v3;
	v3 =	vld [tilespmem:$0x1FA50];
	v0 =	vmul.f32 v0, v0  }
0x1f8: {  	v25 =	vld [tilespmem:$0x1FB20];
	[tilespmem:$0x1F6B0] =	vst v8  }
0x1f9: {  	v8 =	vld [tilespmem:$0x1F3D0];
	[tilespmem:$0x1F550] =	vst v0;
	v0 =	vmul.f32 v56, v56  }
0x1fa: {  	[tilespmem:$0x1F870] =	vst v40;
	v40 =	vsub.f32 v38, v63;
	v52 =	vsub.f32 v47, v63;
	v11 =	vld [tilespmem:$0x1FAE0]  }
0x1fb: {  	v60 =	vsub.f32 v7, v63;
	v9 =	vsub.f32 v26, v33;
	[tilespmem:$0x1F560] =	vst v0;
	v0 =	vld [tilespmem:$0x1F480]  }
0x1fc: {  	v55 =	vsub.f32 v3, v63;
	[tilespmem:$0x1F680] =	vst v18;
	v18 =	vsub.f32 v3, v35;
	v3 =	vld [tilespmem:$0x1F500]  }
0x1fd: {  	v54 =	vsub.f32 v1, v63;
	v59 =	vsub.f32 v4, v63;
	v20 =	vld [tilespmem:$0x1FB40]  }
0x1fe: {  	v58 =	vsub.f32 v28, v33;
	v43 =	vsub.f32 v25, v63;
	[tilespmem:$0x1F4C0] =	vst v9;
	v9 =	vld [tilespmem:$0x1FAC0];
	v8 =	vmul.f32 v8, v8  }
0x1ff: {  	v21 =	vsub.f32 v46, v33;
	v48 =	vld [tilespmem:$0x1FBE0];
	v53 =	vmul.f32 v54, v54;
	v54 =	vmul.f32 v55, v55  }
0x200: {  	[tilespmem:$0x1F6D0] =	vst v8;
	v8 =	vsub.f32 v2, v35;
	v2 =	vld [tilespmem:$0x1F4F0];
	v55 =	vmul.f32 v59, v59;
	v0 =	vmul.f32 v0, v0  }
0x201: {  	[tilespmem:$0x1F510] =	vst v21;
	v59 =	vmul.f32 v43, v43;
	v43 =	vmul.f32 v3, v3;
	v3 =	vsub.f32 v28, v34;
	v28 =	vld [tilespmem:$0x1F520]  }
0x202: {  	v61 =	vsub.f32 v5, v63;
	v21 =	vsub.f32 v16, v34;
	[tilespmem:$0x1F570] =	vst v0;
	v0 =	vld [tilespmem:$0x1F490]  }
0x203: {  	v16 =	vsub.f32 v5, v35;
	v5 =	vsub.f32 v29, v34;
	v29 =	vld [tilespmem:$0x1F530]  }
0x204: {  	[tilespmem:$0x1F890] =	vst v42;
	v42 =	vsub.f32 v31, v63;
	v57 =	vsub.f32 v11, v63  }
0x205: {  	v45 =	vsub.f32 v27, v63;
	v49 =	vsub.f32 v20, v63  }
0x206: {  	v19 =	vsub.f32 v9, v63;
	v36 =	vsub.f32 v48, v63;
	v63 =	vmul.f32 v57, v57  }
0x207: {  	v57 =	vmul.f32 v2, v2;
	v0 =	vmul.f32 v0, v0  }
0x208: {  	v2 =	vsub.f32 v27, v35;
	v27 =	vmul.f32 v52, v52;
	v52 =	vadd.f32 v29, v28;
	v28 =	vld [tilespmem:$0x1F540]  }
0x209: {  	[tilespmem:$0x1F580] =	vst v0;
	v0 =	vld [tilespmem:$0x1F4A0];
	_ =	sdelay $0x2  }
0x20a: {  	v39 =	vsub.f32 v12, v34;
	v12 =	vsub.f32 v4, v35;
	v4 =	vld [tilespmem:$0x1F510]  }
0x20b: {  	v53 =	vadd.f32 v53, v28;
	v28 =	vld [tilespmem:$0x1F550]  }
0x20c: {  	v29 =	vld [tilespmem:$0x1F560];
	v0 =	vmul.f32 v0, v0;
	_ =	sdelay $0x1  }
0x20d: {  	[tilespmem:$0x1F590] =	vst v0;
	v0 =	vld [tilespmem:$0x1F4B0]  }
0x20e: {  	v51 =	vsub.f32 v14, v34;
	v56 =	vmul.f32 v61, v61;
	v61 =	vmul.f32 v45, v45  }
0x20f: {  	v45 =	vmul.f32 v42, v42;
	v42 =	vmul.f32 v4, v4  }
0x210: {  	v4 =	vsub.f32 v25, v35;
	v25 =	vmul.f32 v51, v51;
	v51 =	vadd.f32 v29, v28;
	v28 =	vld [tilespmem:$0x1F570];
	_ =	sdelay $0x1  }
0x211: {  	v0 =	vmul.f32 v0, v0;
	_ =	sdelay $0x1  }
0x212: {  	[tilespmem:$0x1F5A0] =	vst v0;
	v0 =	vmul.f32 v60, v60  }
0x213: {  	v54 =	vadd.f32 v54, v28;
	v28 =	vld [tilespmem:$0x1F580]  }
0x214: {  	[tilespmem:$0x1F5B0] =	vst v0;
	v0 =	vld [tilespmem:$0x1F4C0];
	_ =	sdelay $0x1  }
0x215: {  	v10 =	vld [tilespmem:$0x1FAD0];
	_ =	sdelay $0x1  }
0x216: {  	v50 =	vld [tilespmem:$0x1FBD0]  }
0x217: {  	v55 =	vadd.f32 v55, v28;
	v28 =	vld [tilespmem:$0x1F590];
	v0 =	vmul.f32 v0, v0;
	_ =	sdelay $0x1  }
0x218: {  	v62 =	vsub.f32 v10, v33;
	[tilespmem:$0x1F5C0] =	vst v0;
	v0 =	vmul.f32 v19, v19;
	_ =	sdelay $0x1  }
0x219: {  	v23 =	vsub.f32 v1, v35;
	v1 =	vld [tilespmem:$0x1F4E0];
	[tilespmem:$0x1F5D0] =	vst v0;
	v0 =	vmul.f32 v62, v62  }
0x21a: {  	v33 =	vsub.f32 v50, v33;
	v56 =	vadd.f32 v56, v28;
	v28 =	vld [tilespmem:$0x1F5A0]  }
0x21b: {  	v22 =	vsub.f32 v6, v34;
	v14 =	vsub.f32 v9, v35;
	[tilespmem:$0x1F5E0] =	vst v0;
	v0 =	vld [tilespmem:$0x1F4D0]  }
0x21c: {  	v9 =	vsub.f32 v32, v34;
	v41 =	vsub.f32 v13, v34;
	v29 =	vld [tilespmem:$0x1F5B0]  }
0x21d: {  	v13 =	vsub.f32 v10, v34;
	v44 =	vsub.f32 v15, v34  }
0x21e: {  	v15 =	vsub.f32 v7, v35;
	v7 =	vsub.f32 v30, v34;
	v60 =	vmul.f32 v58, v58  }
0x21f: {  	v58 =	vmul.f32 v1, v1;
	v1 =	vsub.f32 v17, v34;
	v19 =	vsub.f32 v26, v34  }
0x220: {  	v62 =	vmul.f32 v0, v0;
	v0 =	vsub.f32 v11, v35;
	v11 =	vsub.f32 v46, v34  }
0x221: {  	v34 =	vsub.f32 v50, v34;
	v50 =	vadd.f32 v29, v28;
	v28 =	vld [tilespmem:$0x1F5C0]  }
0x222: {  	v29 =	vld [tilespmem:$0x1F5D0]  }
0x223: {  	v10 =	vsub.f32 v38, v35  }
0x224: {  	v9 =	vmul.f32 v9, v9  }
0x225: {  	v6 =	vsub.f32 v20, v35;
	v10 =	vmul.f32 v10, v10;
	v17 =	vmul.f32 v12, v12  }
0x226: {  	v12 =	vsub.f32 v47, v35;
	v26 =	vmul.f32 v8, v8;
	v8 =	vsub.f32 v31, v35  }
0x227: {  	v35 =	vsub.f32 v48, v35;
	v48 =	vadd.f32 v29, v28;
	v28 =	vld [tilespmem:$0x1F5E0]  }
0x228: {  	v27 =	vadd.f32 v27, v42;
	v42 =	vadd.f32 v10, v9;
	v9 =	vld [tilespmem:$0x1F6B0];
	_ =	sdelay $0x2  }
0x229: {  	v14 =	vmul.f32 v14, v14;
	v19 =	vmul.f32 v19, v19  }
0x22a: {  	v46 =	vadd.f32 v63, v28  }
0x22b: {  	v63 =	vadd.f32 v14, v19;
	v19 =	vadd.f32 v9, v55;
	v9 =	vld [tilespmem:$0x1F6D0]  }
0x22c: {  	v33 =	vmul.f32 v33, v33;
	v24 =	vmul.f32 v24, v24  }
0x22d: {  	v36 =	vmul.f32 v36, v36;
	v37 =	vmul.f32 v37, v37  }
0x22e: {  	v20 =	vmul.f32 v44, v44  }
0x22f: {  	v30 =	vadd.f32 v36, v33;
	v33 =	vadd.f32 v24, v37  }
0x230: {  	v37 =	vadd.f32 v17, v20;
	v20 =	vadd.f32 v9, v56;
	v9 =	vld [tilespmem:$0x1F6E0];
	_ =	sdelay $0x4  }
0x231: {  	v29 =	vadd.f32 v45, v57;
	v57 =	vmul.f32 v9, v9;
	v9 =	vld [tilespmem:$0x1F6F0];
	_ =	sdelay $0x2  }
0x232: {  	v21 =	vmul.f32 v21, v21;
	v16 =	vmul.f32 v16, v16  }
0x233: {  	v38 =	vadd.f32 v61, v62  }
0x234: {  	v62 =	vadd.f32 v16, v21;
	v21 =	vadd.f32 v9, v50;
	v9 =	vld [tilespmem:$0x1F700];
	_ =	sdelay $0x1  }
0x235: {  	v40 =	vmul.f32 v40, v40  }
0x236: {  	v22 =	vmul.f32 v22, v22;
	v15 =	vmul.f32 v15, v15  }
0x237: {  	v28 =	vadd.f32 v40, v43  }
0x238: {  	v40 =	vadd.f32 v15, v22;
	v22 =	vadd.f32 v9, v48;
	v9 =	vld [tilespmem:$0x1F710];
	_ =	sdelay $0x2  }
0x239: {  	v49 =	vmul.f32 v49, v49;
	_ =	sdelay $0x1  }
0x23a: {  	v31 =	vadd.f32 v49, v58;
	v58 =	vmul.f32 v9, v9;
	v9 =	vld [tilespmem:$0x1F720];
	_ =	sdelay $0x2  }
0x23b: {  	v23 =	vmul.f32 v23, v23;
	v39 =	vmul.f32 v39, v39;
	_ =	sdelay $0x1  }
0x23c: {  	v61 =	vadd.f32 v23, v39;
	v23 =	vadd.f32 v9, v46;
	v9 =	vld [tilespmem:$0x1F730];
	_ =	sdelay $0x4  }
0x23d: {  	v24 =	vadd.f32 v9, v38;
	v9 =	vld [tilespmem:$0x1F740];
	_ =	sdelay $0x4  }
0x23e: {  	v60 =	vadd.f32 v59, v60;
	v59 =	vmul.f32 v9, v9;
	v9 =	vld [tilespmem:$0x1F750];
	_ =	sdelay $0x2  }
0x23f: {  	v12 =	vmul.f32 v12, v12;
	v11 =	vmul.f32 v11, v11;
	_ =	sdelay $0x1  }
0x240: {  	v43 =	vadd.f32 v12, v11;
	v12 =	vadd.f32 v9, v60;
	v9 =	vld [tilespmem:$0x1F760];
	_ =	sdelay $0x2  }
0x241: {  	v13 =	vmul.f32 v13, v13;
	v0 =	vmul.f32 v0, v0;
	_ =	sdelay $0x1  }
0x242: {  	v0 =	vadd.f32 v0, v13;
	v13 =	vadd.f32 v9, v31;
	v9 =	vld [tilespmem:$0x1F770];
	_ =	sdelay $0x1  }
0x243: {  	v6 =	vmul.f32 v6, v6;
	v5 =	vmul.f32 v5, v5  }
0x244: {  	v3 =	vmul.f32 v3, v3;
	v4 =	vmul.f32 v4, v4  }
0x245: {  	v7 =	vmul.f32 v7, v7;
	v8 =	vmul.f32 v8, v8  }
0x246: {  	v3 =	vadd.f32 v4, v3;
	v60 =	vmul.f32 v9, v9;
	v9 =	vld [tilespmem:$0x1F780]  }
0x247: {  	v4 =	vadd.f32 v6, v5;
	v5 =	vmul.f32 v35, v35;
	v35 =	vadd.f32 v8, v7;
	v8 =	vld [tilespmem:$0x1F660]  }
0x248: {  	v6 =	vld [tilespmem:$0x1F5F0];
	_ =	sdelay $0x1  }
0x249: {  	v14 =	vld [tilespmem:$0x1F7C0]  }
0x24a: {  	v10 =	vadd.f32 v9, v29;
	v9 =	vld [tilespmem:$0x1F790]  }
0x24b: {  	v15 =	vadd.f32 v8, v51;
	v8 =	vld [tilespmem:$0x1F680]  }
0x24c: {  	v6 =	vmul.f32 v6, v6;
	v7 =	vld [tilespmem:$0x1F600]  }
0x24d: {  	v2 =	vmul.f32 v2, v2;
	v1 =	vmul.f32 v1, v1  }
0x24e: {  	v18 =	vmul.f32 v18, v18;
	v14 =	vadd.f32 v14, v30;
	v30 =	vadd.f32 v6, v33;
	v6 =	vld [tilespmem:$0x1F7E0]  }
0x24f: {  	v1 =	vadd.f32 v2, v1;
	v2 =	vmul.f32 v34, v34;
	v11 =	vadd.f32 v9, v28;
	v9 =	vld [tilespmem:$0x1F7A0]  }
0x250: {  	v25 =	vadd.f32 v18, v25;
	v18 =	vadd.f32 v8, v54;
	v8 =	vld [tilespmem:$0x1F6A0]  }
0x251: {  	v2 =	vadd.f32 v5, v2;
	v5 =	vld [tilespmem:$0x1F610];
	v7 =	vmul.f32 v7, v7;
	_ =	sdelay $0x1  }
0x252: {  	v31 =	vadd.f32 v7, v61;
	v61 =	vmul.f32 v6, v6;
	v6 =	vld [tilespmem:$0x1F810]  }
0x253: {  	v28 =	vmul.f32 v9, v9;
	v9 =	vld [tilespmem:$0x1F7B0]  }
0x254: {  	v8 =	vmul.f32 v8, v8  }
0x255: {  	v16 =	vadd.f32 v5, v52;
	v5 =	vld [tilespmem:$0x1F630]  }
0x256: {  	v33 =	vadd.f32 v8, v25;
	v25 =	vadd.f32 v61, v3;
	v3 =	vld [tilespmem:$0x1F840]  }
0x257: {  	v7 =	vadd.f32 v60, v63;
	v63 =	vmul.f32 v6, v6;
	v6 =	vadd.f32 v28, v0;
	v0 =	vld [tilespmem:$0x1F820]  }
0x258: {  	v9 =	vadd.f32 v9, v27;
	v27 =	vld [tilespmem:$0x1F7D0];
	_ =	sdelay $0x2  }
0x259: {  	v17 =	vadd.f32 v5, v53;
	v5 =	vld [tilespmem:$0x1F650]  }
0x25a: {  	v0 =	vmul.f32 v0, v0  }
0x25b: {  	v41 =	vmul.f32 v41, v41;
	v3 =	vmin.f32 v3, v16;
	v29 =	vmul.f32 v27, v27  }
0x25c: {  	v27 =	vadd.f32 v57, v37;
	v37 =	vmin.f32 v3, v30;
	v3 =	vadd.f32 v0, v43;
	v0 =	vld [tilespmem:$0x1F850];
	_ =	sdelay $0x1  }
0x25d: {  	v26 =	vadd.f32 v26, v41;
	v5 =	vmul.f32 v5, v5  }
0x25e: {  	v8 =	vadd.f32 v29, v1;
	v1 =	vld [tilespmem:$0x1F830]  }
0x25f: {  	v32 =	vadd.f32 v5, v26;
	v5 =	vld [tilespmem:$0x1F7F0]  }
0x260: {  	v0 =	vmin.f32 v0, v17  }
0x261: {  	v38 =	vmin.f32 v0, v31;
	v0 =	vld [tilespmem:$0x1F880];
	_ =	sdelay $0x1  }
0x262: {  	v1 =	vmul.f32 v1, v1  }
0x263: {  	v26 =	vmul.f32 v5, v5;
	v5 =	vld [tilespmem:$0x1F800]  }
0x264: {  	v2 =	vadd.f32 v1, v2;
	v1 =	vld [tilespmem:$0x1F860]  }
0x265: {  	v0 =	vmin.f32 v0, v19  }
0x266: {  	v41 =	vmin.f32 v0, v27;
	v0 =	vld [tilespmem:$0x1F8B0];
	_ =	sdelay $0x1  }
0x267: {  	v34 =	vadd.f32 v58, v62  }
0x268: {  	v62 =	vmul.f32 v5, v5;
	v28 =	vadd.f32 v26, v4;
	v4 =	vld [tilespmem:$0x1F870];
	v1 =	vmin.f32 v1, v15  }
0x269: {  	v39 =	vmin.f32 v1, v32;
	v1 =	vld [tilespmem:$0x1F890]  }
0x26a: {  	v29 =	vadd.f32 v62, v35;
	v35 =	vmin.f32 v0, v22;
	v0 =	vld [tilespmem:$0x1F8C0];
	_ =	sdelay $0x2  }
0x26b: {  	v4 =	vmin.f32 v4, v18  }
0x26c: {  	s11 =	sadd.s32 $0x2, s11;
	v5 =	vadd.f32 v59, v40;
	v40 =	vmin.f32 v4, v33;
	v4 =	vld [tilespmem:$0x1F8A0];
	v1 =	vmin.f32 v1, v20  }
0x26d: {  	p0 =	slt.u32 s11, $0xFE;
	v26 =	vadd.f32 v63, v42;
	v42 =	vmin.f32 v1, v34;
	v1 =	vmin.f32 v0, v23;
	v0 =	vld [tilespmem:$0x1F8D0]  }
.Ltmp1:
0x26e: {  	v52 =	vld [tilespmem:$0x1F620];
	(pc) =	sbr.rel @p0 .LBB2_5-.Ltmp1, $4  }
0x26f: {  	v51 =	vld [tilespmem:$0x1F670]  }
0x270: {  	v55 =	vld [tilespmem:$0x1F6C0]  }
0x271: {  	v53 =	vld [tilespmem:$0x1F640];
	v4 =	vmin.f32 v4, v21  }
0x272: {  	s12 =	sadd.s32 $0x20, s12;
	v54 =	vld [tilespmem:$0x1F690];
	v36 =	vmin.f32 v4, v5;
	v0 =	vmin.f32 v0, v24  }
0x273: {  	v4 =	vmin.f32 v16, v17;
	v15 =	vmin.f32 v15, v18  }
0x274: {  	v60 =	vmin.f32 v19, v20;
	v61 =	vmin.f32 v21, v22;
	v62 =	vmin.f32 v23, v24  }
0x275: {  	v63 =	vmin.f32 v12, v13;
	v43 =	vmin.f32 v10, v11;
	v44 =	vmin.f32 v9, v14  }
0x276: {  	v45 =	vmin.f32 v30, v31;
	v46 =	vmin.f32 v32, v33;
	v47 =	vmin.f32 v27, v34  }
0x277: {  	v5 =	vmin.f32 v5, v7;
	v48 =	vmin.f32 v6, v8;
	v49 =	vmin.f32 v25, v28;
	s7 =	sadd.s32 $0x20, s10  }
0x278: {  	v50 =	vmin.f32 v29, v26;
	v56 =	vmin.f32 v3, v2;
	v4 =	vmin.f32 v4, v15;
	v57 =	vld [tilespmem:s7+$0xFFFFFFF0]  }
0x279: {  	v16 =	vmin.f32 v60, v61;
	v58 =	vmin.f32 v62, v63;
	v59 =	vmin.f32 v43, v44;
	v60 =	vld [tilespmem:s7+$0x0]  }
0x27a: {  	v61 =	vmin.f32 v45, v46;
	v5 =	vmin.f32 v47, v5;
	v62 =	vmin.f32 v48, v49  }
0x27b: {  	v63 =	vmin.f32 v50, v56;
	v4 =	vmin.f32 v4, v16;
	v23 =	vmin.f32 v58, v59  }
0x27c: {  	v5 =	vmin.f32 v61, v5;
	v24 =	vmin.f32 v62, v63;
	v4 =	vmin.f32 v4, v23  }
0x27d: {  	v5 =	vmin.f32 v5, v24;
	v4 =	vmin.f32 v57, v4  }
0x27e: {  	v27 =	vmin.f32 v60, v5;
	[tilespmem:s7+$0xFFFFFFF0] =	vst v4  }
0x27f: {  	[tilespmem:s7+$0x0] =	vst v27  }
0x280: {  	[tilespmem:$0x4200] =	vst v37  }
0x281: {  	[tilespmem:$0x4210] =	vst v38  }
0x282: {  	[tilespmem:$0x4220] =	vst v39  }
0x283: {  	[tilespmem:$0x4230] =	vst v40  }
0x284: {  	[tilespmem:$0x4240] =	vst v41  }
0x285: {  	[tilespmem:$0x4250] =	vst v42  }
0x286: {  	v30 =	vmin.f32 v35, v7;
	[tilespmem:$0x4260] =	vst v36  }
0x287: {  	v1 =	vmin.f32 v1, v6;
	[tilespmem:$0x4270] =	vst v30;
	v36 =	vld [tilespmem:$0x1FFF0]  }
0x288: {  	v0 =	vmin.f32 v0, v8;
	v31 =	vmin.f32 v52, v12;
	[tilespmem:$0x4280] =	vst v1;
	v33 =	vld [tilespmem:$0x1FC90]  }
0x289: {  	v32 =	vmin.f32 v51, v13;
	v4 =	vmin.f32 v31, v25;
	[tilespmem:$0x4290] =	vst v0  }
0x28a: {  	v34 =	vmin.f32 v53, v11;
	v1 =	vmin.f32 v32, v28;
	[tilespmem:$0x42A0] =	vst v4  }
0x28b: {  	v35 =	vmin.f32 v55, v9;
	v4 =	vmin.f32 v34, v26;
	[tilespmem:$0x42B0] =	vst v1  }
0x28c: {  	v38 =	vmin.f32 v54, v14;
	v1 =	vmin.f32 v35, v3;
	[tilespmem:$0x42D0] =	vst v4;
	v37 =	vor.u32 $0x1, v36  }
0x28d: {  	v40 =	vmin.f32 v38, v2;
	[tilespmem:$0x42E0] =	vst v1;
	v0 =	vmin.f32 v33, v10;
	v39 =	vor.u32 $0x2, v36  }
0x28e: {  	[tilespmem:$0x42F0] =	vst v40;
	v41 =	vor.u32 $0x3, v36;
	v0 =	vmin.f32 v0, v29  }
0x28f: {  	v42 =	vor.u32 $0x4, v36;
	[tilespmem:$0x42C0] =	vst v0  }
0x290: {  	v43 =	vor.u32 $0x5, v36;
	v4 =	vld.idx.msk [tilespmem:v36+s3+$0x0], $0xffff  }
0x291: {  	v44 =	vor.u32 $0x6, v36;
	v0 =	vld.idx.msk [tilespmem:v37+s3+$0x0], $0xffff  }
0x292: {  	v45 =	vor.u32 $0x7, v36;
	v3 =	vld.idx.msk [tilespmem:v39+s3+$0x0], $0xffff  }
0x293: {  	v46 =	vor.u32 $0x8, v36;
	v1 =	vld.idx.msk [tilespmem:v41+s3+$0x0], $0xffff  }
0x294: {  	v47 =	vor.u32 $0x9, v36;
	v2 =	vld.idx.msk [tilespmem:v42+s3+$0x0], $0xffff  }
0x295: {  	v48 =	vor.u32 $0xA, v36;
	v5 =	vld.idx.msk [tilespmem:v43+s3+$0x0], $0xffff  }
0x296: {  	v50 =	vor.u32 $0xB, v36;
	v49 =	vld.idx.msk [tilespmem:v44+s3+$0x0], $0xffff;
	v0 =	vmin.f32 v4, v0  }
0x297: {  	v52 =	vor.u32 $0xC, v36;
	v51 =	vld.idx.msk [tilespmem:v45+s3+$0x0], $0xffff;
	v0 =	vmin.f32 v0, v3  }
0x298: {  	v54 =	vor.u32 $0xD, v36;
	v53 =	vld.idx.msk [tilespmem:v46+s3+$0x0], $0xffff;
	v0 =	vmin.f32 v0, v1  }
0x299: {  	v56 =	vor.u32 $0xE, v36;
	v55 =	vld.idx.msk [tilespmem:v47+s3+$0x0], $0xffff;
	v0 =	vmin.f32 v0, v2  }
0x29a: {  	v58 =	vor.u32 $0xF, v36;
	v57 =	vld.idx.msk [tilespmem:v48+s3+$0x0], $0xffff;
	v0 =	vmin.f32 v0, v5  }
0x29b: {  	v59 =	vld.idx.msk [tilespmem:v50+s3+$0x0], $0xffff;
	v0 =	vmin.f32 v0, v49  }
0x29c: {  	v60 =	vld.idx.msk [tilespmem:v52+s3+$0x0], $0xffff;
	v0 =	vmin.f32 v0, v51  }
0x29d: {  	v61 =	vld.idx.msk [tilespmem:v54+s3+$0x0], $0xffff;
	v0 =	vmin.f32 v0, v53  }
0x29e: {  	v62 =	vld.idx.msk [tilespmem:v56+s3+$0x0], $0xffff;
	v0 =	vmin.f32 v0, v55  }
0x29f: {  	s5 =	sadd.s32 $0x1, s5;
	v63 =	vld.idx.msk [tilespmem:v58+s3+$0x0], $0xffff;
	v0 =	vmin.f32 v0, v57  }
0x2a0: {  	p0 =	sne.s32 s5, $0x8;
	v0 =	vmin.f32 v0, v59  }
.Ltmp2:
0x2a1: {  	v0 =	vmin.f32 v0, v60;
	(pc) =	sbr.rel @p0 .LBB2_4-.Ltmp2, $4  }
0x2a2: {  	v0 =	vmin.f32 v0, v61  }
0x2a3: {  	v0 =	vmin.f32 v0, v62  }
0x2a4: {  	v0 =	vmin.f32 v0, v63  }
0x2a5: {  	[tilespmem:s6+$0x3180] =	vst v0  }
0x2a6: {  	s5 =	simm.s32 $0x0;
	s6 =	rddreg [dreg:$0x9];
	s7 =	simm.s32 $0x3180  }
0x2a7: {  	[hbm4b:s6+s5] =	stream.linear.scatter [tilespmem:s7], [sflag:$0x1], $0x80, $0x38;
	[tilespmem:$0x6400] =	vst v63  }
0x2a8: {  	_ =	swait.ge [sflag:s30], $0x80  }
0x2a9: {  	[sflag:s30] =	ssyncset.done $0x0  }
0x2aa: {  	s11 =	simm.s32 $0x3200;
	s10 =	rddreg [dreg:$0xa];
	[sflag:s30] =	ssyncadd.s32 $0xFFFFFF80  }
0x2ab: {  	[spmem:s10] =	stream.linear.scatter [tilespmem:s11], [sflag:$0x1], $0x1000, $0x38;
	[tilespmem:$0x6400] =	vst v63  }
0x2ac: {  	_ =	swait.ge [sflag:s30], $0x1000  }
0x2ad: {  	[sflag:s30] =	ssyncset.done $0x0  }
0x2ae: {  	[sflag:s30] =	ssyncadd.s32 $0xFFFFF000  }
0x2af: {  	s6 =	simm.s32 $0x4300;
	[bflag:$0x0] =	sbarrier.arrive $0xFFFF  }
0x2b0: {  	[tilespmem:s6], [sflag:$0x1] =	stream.linear.gather [spmem:s9], $0x100, $0x38;
	[tilespmem:$0x6400] =	vst v63  }
0x2b1: {  	_ =	swait.ge [sflag:s30], $0x100  }
0x2b2: {  	[sflag:s30] =	ssyncset.done $0x0  }
0x2b3: {  	s8 =	simm.s32 $0x4400;
	s12 =	rddreg [dreg:$0xb];
	[sflag:s30] =	ssyncadd.s32 $0xFFFFFF00  }
0x2b4: {  	[tilespmem:s8], [sflag:$0x1] =	stream.linear.gather [spmem:s12], $0x100, $0x38;
	[tilespmem:$0x6400] =	vst v63  }
0x2b5: {  	_ =	swait.ge [sflag:s30], $0x100  }
0x2b6: {  	[sflag:s30] =	ssyncset.done $0x0  }
0x2b7: {  	s10 =	simm.s32 $0x4500;
	[sflag:s30] =	ssyncadd.s32 $0xFFFFFF00  }
0x2b8: {  	[tilespmem:s10], [sflag:$0x1] =	stream.linear.gather [spmem:s13], $0x100, $0x38;
	[tilespmem:$0x6400] =	vst v63  }
0x2b9: {  	_ =	swait.ge [sflag:s30], $0x100  }
0x2ba: {  	[sflag:s30] =	ssyncset.done $0x0  }
0x2bb: {  	s11 =	simm.s32 $0x4600;
	[sflag:s30] =	ssyncadd.s32 $0xFFFFFF00  }
0x2bc: {  	[tilespmem:s11], [sflag:$0x1] =	stream.linear.gather [spmem:s14], $0x100, $0x38;
	[tilespmem:$0x6400] =	vst v63  }
0x2bd: {  	_ =	swait.ge [sflag:s30], $0x100  }
0x2be: {  	[sflag:s30] =	ssyncset.done $0x0  }
0x2bf: {  	s12 =	simm.s32 $0x4700;
	[sflag:s30] =	ssyncadd.s32 $0xFFFFFF00  }
0x2c0: {  	[tilespmem:s12], [sflag:$0x1] =	stream.linear.gather [spmem:s15], $0x100, $0x38;
	[tilespmem:$0x6400] =	vst v63  }
0x2c1: {  	_ =	swait.ge [sflag:s30], $0x100  }
0x2c2: {  	[sflag:s30] =	ssyncset.done $0x0  }
0x2c3: {  	s8 =	simm.s32 $0x4800;
	[sflag:s30] =	ssyncadd.s32 $0xFFFFFF00  }
0x2c4: {  	[tilespmem:s8], [sflag:$0x1] =	stream.linear.gather [spmem:s16], $0x100, $0x38;
	[tilespmem:$0x6400] =	vst v63  }
0x2c5: {  	_ =	swait.ge [sflag:s30], $0x100  }
0x2c6: {  	[sflag:s30] =	ssyncset.done $0x0  }
0x2c7: {  	s10 =	simm.s32 $0x4900;
	[sflag:s30] =	ssyncadd.s32 $0xFFFFFF00  }
0x2c8: {  	[tilespmem:s10], [sflag:$0x1] =	stream.linear.gather [spmem:s17], $0x100, $0x38;
	[tilespmem:$0x6400] =	vst v63  }
0x2c9: {  	_ =	swait.ge [sflag:s30], $0x100  }
0x2ca: {  	[sflag:s30] =	ssyncset.done $0x0  }
0x2cb: {  	s11 =	simm.s32 $0x4A00;
	[sflag:s30] =	ssyncadd.s32 $0xFFFFFF00  }
0x2cc: {  	[tilespmem:s11], [sflag:$0x1] =	stream.linear.gather [spmem:s18], $0x100, $0x38;
	[tilespmem:$0x6400] =	vst v63  }
0x2cd: {  	_ =	swait.ge [sflag:s30], $0x100  }
0x2ce: {  	[sflag:s30] =	ssyncset.done $0x0  }
0x2cf: {  	s12 =	simm.s32 $0x4B00;
	[sflag:s30] =	ssyncadd.s32 $0xFFFFFF00  }
0x2d0: {  	[tilespmem:s12], [sflag:$0x1] =	stream.linear.gather [spmem:s19], $0x100, $0x38;
	[tilespmem:$0x6400] =	vst v63  }
0x2d1: {  	_ =	swait.ge [sflag:s30], $0x100  }
0x2d2: {  	[sflag:s30] =	ssyncset.done $0x0  }
0x2d3: {  	s8 =	simm.s32 $0x4C00;
	[sflag:s30] =	ssyncadd.s32 $0xFFFFFF00  }
0x2d4: {  	[tilespmem:s8], [sflag:$0x1] =	stream.linear.gather [spmem:s20], $0x100, $0x38;
	[tilespmem:$0x6400] =	vst v63  }
0x2d5: {  	_ =	swait.ge [sflag:s30], $0x100  }
0x2d6: {  	[sflag:s30] =	ssyncset.done $0x0  }
0x2d7: {  	s10 =	simm.s32 $0x4D00;
	[sflag:s30] =	ssyncadd.s32 $0xFFFFFF00  }
0x2d8: {  	[tilespmem:s10], [sflag:$0x1] =	stream.linear.gather [spmem:s21], $0x100, $0x38;
	[tilespmem:$0x6400] =	vst v63  }
0x2d9: {  	_ =	swait.ge [sflag:s30], $0x100  }
0x2da: {  	[sflag:s30] =	ssyncset.done $0x0  }
0x2db: {  	s11 =	simm.s32 $0x4E00;
	[sflag:s30] =	ssyncadd.s32 $0xFFFFFF00  }
0x2dc: {  	[tilespmem:s11], [sflag:$0x1] =	stream.linear.gather [spmem:s22], $0x100, $0x38;
	[tilespmem:$0x6400] =	vst v63  }
0x2dd: {  	_ =	swait.ge [sflag:s30], $0x100  }
0x2de: {  	[sflag:s30] =	ssyncset.done $0x0  }
0x2df: {  	s12 =	simm.s32 $0x4F00;
	[sflag:s30] =	ssyncadd.s32 $0xFFFFFF00  }
0x2e0: {  	[tilespmem:s12], [sflag:$0x1] =	stream.linear.gather [spmem:s23], $0x100, $0x38;
	[tilespmem:$0x6400] =	vst v63  }
0x2e1: {  	_ =	swait.ge [sflag:s30], $0x100  }
0x2e2: {  	[sflag:s30] =	ssyncset.done $0x0  }
0x2e3: {  	s8 =	simm.s32 $0x5000;
	[sflag:s30] =	ssyncadd.s32 $0xFFFFFF00  }
0x2e4: {  	[tilespmem:s8], [sflag:$0x1] =	stream.linear.gather [spmem:s26], $0x100, $0x38;
	[tilespmem:$0x6400] =	vst v63  }
0x2e5: {  	_ =	swait.ge [sflag:s30], $0x100  }
0x2e6: {  	[sflag:s30] =	ssyncset.done $0x0  }
0x2e7: {  	s10 =	simm.s32 $0x5100;
	[sflag:s30] =	ssyncadd.s32 $0xFFFFFF00  }
0x2e8: {  	[tilespmem:s10], [sflag:$0x1] =	stream.linear.gather [spmem:s28], $0x100, $0x38;
	[tilespmem:$0x6400] =	vst v63  }
0x2e9: {  	_ =	swait.ge [sflag:s30], $0x100  }
0x2ea: {  	[sflag:s30] =	ssyncset.done $0x0  }
0x2eb: {  	s11 =	simm.s32 $0x5200;
	[sflag:s30] =	ssyncadd.s32 $0xFFFFFF00  }
0x2ec: {  	[tilespmem:s11], [sflag:$0x1] =	stream.linear.gather [spmem:s29], $0x100, $0x38;
	[tilespmem:$0x6400] =	vst v63  }
0x2ed: {  	_ =	swait.ge [sflag:s30], $0x100  }
0x2ee: {  	[sflag:s30] =	ssyncset.done $0x0  }
0x2ef: {  	s5 =	sand.u32 $0xF0, s5;
	[sflag:s30] =	ssyncadd.s32 $0xFFFFFF00  }
0x2f0: {  	v0 =	vld [tilespmem:s5+$0x4400]  }
0x2f1: {  	v1 =	vld [tilespmem:s6+$0x0]  }
0x2f2: {  	v2 =	vld [tilespmem:s5+$0x4500]  }
0x2f3: {  	v3 =	vld [tilespmem:s5+$0x4600]  }
0x2f4: {  	v4 =	vld [tilespmem:s5+$0x4700]  }
0x2f5: {  	v5 =	vld [tilespmem:s5+$0x4800]  }
0x2f6: {  	v0 =	vmin.f32 v1, v0;
	v1 =	vld [tilespmem:s5+$0x4900]  }
0x2f7: {  	v0 =	vmin.f32 v0, v2;
	v2 =	vld [tilespmem:s5+$0x4A00]  }
0x2f8: {  	v0 =	vmin.f32 v0, v3;
	v3 =	vld [tilespmem:s5+$0x4B00]  }
0x2f9: {  	v60 =	vld [tilespmem:s5+$0x4C00];
	v0 =	vmin.f32 v0, v4  }
0x2fa: {  	v61 =	vld [tilespmem:s5+$0x4D00];
	v0 =	vmin.f32 v0, v5  }
0x2fb: {  	v0 =	vmin.f32 v0, v1;
	v1 =	vld [tilespmem:s5+$0x4E00]  }
0x2fc: {  	v0 =	vmin.f32 v0, v2;
	v2 =	vld [tilespmem:s5+$0x4F00]  }
0x2fd: {  	v0 =	vmin.f32 v0, v3;
	v3 =	vld [tilespmem:s5+$0x5000]  }
0x2fe: {  	v62 =	vld [tilespmem:s5+$0x5100];
	v0 =	vmin.f32 v0, v60  }
0x2ff: {  	v63 =	vld [tilespmem:s5+$0x5200];
	v0 =	vmin.f32 v0, v61  }
0x300: {  	v0 =	vmin.f32 v0, v1  }
0x301: {  	v0 =	vmin.f32 v0, v2  }
0x302: {  	v0 =	vmin.f32 v0, v3  }
0x303: {  	v0 =	vmin.f32 v0, v62  }
0x304: {  	s12 =	simm.s32 $0x10;
	s5 =	simm.s32 $0x5300;
	v0 =	vmin.f32 v0, v63  }
0x305: {  	s6 =	sand.u32 $0xF0, s12;
	[tilespmem:s5+$0x0] =	vst v0  }
0x306: {  	s7 =	simm.s32 $0x4310;
	s8 =	simm.s32 $0x20;
	v0 =	vld [tilespmem:s6+$0x4400]  }
.LBB2_8:
0x307: {  	p0 =	sne.s32 s8, $0xF0;
	v1 =	vld [tilespmem:s7+$0x0]  }
0x308: {  	v2 =	vld [tilespmem:s6+$0x4500]  }
0x309: {  	v3 =	vld [tilespmem:s6+$0x4600]  }
0x30a: {  	v4 =	vld [tilespmem:s6+$0x4700]  }
0x30b: {  	v5 =	vld [tilespmem:s6+$0x4800]  }
0x30c: {  	v0 =	vmin.f32 v1, v0;
	v1 =	vld [tilespmem:s6+$0x4900]  }
0x30d: {  	v0 =	vmin.f32 v0, v2;
	v2 =	vld [tilespmem:s6+$0x4A00]  }
0x30e: {  	v0 =	vmin.f32 v0, v3;
	v3 =	vld [tilespmem:s6+$0x4B00]  }
0x30f: {  	v0 =	vmin.f32 v0, v4;
	v4 =	vld [tilespmem:s6+$0x4C00]  }
0x310: {  	v0 =	vmin.f32 v0, v5;
	v5 =	vld [tilespmem:s6+$0x4D00]  }
0x311: {  	v0 =	vmin.f32 v0, v1;
	v1 =	vld [tilespmem:s6+$0x4E00]  }
0x312: {  	v0 =	vmin.f32 v0, v2;
	v2 =	vld [tilespmem:s6+$0x4F00]  }
0x313: {  	v0 =	vmin.f32 v0, v3;
	v3 =	vld [tilespmem:s6+$0x5000]  }
0x314: {  	v0 =	vmin.f32 v0, v4;
	v4 =	vld [tilespmem:s6+$0x5100]  }
0x315: {  	v0 =	vmin.f32 v0, v5;
	v5 =	vld [tilespmem:s6+$0x5200]  }
0x316: {  	v0 =	vmin.f32 v0, v1  }
0x317: {  	v0 =	vmin.f32 v0, v2  }
.Ltmp3:
0x318: {  	v0 =	vmin.f32 v0, v3;
	(pc) =	sbr.rel @p0 .LBB2_8-.Ltmp3, $4  }
0x319: {  	v0 =	vmin.f32 v0, v4  }
0x31a: {  	s5 =	sadd.s32 $0x10, s5;
	v0 =	vmin.f32 v0, v5  }
0x31b: {  	s6 =	sand.u32 $0xF0, s8;
	[tilespmem:s5+$0x0] =	vst v0  }
0x31c: {  	s7 =	sadd.s32 $0x10, s7;
	s8 =	sadd.s32 $0x10, s8;
	v0 =	vld [tilespmem:s6+$0x4400]  }
0x31d: {  	v1 =	vld [tilespmem:s7+$0x0]  }
0x31e: {  	v2 =	vld [tilespmem:s6+$0x4500]  }
0x31f: {  	v3 =	vld [tilespmem:s6+$0x4600]  }
0x320: {  	v4 =	vld [tilespmem:s6+$0x4700]  }
0x321: {  	v5 =	vld [tilespmem:s6+$0x4800]  }
0x322: {  	v0 =	vmin.f32 v1, v0;
	v1 =	vld [tilespmem:s6+$0x4900]  }
0x323: {  	v0 =	vmin.f32 v0, v2;
	v2 =	vld [tilespmem:s6+$0x4A00]  }
0x324: {  	v0 =	vmin.f32 v0, v3;
	v3 =	vld [tilespmem:s6+$0x4B00]  }
0x325: {  	v60 =	vld [tilespmem:s6+$0x4C00];
	v0 =	vmin.f32 v0, v4  }
0x326: {  	v61 =	vld [tilespmem:s6+$0x4D00];
	v0 =	vmin.f32 v0, v5  }
0x327: {  	v0 =	vmin.f32 v0, v1;
	v1 =	vld [tilespmem:s6+$0x4E00]  }
0x328: {  	v0 =	vmin.f32 v0, v2;
	v2 =	vld [tilespmem:s6+$0x4F00]  }
0x329: {  	v0 =	vmin.f32 v0, v3;
	v3 =	vld [tilespmem:s6+$0x5000]  }
0x32a: {  	v62 =	vld [tilespmem:s6+$0x5100];
	v0 =	vmin.f32 v0, v60  }
0x32b: {  	v63 =	vld [tilespmem:s6+$0x5200];
	v0 =	vmin.f32 v0, v61  }
0x32c: {  	v0 =	vmin.f32 v0, v1  }
0x32d: {  	v0 =	vmin.f32 v0, v2  }
0x32e: {  	v0 =	vmin.f32 v0, v3  }
0x32f: {  	s1 =	sadd.s32 $0x1, s1;
	v0 =	vmin.f32 v0, v62  }
0x330: {  	s5 =	sadd.s32 $0x10, s5;
	p0 =	sne.s32 s1, s25;
	v0 =	vmin.f32 v0, v63  }
.Ltmp4:
0x331: {  	s12 =	simm.s32 $0x5300;
	[tilespmem:s5+$0x0] =	vst v0;
	(pc) =	sbr.rel @p0 .LBB2_1-.Ltmp4, $4  }
0x332: {  	[hbm4b:s24+s2] =	stream.linear.scatter [tilespmem:s12], [sflag:$0x1], $0x100, $0x38;
	[tilespmem:$0x6400] =	vst v63  }
0x333: {  	_ =	swait.ge [sflag:s30], $0x100  }
0x334: {  	[sflag:s30] =	ssyncset.done $0x0  }
0x335: {  	v1 =	vimm.f32 $3.000000010e+38;
	[sflag:s30] =	ssyncadd.s32 $0xFFFFFF00  }
0x336: {  	_ =	sfence.sel $0x180000  }
0x337: {  	[bflag:$0x0] =	sbarrier.arrive $0xFFFF  }
0x338: {  	_ =	strace $0x90000047  }
0x339: {  	s0 =	stileid.u32;
	[bflag:$0x2] =	sbarrier.arrive $0xFFFF  }
0x33a: {  	p0 =	sne.s32 s0, $0x0;
	s0 =	rddreg [dreg:$0x4]  }
0x33b: {  	s0 =	sadd.s32 @!p0 $0x100000, s0  }
0x33c: {  	[sflag:s0] =	ssyncadd.tile.s32 @!p0 $0x1;
	_ =	shalt  }
.Lfunc_end2:
_tile_overlayer_lowered:
.L_overlay_start_2:
0x33d: {  	(tag) =	ssettag $0x2  }
0x33e: {  	s0 =	rddreg [dreg:$0x0];
	s2 =	stileid.u32  }
0x33f: {  	s1 =	rddreg [dreg:$0x1];
	p0 =	sne.s32 s2, $0x0  }
0x340: {  	s3 =	rddreg [dreg:$0x2];
	[bflag:$0x3] =	sbarrier.arrive $0xFFFF;
	s2 =	simm.s32 @!p0 $0x1C01  }
0x341: {  	[timem:s3], [sflag:s2] =	dma.local @!p0 [hbm:s0], s1  }
0x342: {  	s0 =	simm.s32 @!p0 $0x1  }
0x343: {  	_ =	swait.ge @!p0 [sflag:s0], s1  }
0x344: {  	s1 =	ssub.s32 @!p0 $0x0, s1;
	[sflag:s0] =	ssyncset.done @!p0 $0x0  }
0x345: {  	[sflag:s0] =	ssyncadd.s32 @!p0 s1  }
0x346: {  	[bflag:$0x3] =	sbarrier.arrive $0xFFFF  }
0x347: {  	_ =	shalt  }

</sc_bundles>
